<compile_context>
chip_gen: v7x
topology: tpu7x:2x2x1
jax: 0.10.2.dev20260603
libtpu: 0.0.44.dev20260713+nightly
codegen_flags: <defaults>
</compile_context>

<pallas_src>
import functools

import jax
import jax.numpy as jnp
from jax import lax
from jax.experimental import pallas as pl
from jax.experimental.pallas import tpu as pltpu
from jax.experimental.pallas import tpu_sc as plsc

N = 10000
E = 320000
IN1 = 128
IN2 = 144
HID = 128

NPAD = 10240
NC, NS = 2, 16
NWORK = NC * NS
CHUNK = 128
CHUNKS_E = E // CHUNK
EPT_CHUNKS = 80
TOTAL_CHUNKS = NWORK * EPT_CHUNKS
IDX_PHASE = 40
ROWS_PER_TILE = NPAD // NS
BLK = 1024
DEGW = 128

@functools.lru_cache(maxsize=None)
def _mesh():
    return plsc.VectorSubcoreMesh(
        core_axis_name="c", subcore_axis_name="s",
        num_cores=NC, num_subcores=NS)


def _sc_degree(dst2d, zeros_nh, ones_cd):
    @functools.partial(
        pl.kernel,
        out_type=jax.ShapeDtypeStruct((NC, NPAD, DEGW), jnp.float32),
        mesh=_mesh(),
        scratch_types=[
            pltpu.VMEM_SHARED((NPAD, DEGW), jnp.float32),
            pltpu.VMEM((EPT_CHUNKS, CHUNK), jnp.int32),
            pltpu.VMEM((CHUNK, DEGW), jnp.float32),
        ],
    )
    def deg_kernel(dst_hbm, zeros_hbm, ones_hbm, out_hbm, deg_sp, idx_v, ones_v):
        c = lax.axis_index("c")
        s = lax.axis_index("s")
        t = c * NS + s
        r0 = s * ROWS_PER_TILE
        pltpu.sync_copy(zeros_hbm.at[pl.ds(r0, ROWS_PER_TILE)],
                        deg_sp.at[pl.ds(r0, ROWS_PER_TILE)])
        pltpu.sync_copy(ones_hbm, ones_v)
        pltpu.sync_copy(dst_hbm.at[pl.ds(t * EPT_CHUNKS, EPT_CHUNKS)], idx_v)
        plsc.subcore_barrier()

        def body(k, carry):
            pltpu.sync_copy(ones_v, deg_sp.at[idx_v.at[k]], add=True)
            return carry

        lax.fori_loop(0, EPT_CHUNKS, body, 0)
        plsc.subcore_barrier()
        pltpu.sync_copy(deg_sp.at[pl.ds(r0, ROWS_PER_TILE)],
                        out_hbm.at[c, pl.ds(r0, ROWS_PER_TILE)])

    return deg_kernel(dst2d, zeros_nh, ones_cd)


def _sc_conv(hws, src2d, dst2d, zeros_nh):
    @functools.partial(
        pl.kernel,
        out_type=jax.ShapeDtypeStruct((NC, NPAD, HID), jnp.float32),
        mesh=_mesh(),
        scratch_types=[
            pltpu.VMEM_SHARED((NPAD, HID), jnp.float32),
            pltpu.VMEM((IDX_PHASE, CHUNK), jnp.int32),
            pltpu.VMEM((IDX_PHASE, CHUNK), jnp.int32),
            pltpu.VMEM((CHUNK, HID), jnp.float32),
            pltpu.VMEM((CHUNK, HID), jnp.float32),
            pltpu.SemaphoreType.DMA,
            pltpu.SemaphoreType.DMA,
        ],
    )
    def conv_kernel(hws_hbm, src_hbm, dst_hbm, zeros_hbm, out_hbm,
                    acc_sp, sidx_v, didx_v, rows_a, rows_b, ga, gb):
        c = lax.axis_index("c")
        s = lax.axis_index("s")
        t = c * NS + s
        r0 = s * ROWS_PER_TILE
        pltpu.sync_copy(zeros_hbm.at[pl.ds(r0, ROWS_PER_TILE)],
                        acc_sp.at[pl.ds(r0, ROWS_PER_TILE)])
        plsc.subcore_barrier()

        def gather(k, buf, sem):
            pltpu.async_copy(hws_hbm.at[sidx_v.at[k]], buf, sem)

        def wait(buf, sem):
            pltpu.make_async_copy(hws_hbm.at[pl.ds(0, CHUNK)], buf, sem).wait()

        def scatter(k, buf):
            pltpu.sync_copy(buf, acc_sp.at[didx_v.at[k]], add=True)

        def pipeline(base, count):
            pltpu.sync_copy(src_hbm.at[pl.ds(base, count)],
                            sidx_v.at[pl.ds(0, count)])
            pltpu.sync_copy(dst_hbm.at[pl.ds(base, count)],
                            didx_v.at[pl.ds(0, count)])
            gather(0, rows_a, ga)

            def body(j, carry):
                k = 2 * j
                wait(rows_a, ga)
                gather(k + 1, rows_b, gb)
                scatter(k, rows_a)
                wait(rows_b, gb)
                gather(k + 2, rows_a, ga)
                scatter(k + 1, rows_b)
                return carry

            lax.fori_loop(0, count // 2 - 1, body, 0)
            wait(rows_a, ga)
            gather(count - 1, rows_b, gb)
            scatter(count - 2, rows_a)
            wait(rows_b, gb)
            scatter(count - 1, rows_b)

        for phase in range(EPT_CHUNKS // IDX_PHASE):
            pipeline(t * EPT_CHUNKS + phase * IDX_PHASE, IDX_PHASE)

        plsc.subcore_barrier()
        pltpu.sync_copy(acc_sp.at[pl.ds(r0, ROWS_PER_TILE)],
                        out_hbm.at[c, pl.ds(r0, ROWS_PER_TILE)])

    return conv_kernel(hws, src2d, dst2d, zeros_nh)


def _tc_pack(src_e, dst_e):
    PADC = TOTAL_CHUNKS - CHUNKS_E

    def body(s_ref, d_ref, so_ref, do_ref, z_ref, o_ref):
        flat = (lax.broadcasted_iota(jnp.int32, (PADC, CHUNK), 0) * CHUNK
                + lax.broadcasted_iota(jnp.int32, (PADC, CHUNK), 1))
        so_ref[...] = jnp.concatenate([s_ref[...], flat % N], axis=0)
        do_ref[...] = jnp.concatenate([d_ref[...], N + flat % (NPAD - N)],
                                      axis=0)
        z_ref[...] = jnp.zeros((NPAD, HID), jnp.float32)
        o_ref[...] = jnp.ones((CHUNK, DEGW), jnp.float32)

    return pl.pallas_call(
        body,
        in_specs=[
            pl.BlockSpec((CHUNKS_E, CHUNK), lambda: (0, 0)),
            pl.BlockSpec((CHUNKS_E, CHUNK), lambda: (0, 0)),
        ],
        out_specs=[
            pl.BlockSpec((TOTAL_CHUNKS, CHUNK), lambda: (0, 0)),
            pl.BlockSpec((TOTAL_CHUNKS, CHUNK), lambda: (0, 0)),
            pl.BlockSpec((NPAD, HID), lambda: (0, 0)),
            pl.BlockSpec((CHUNK, DEGW), lambda: (0, 0)),
        ],
        out_shape=[
            jax.ShapeDtypeStruct((TOTAL_CHUNKS, CHUNK), jnp.int32),
            jax.ShapeDtypeStruct((TOTAL_CHUNKS, CHUNK), jnp.int32),
            jax.ShapeDtypeStruct((NPAD, HID), jnp.float32),
            jax.ShapeDtypeStruct((CHUNK, DEGW), jnp.float32),
        ],
    )(src_e, dst_e)


def _tc_stage1(x, degp, w1, b1, w2, b2, g1w):
    BLKF = 1000

    def body(x_ref, dg_ref, w1_ref, b1_ref, w2_ref, b2_ref, g_ref,
             hws_ref, dinv_ref):
        xb = x_ref[...]
        d = 1.0 + dg_ref[0][:, :1] + dg_ref[1][:, :1]
        dinv = lax.rsqrt(d)
        t = jnp.maximum(
            jnp.dot(xb[:, :IN1], w1_ref[...], preferred_element_type=jnp.float32)
            + b1_ref[...], 0.0)
        t = jnp.maximum(
            jnp.dot(t, w2_ref[...], preferred_element_type=jnp.float32)
            + b2_ref[...], 0.0)
        g = g_ref[...]
        hw = (jnp.dot(t, g[:IN1], preferred_element_type=jnp.float32)
              + jnp.dot(xb[:, IN1:], g[IN1:], preferred_element_type=jnp.float32))
        hws_ref[...] = hw * dinv
        dinv_ref[...] = jnp.broadcast_to(dinv, (BLKF, 8))

    return pl.pallas_call(
        body,
        grid=(N // BLKF,),
        in_specs=[
            pl.BlockSpec((BLKF, IN2), lambda i: (i, 0)),
            pl.BlockSpec((NC, BLKF, DEGW), lambda i: (0, i, 0)),
            pl.BlockSpec((IN1, HID), lambda i: (0, 0)),
            pl.BlockSpec((1, HID), lambda i: (0, 0)),
            pl.BlockSpec((HID, HID), lambda i: (0, 0)),
            pl.BlockSpec((1, HID), lambda i: (0, 0)),
            pl.BlockSpec((IN2, HID), lambda i: (0, 0)),
        ],
        out_specs=[
            pl.BlockSpec((BLKF, HID), lambda i: (i, 0)),
            pl.BlockSpec((BLKF, 8), lambda i: (i, 0)),
        ],
        out_shape=[
            jax.ShapeDtypeStruct((NPAD, HID), jnp.float32),
            jax.ShapeDtypeStruct((NPAD, 8), jnp.float32),
        ],
    )(x, degp, w1, b1, w2, b2, g1w)


def _tc_mid(acc, hws, dinv8, w, b):
    BLKF = 1000

    def body(acc_ref, hws_ref, dinv_ref, w_ref, b_ref, out_ref):
        dinv = dinv_ref[...][:, :1]
        h = jnp.maximum(
            dinv * (acc_ref[0] + acc_ref[1] + hws_ref[...]) + b_ref[...], 0.0)
        out_ref[...] = jnp.dot(
            h, w_ref[...], preferred_element_type=jnp.float32) * dinv

    return pl.pallas_call(
        body,
        grid=(N // BLKF,),
        in_specs=[
            pl.BlockSpec((NC, BLKF, HID), lambda i: (0, i, 0)),
            pl.BlockSpec((BLKF, HID), lambda i: (i, 0)),
            pl.BlockSpec((BLKF, 8), lambda i: (i, 0)),
            pl.BlockSpec((HID, HID), lambda i: (0, 0)),
            pl.BlockSpec((1, HID), lambda i: (0, 0)),
        ],
        out_specs=pl.BlockSpec((BLKF, HID), lambda i: (i, 0)),
        out_shape=jax.ShapeDtypeStruct((NPAD, HID), jnp.float32),
    )(acc, hws, dinv8, w, b)


def _tc_final(acc, hws, dinv8, b):
    BLKF = 1000

    def body(acc_ref, hws_ref, dinv_ref, b_ref, out_ref):
        dinv = dinv_ref[...][:, :1]
        out_ref[...] = (
            dinv * (acc_ref[0] + acc_ref[1] + hws_ref[...]) + b_ref[...])

    return pl.pallas_call(
        body,
        grid=(N // BLKF,),
        in_specs=[
            pl.BlockSpec((NC, BLKF, HID), lambda i: (0, i, 0)),
            pl.BlockSpec((BLKF, HID), lambda i: (i, 0)),
            pl.BlockSpec((BLKF, 8), lambda i: (i, 0)),
            pl.BlockSpec((1, HID), lambda i: (0, 0)),
        ],
        out_specs=pl.BlockSpec((BLKF, HID), lambda i: (i, 0)),
        out_shape=jax.ShapeDtypeStruct((N, HID), jnp.float32),
    )(acc, hws, dinv8, b)


def kernel(x, edge_index, enc_W1, enc_b1, enc_W2, enc_b2,
           g1_W, g1_b, g2_W, g2_b, g3_W, g3_b):
    src2d, dst2d, zeros_nh, ones_cd = _tc_pack(
        edge_index[0].astype(jnp.int32).reshape(CHUNKS_E, CHUNK),
        edge_index[1].astype(jnp.int32).reshape(CHUNKS_E, CHUNK))
    degp = _sc_degree(dst2d, zeros_nh, ones_cd)
    hws1, dinv8 = _tc_stage1(
        x, degp, enc_W1, enc_b1.reshape(1, -1),
        enc_W2, enc_b2.reshape(1, -1), g1_W)
    acc1 = _sc_conv(hws1, src2d, dst2d, zeros_nh)
    hws2 = _tc_mid(acc1, hws1, dinv8, g2_W, g1_b.reshape(1, -1))
    acc2 = _sc_conv(hws2, src2d, dst2d, zeros_nh)
    hws3 = _tc_mid(acc2, hws2, dinv8, g3_W, g2_b.reshape(1, -1))
    acc3 = _sc_conv(hws3, src2d, dst2d, zeros_nh)
    return _tc_final(acc3, hws3, dinv8, g3_b.reshape(1, -1))

# --- scband reference (transcript-rebuilt; emitter-appended) ---
"""Pipeline reference for scband-pggcn-73624329388272 (READ-ONLY COPY).

The authoritative reference and input builder live on the scoring server;
editing this copy changes nothing except your own understanding.
"""

import jax, jax.numpy as jnp
import numpy as np

N = 10000
E = 320000
IN1 = 128
IN2 = 144
HID = 128
OUT = 128

def _gcn_conv(h, src, dst, W, b, num_nodes):
    # src/dst already include self-loops
    deg = jnp.zeros((num_nodes,), h.dtype).at[dst].add(1.0)
    dinv = jnp.where(deg > 0, jax.lax.rsqrt(deg), 0.0)
    norm = dinv[src] * dinv[dst]
    hw = h @ W
    msgs = hw[src] * norm[:, None]
    out = jax.ops.segment_sum(msgs, dst, num_segments=num_nodes)
    return out + b

def setup_inputs(seed: int = 0) -> dict:
    key = jax.random.key(seed)
    ks = jax.random.split(key, 12)
    x = jax.random.normal(ks[0], (N, IN2), dtype=jnp.float32)
    edge_index = jax.random.randint(ks[1], (2, E), 0, N)
    s1 = 1.0 / np.sqrt(IN1)
    s2 = 1.0 / np.sqrt(HID)
    sg1 = 1.0 / np.sqrt(IN2)
    return {
        "x": x,
        "edge_index": edge_index,
        "enc_W1": jax.random.normal(ks[2], (IN1, HID), jnp.float32) * s1,
        "enc_b1": jnp.zeros((HID,), jnp.float32),
        "enc_W2": jax.random.normal(ks[3], (HID, OUT), jnp.float32) * s2,
        "enc_b2": jnp.zeros((OUT,), jnp.float32),
        "g1_W": jax.random.normal(ks[4], (IN2, HID), jnp.float32) * sg1,
        "g1_b": jnp.zeros((HID,), jnp.float32),
        "g2_W": jax.random.normal(ks[5], (HID, HID), jnp.float32) * s2,
        "g2_b": jnp.zeros((HID,), jnp.float32),
        "g3_W": jax.random.normal(ks[6], (HID, OUT), jnp.float32) * s2,
        "g3_b": jnp.zeros((OUT,), jnp.float32),
    }

def reference(x, edge_index, enc_W1, enc_b1, enc_W2, enc_b2, g1_W, g1_b, g2_W, g2_b, g3_W, g3_b):
    # encoder on first input_dim1 columns
    temp = jax.nn.relu(x[:, :IN1] @ enc_W1 + enc_b1)
    temp = jax.nn.relu(temp @ enc_W2 + enc_b2)
    h = jnp.concatenate([temp, x[:, IN1:]], axis=1)
    # add self-loops once (GCNConv default add_self_loops=True)
    loop = jnp.arange(N, dtype=edge_index.dtype)
    src = jnp.concatenate([edge_index[0], loop])
    dst = jnp.concatenate([edge_index[1], loop])
    h = jax.nn.relu(_gcn_conv(h, src, dst, g1_W, g1_b, N))
    h = jax.nn.relu(_gcn_conv(h, src, dst, g2_W, g2_b, N))
    h = _gcn_conv(h, src, dst, g3_W, g3_b, N)
    return h

if __name__ == "__main__":
    import jax
    _d = setup_inputs()
    print(jax.jit(kernel)(*tuple(_d.values())))

</pallas_src>

<mosaic_0001>
#map = affine_map<(d0, d1) -> (0, 0)>
#map1 = affine_map<(d0, d1) -> (0, 0, 0)>
module attributes {stable_mosaic.version = 14 : i64} {
  func.func @deg_kernel(%arg0: i32, %arg1: i32, %arg2: memref<2560x128xi32, #tpu.memory_space<hbm>>, %arg3: memref<10240x128xf32, #tpu.memory_space<hbm>>, %arg4: memref<128x128xf32, #tpu.memory_space<hbm>>, %arg5: memref<2x10240x128xf32, #tpu.memory_space<hbm>>, %arg6: memref<10240x128xf32, #tpu.memory_space<vmem_shared>>, %arg7: memref<80x128xi32, #tpu.memory_space<vmem>>, %arg8: memref<128x128xf32, #tpu.memory_space<vmem>>) attributes {dimension_semantics = [#tpu.dimension_semantics<core_parallel>, #tpu.dimension_semantics<subcore_parallel>], iteration_bounds = array<i64: 2, 16>, scalar_prefetch = 0 : i64, scratch_operands = 3 : i64, tpu.core_type = #tpu.core_type<sc_vector_subcore>, window_params = [{transform_indices = #map}, {transform_indices = #map}, {transform_indices = #map}, {transform_indices = #map1}]} {
    %mul3A = arith.constant 16 : i32
    %mul3A_0 = arith.muli %arg0, %mul3A : i32
    %add3A = arith.addi %mul3A_0, %arg1 : i32
    %mul3A_1 = arith.constant 640 : i32
    %mul3A_2 = arith.muli %arg1, %mul3A_1 : i32
    "tpu.region"() ({
      %run_scoped3A = tpu.sem_alloc : memref<!tpu.dma_semaphore, #tpu.memory_space<semaphore_mem>>
      %dma_start3A = arith.constant 0 : i32
      %dma_start3A_11 = tpu.memref_slice %arg6[%mul3A_2, %dma_start3A] : memref<10240x128xf32, #tpu.memory_space<vmem_shared>> -> memref<640x128xf32, #tpu.memory_space<vmem_shared>>
      %dma_start3A_12 = arith.constant 0 : i32
      %dma_start3A_13 = tpu.memref_slice %arg3[%mul3A_2, %dma_start3A_12] : memref<10240x128xf32, #tpu.memory_space<hbm>> -> memref<640x128xf32, #tpu.memory_space<hbm>>
      tpu.enqueue_dma source(%dma_start3A_13 : memref<640x128xf32, #tpu.memory_space<hbm>>) target(%dma_start3A_11 : memref<640x128xf32, #tpu.memory_space<vmem_shared>>) target_semaphore(%run_scoped3A : memref<!tpu.dma_semaphore, #tpu.memory_space<semaphore_mem>>)
      %dma_wait3A = arith.constant 0 : i32
      %dma_wait3A_14 = tpu.memref_slice %arg6[%mul3A_2, %dma_wait3A] : memref<10240x128xf32, #tpu.memory_space<vmem_shared>> -> memref<640x128xf32, #tpu.memory_space<vmem_shared>>
      %dma_wait3A_15 = arith.constant 0 : i32
      %dma_wait3A_16 = tpu.memref_slice %arg3[%mul3A_2, %dma_wait3A_15] : memref<10240x128xf32, #tpu.memory_space<hbm>> -> memref<640x128xf32, #tpu.memory_space<hbm>>
      tpu.wait_dma2 semaphore(%run_scoped3A : memref<!tpu.dma_semaphore, #tpu.memory_space<semaphore_mem>>) src(%dma_wait3A_16 : memref<640x128xf32, #tpu.memory_space<hbm>>) dst(%dma_wait3A_14 : memref<640x128xf32, #tpu.memory_space<vmem_shared>>)
      tpu.yield
    }) : () -> ()
    "tpu.region"() ({
      %run_scoped3A = tpu.sem_alloc : memref<!tpu.dma_semaphore, #tpu.memory_space<semaphore_mem>>
      tpu.enqueue_dma source(%arg4 : memref<128x128xf32, #tpu.memory_space<hbm>>) target(%arg8 : memref<128x128xf32, #tpu.memory_space<vmem>>) target_semaphore(%run_scoped3A : memref<!tpu.dma_semaphore, #tpu.memory_space<semaphore_mem>>)
      tpu.wait_dma2 semaphore(%run_scoped3A : memref<!tpu.dma_semaphore, #tpu.memory_space<semaphore_mem>>) src(%arg4 : memref<128x128xf32, #tpu.memory_space<hbm>>) dst(%arg8 : memref<128x128xf32, #tpu.memory_space<vmem>>)
      tpu.yield
    }) : () -> ()
    %mul3A_3 = arith.constant 80 : i32
    %mul3A_4 = arith.muli %add3A, %mul3A_3 : i32
    "tpu.region"() ({
      %run_scoped3A = tpu.sem_alloc : memref<!tpu.dma_semaphore, #tpu.memory_space<semaphore_mem>>
      %dma_start3A = arith.constant 0 : i32
      %dma_start3A_11 = tpu.memref_slice %arg2[%mul3A_4, %dma_start3A] : memref<2560x128xi32, #tpu.memory_space<hbm>> -> memref<80x128xi32, #tpu.memory_space<hbm>>
      %dma_start3A_12 = arith.constant 0 : i32
      %dma_start3A_13 = tpu.memref_slice %arg2[%mul3A_4, %dma_start3A_12] : memref<2560x128xi32, #tpu.memory_space<hbm>> -> memref<80x128xi32, #tpu.memory_space<hbm>>
      tpu.enqueue_dma source(%dma_start3A_13 : memref<80x128xi32, #tpu.memory_space<hbm>>) target(%arg7 : memref<80x128xi32, #tpu.memory_space<vmem>>) target_semaphore(%run_scoped3A : memref<!tpu.dma_semaphore, #tpu.memory_space<semaphore_mem>>)
      %dma_wait3A = arith.constant 0 : i32
      %dma_wait3A_14 = tpu.memref_slice %arg2[%mul3A_4, %dma_wait3A] : memref<2560x128xi32, #tpu.memory_space<hbm>> -> memref<80x128xi32, #tpu.memory_space<hbm>>
      %dma_wait3A_15 = arith.constant 0 : i32
      %dma_wait3A_16 = tpu.memref_slice %arg2[%mul3A_4, %dma_wait3A_15] : memref<2560x128xi32, #tpu.memory_space<hbm>> -> memref<80x128xi32, #tpu.memory_space<hbm>>
      tpu.wait_dma2 semaphore(%run_scoped3A : memref<!tpu.dma_semaphore, #tpu.memory_space<semaphore_mem>>) src(%dma_wait3A_16 : memref<80x128xi32, #tpu.memory_space<hbm>>) dst(%arg7 : memref<80x128xi32, #tpu.memory_space<vmem>>)
      tpu.yield
    }) : () -> ()
    %barrier3A = arith.constant 0 : index
    tpu.barrier barrier_id(%barrier3A)
    %scan3A = arith.constant 0 : i32
    %scan3A_5 = arith.constant 0 : i32
    %scan3A_6 = arith.constant 80 : i32
    %scan3A_7 = arith.addi %scan3A_5, %scan3A_6 : i32
    %scan3A_8 = arith.constant 1 : i32
    scf.for %scan3A_11 = %scan3A_5 to %scan3A_7 step %scan3A_8  : i32 {
      "tpu.region"() ({
        %run_scoped3A = tpu.sem_alloc : memref<!tpu.dma_semaphore, #tpu.memory_space<semaphore_mem>>
        %dma_start3A = arith.constant 0 : i32
        %dma_start3A_12 = tpu.memref_slice %arg7[%scan3A_11, %dma_start3A] : memref<80x128xi32, #tpu.memory_space<vmem>> -> memref<1x128xi32, #tpu.memory_space<vmem>>
        %dma_start3A_13 = tpu.memref_squeeze %dma_start3A_12 : memref<1x128xi32, #tpu.memory_space<vmem>> -> memref<128xi32, #tpu.memory_space<vmem>>
        %dma_start3A_14 = arith.constant 0 : i32
        %dma_start3A_15 = arith.constant 0 : i32
        %dma_start3A_16 = tpu.memref_slice %arg6[%dma_start3A_14, %dma_start3A_15] : memref<10240x128xf32, #tpu.memory_space<vmem_shared>> -> memref<10240x128xf32, #tpu.memory_space<vmem_shared>>
        tpu.enqueue_indirect_dma source(%arg8 : memref<128x128xf32, #tpu.memory_space<vmem>>) target(%dma_start3A_16 : memref<10240x128xf32, #tpu.memory_space<vmem_shared>>) offsets(%dma_start3A_13 : memref<128xi32, #tpu.memory_space<vmem>>) semaphore(%run_scoped3A : memref<!tpu.dma_semaphore, #tpu.memory_space<semaphore_mem>>) {add = true}
        %dma_wait3A = arith.constant 0 : i32
        %dma_wait3A_17 = tpu.memref_slice %arg7[%scan3A_11, %dma_wait3A] : memref<80x128xi32, #tpu.memory_space<vmem>> -> memref<1x128xi32, #tpu.memory_space<vmem>>
        %dma_wait3A_18 = tpu.memref_squeeze %dma_wait3A_17 : memref<1x128xi32, #tpu.memory_space<vmem>> -> memref<128xi32, #tpu.memory_space<vmem>>
        %dma_wait3A_19 = arith.constant 0 : i32
        %dma_wait3A_20 = arith.constant 0 : i32
        %dma_wait3A_21 = tpu.memref_slice %arg6[%dma_wait3A_19, %dma_wait3A_20] : memref<10240x128xf32, #tpu.memory_space<vmem_shared>> -> memref<10240x128xf32, #tpu.memory_space<vmem_shared>>
        tpu.wait_indirect_dma semaphore(%run_scoped3A : memref<!tpu.dma_semaphore, #tpu.memory_space<semaphore_mem>>) src(%arg8 : memref<128x128xf32, #tpu.memory_space<vmem>>) dst(%dma_wait3A_21 : memref<10240x128xf32, #tpu.memory_space<vmem_shared>>)
        tpu.yield
      }) : () -> ()
    }
    %scan3A_9 = arith.constant 80 : i32
    %barrier3A_10 = arith.constant 0 : index
    tpu.barrier barrier_id(%barrier3A_10)
    "tpu.region"() ({
      %run_scoped3A = tpu.sem_alloc : memref<!tpu.dma_semaphore, #tpu.memory_space<semaphore_mem>>
      %dma_start3A = arith.constant 0 : i32
      %dma_start3A_11 = tpu.memref_slice %arg5[%arg0, %mul3A_2, %dma_start3A] : memref<2x10240x128xf32, #tpu.memory_space<hbm>> -> memref<1x640x128xf32, #tpu.memory_space<hbm>>
      %dma_start3A_12 = tpu.memref_squeeze %dma_start3A_11 : memref<1x640x128xf32, #tpu.memory_space<hbm>> -> memref<640x128xf32, #tpu.memory_space<hbm>>
      %dma_start3A_13 = arith.constant 0 : i32
      %dma_start3A_14 = tpu.memref_slice %arg6[%mul3A_2, %dma_start3A_13] : memref<10240x128xf32, #tpu.memory_space<vmem_shared>> -> memref<640x128xf32, #tpu.memory_space<vmem_shared>>
      tpu.enqueue_dma source(%dma_start3A_14 : memref<640x128xf32, #tpu.memory_space<vmem_shared>>) target(%dma_start3A_12 : memref<640x128xf32, #tpu.memory_space<hbm>>) target_semaphore(%run_scoped3A : memref<!tpu.dma_semaphore, #tpu.memory_space<semaphore_mem>>)
      %dma_wait3A = arith.constant 0 : i32
      %dma_wait3A_15 = tpu.memref_slice %arg5[%arg0, %mul3A_2, %dma_wait3A] : memref<2x10240x128xf32, #tpu.memory_space<hbm>> -> memref<1x640x128xf32, #tpu.memory_space<hbm>>
      %dma_wait3A_16 = tpu.memref_squeeze %dma_wait3A_15 : memref<1x640x128xf32, #tpu.memory_space<hbm>> -> memref<640x128xf32, #tpu.memory_space<hbm>>
      %dma_wait3A_17 = arith.constant 0 : i32
      %dma_wait3A_18 = tpu.memref_slice %arg6[%mul3A_2, %dma_wait3A_17] : memref<10240x128xf32, #tpu.memory_space<vmem_shared>> -> memref<640x128xf32, #tpu.memory_space<vmem_shared>>
      tpu.wait_dma2 semaphore(%run_scoped3A : memref<!tpu.dma_semaphore, #tpu.memory_space<semaphore_mem>>) src(%dma_wait3A_18 : memref<640x128xf32, #tpu.memory_space<vmem_shared>>) dst(%dma_wait3A_16 : memref<640x128xf32, #tpu.memory_space<hbm>>)
      tpu.yield
    }) : () -> ()
    return
  }
}

#map = affine_map<(d0, d1) -> (0, 0)>
#map1 = affine_map<(d0, d1) -> (0, 0, 0)>
module attributes {stable_mosaic.version = 14 : i64} {
  func.func @conv_kernel(%arg0: i32, %arg1: i32, %arg2: memref<10240x128xf32, #tpu.memory_space<hbm>>, %arg3: memref<2560x128xi32, #tpu.memory_space<hbm>>, %arg4: memref<2560x128xi32, #tpu.memory_space<hbm>>, %arg5: memref<10240x128xf32, #tpu.memory_space<hbm>>, %arg6: memref<2x10240x128xf32, #tpu.memory_space<hbm>>, %arg7: memref<10240x128xf32, #tpu.memory_space<vmem_shared>>, %arg8: memref<40x128xi32, #tpu.memory_space<vmem>>, %arg9: memref<40x128xi32, #tpu.memory_space<vmem>>, %arg10: memref<128x128xf32, #tpu.memory_space<vmem>>, %arg11: memref<128x128xf32, #tpu.memory_space<vmem>>, %arg12: memref<!tpu.dma_semaphore, #tpu.memory_space<semaphore_mem>>, %arg13: memref<!tpu.dma_semaphore, #tpu.memory_space<semaphore_mem>>) attributes {dimension_semantics = [#tpu.dimension_semantics<core_parallel>, #tpu.dimension_semantics<subcore_parallel>], iteration_bounds = array<i64: 2, 16>, scalar_prefetch = 0 : i64, scratch_operands = 7 : i64, tpu.core_type = #tpu.core_type<sc_vector_subcore>, window_params = [{transform_indices = #map}, {transform_indices = #map}, {transform_indices = #map}, {transform_indices = #map}, {transform_indices = #map1}]} {
    %mul3A = arith.constant 16 : i32
    %mul3A_0 = arith.muli %arg0, %mul3A : i32
    %add3A = arith.addi %mul3A_0, %arg1 : i32
    %mul3A_1 = arith.constant 640 : i32
    %mul3A_2 = arith.muli %arg1, %mul3A_1 : i32
    "tpu.region"() ({
      %run_scoped3A_76 = tpu.sem_alloc : memref<!tpu.dma_semaphore, #tpu.memory_space<semaphore_mem>>
      %dma_start3A_77 = arith.constant 0 : i32
      %dma_start3A_78 = tpu.memref_slice %arg7[%mul3A_2, %dma_start3A_77] : memref<10240x128xf32, #tpu.memory_space<vmem_shared>> -> memref<640x128xf32, #tpu.memory_space<vmem_shared>>
      %dma_start3A_79 = arith.constant 0 : i32
      %dma_start3A_80 = tpu.memref_slice %arg5[%mul3A_2, %dma_start3A_79] : memref<10240x128xf32, #tpu.memory_space<hbm>> -> memref<640x128xf32, #tpu.memory_space<hbm>>
      tpu.enqueue_dma source(%dma_start3A_80 : memref<640x128xf32, #tpu.memory_space<hbm>>) target(%dma_start3A_78 : memref<640x128xf32, #tpu.memory_space<vmem_shared>>) target_semaphore(%run_scoped3A_76 : memref<!tpu.dma_semaphore, #tpu.memory_space<semaphore_mem>>)
      %dma_wait3A_81 = arith.constant 0 : i32
      %dma_wait3A_82 = tpu.memref_slice %arg7[%mul3A_2, %dma_wait3A_81] : memref<10240x128xf32, #tpu.memory_space<vmem_shared>> -> memref<640x128xf32, #tpu.memory_space<vmem_shared>>
      %dma_wait3A_83 = arith.constant 0 : i32
      %dma_wait3A_84 = tpu.memref_slice %arg5[%mul3A_2, %dma_wait3A_83] : memref<10240x128xf32, #tpu.memory_space<hbm>> -> memref<640x128xf32, #tpu.memory_space<hbm>>
      tpu.wait_dma2 semaphore(%run_scoped3A_76 : memref<!tpu.dma_semaphore, #tpu.memory_space<semaphore_mem>>) src(%dma_wait3A_84 : memref<640x128xf32, #tpu.memory_space<hbm>>) dst(%dma_wait3A_82 : memref<640x128xf32, #tpu.memory_space<vmem_shared>>)
      tpu.yield
    }) : () -> ()
    %barrier3A = arith.constant 0 : index
    tpu.barrier barrier_id(%barrier3A)
    %mul3A_3 = arith.constant 80 : i32
    %mul3A_4 = arith.muli %add3A, %mul3A_3 : i32
    %add3A_5 = arith.constant 0 : i32
    %add3A_6 = arith.addi %mul3A_4, %add3A_5 : i32
    "tpu.region"() ({
      %run_scoped3A_76 = tpu.sem_alloc : memref<!tpu.dma_semaphore, #tpu.memory_space<semaphore_mem>>
      %dma_start3A_77 = arith.constant 0 : i32
      %dma_start3A_78 = arith.constant 0 : i32
      %dma_start3A_79 = tpu.memref_slice %arg8[%dma_start3A_77, %dma_start3A_78] : memref<40x128xi32, #tpu.memory_space<vmem>> -> memref<40x128xi32, #tpu.memory_space<vmem>>
      %dma_start3A_80 = arith.constant 0 : i32
      %dma_start3A_81 = tpu.memref_slice %arg3[%add3A_6, %dma_start3A_80] : memref<2560x128xi32, #tpu.memory_space<hbm>> -> memref<40x128xi32, #tpu.memory_space<hbm>>
      %dma_start3A_82 = arith.constant 0 : i32
      %dma_start3A_83 = arith.constant 0 : i32
      %dma_start3A_84 = tpu.memref_slice %arg8[%dma_start3A_82, %dma_start3A_83] : memref<40x128xi32, #tpu.memory_space<vmem>> -> memref<40x128xi32, #tpu.memory_space<vmem>>
      %dma_start3A_85 = arith.constant 0 : i32
      %dma_start3A_86 = tpu.memref_slice %arg3[%add3A_6, %dma_start3A_85] : memref<2560x128xi32, #tpu.memory_space<hbm>> -> memref<40x128xi32, #tpu.memory_space<hbm>>
      tpu.enqueue_dma source(%dma_start3A_86 : memref<40x128xi32, #tpu.memory_space<hbm>>) target(%dma_start3A_84 : memref<40x128xi32, #tpu.memory_space<vmem>>) target_semaphore(%run_scoped3A_76 : memref<!tpu.dma_semaphore, #tpu.memory_space<semaphore_mem>>)
      %dma_wait3A_87 = arith.constant 0 : i32
      %dma_wait3A_88 = arith.constant 0 : i32
      %dma_wait3A_89 = tpu.memref_slice %arg8[%dma_wait3A_87, %dma_wait3A_88] : memref<40x128xi32, #tpu.memory_space<vmem>> -> memref<40x128xi32, #tpu.memory_space<vmem>>
      %dma_wait3A_90 = arith.constant 0 : i32
      %dma_wait3A_91 = tpu.memref_slice %arg3[%add3A_6, %dma_wait3A_90] : memref<2560x128xi32, #tpu.memory_space<hbm>> -> memref<40x128xi32, #tpu.memory_space<hbm>>
      %dma_wait3A_92 = arith.constant 0 : i32
      %dma_wait3A_93 = arith.constant 0 : i32
      %dma_wait3A_94 = tpu.memref_slice %arg8[%dma_wait3A_92, %dma_wait3A_93] : memref<40x128xi32, #tpu.memory_space<vmem>> -> memref<40x128xi32, #tpu.memory_space<vmem>>
      %dma_wait3A_95 = arith.constant 0 : i32
      %dma_wait3A_96 = tpu.memref_slice %arg3[%add3A_6, %dma_wait3A_95] : memref<2560x128xi32, #tpu.memory_space<hbm>> -> memref<40x128xi32, #tpu.memory_space<hbm>>
      tpu.wait_dma2 semaphore(%run_scoped3A_76 : memref<!tpu.dma_semaphore, #tpu.memory_space<semaphore_mem>>) src(%dma_wait3A_96 : memref<40x128xi32, #tpu.memory_space<hbm>>) dst(%dma_wait3A_94 : memref<40x128xi32, #tpu.memory_space<vmem>>)
      tpu.yield
    }) : () -> ()
    "tpu.region"() ({
      %run_scoped3A_76 = tpu.sem_alloc : memref<!tpu.dma_semaphore, #tpu.memory_space<semaphore_mem>>
      %dma_start3A_77 = arith.constant 0 : i32
      %dma_start3A_78 = arith.constant 0 : i32
      %dma_start3A_79 = tpu.memref_slice %arg9[%dma_start3A_77, %dma_start3A_78] : memref<40x128xi32, #tpu.memory_space<vmem>> -> memref<40x128xi32, #tpu.memory_space<vmem>>
      %dma_start3A_80 = arith.constant 0 : i32
      %dma_start3A_81 = tpu.memref_slice %arg4[%add3A_6, %dma_start3A_80] : memref<2560x128xi32, #tpu.memory_space<hbm>> -> memref<40x128xi32, #tpu.memory_space<hbm>>
      %dma_start3A_82 = arith.constant 0 : i32
      %dma_start3A_83 = arith.constant 0 : i32
      %dma_start3A_84 = tpu.memref_slice %arg9[%dma_start3A_82, %dma_start3A_83] : memref<40x128xi32, #tpu.memory_space<vmem>> -> memref<40x128xi32, #tpu.memory_space<vmem>>
      %dma_start3A_85 = arith.constant 0 : i32
      %dma_start3A_86 = tpu.memref_slice %arg4[%add3A_6, %dma_start3A_85] : memref<2560x128xi32, #tpu.memory_space<hbm>> -> memref<40x128xi32, #tpu.memory_space<hbm>>
      tpu.enqueue_dma source(%dma_start3A_86 : memref<40x128xi32, #tpu.memory_space<hbm>>) target(%dma_start3A_84 : memref<40x128xi32, #tpu.memory_space<vmem>>) target_semaphore(%run_scoped3A_76 : memref<!tpu.dma_semaphore, #tpu.memory_space<semaphore_mem>>)
      %dma_wait3A_87 = arith.constant 0 : i32
      %dma_wait3A_88 = arith.constant 0 : i32
      %dma_wait3A_89 = tpu.memref_slice %arg9[%dma_wait3A_87, %dma_wait3A_88] : memref<40x128xi32, #tpu.memory_space<vmem>> -> memref<40x128xi32, #tpu.memory_space<vmem>>
      %dma_wait3A_90 = arith.constant 0 : i32
      %dma_wait3A_91 = tpu.memref_slice %arg4[%add3A_6, %dma_wait3A_90] : memref<2560x128xi32, #tpu.memory_space<hbm>> -> memref<40x128xi32, #tpu.memory_space<hbm>>
      %dma_wait3A_92 = arith.constant 0 : i32
      %dma_wait3A_93 = arith.constant 0 : i32
      %dma_wait3A_94 = tpu.memref_slice %arg9[%dma_wait3A_92, %dma_wait3A_93] : memref<40x128xi32, #tpu.memory_space<vmem>> -> memref<40x128xi32, #tpu.memory_space<vmem>>
      %dma_wait3A_95 = arith.constant 0 : i32
      %dma_wait3A_96 = tpu.memref_slice %arg4[%add3A_6, %dma_wait3A_95] : memref<2560x128xi32, #tpu.memory_space<hbm>> -> memref<40x128xi32, #tpu.memory_space<hbm>>
      tpu.wait_dma2 semaphore(%run_scoped3A_76 : memref<!tpu.dma_semaphore, #tpu.memory_space<semaphore_mem>>) src(%dma_wait3A_96 : memref<40x128xi32, #tpu.memory_space<hbm>>) dst(%dma_wait3A_94 : memref<40x128xi32, #tpu.memory_space<vmem>>)
      tpu.yield
    }) : () -> ()
    %dma_start3A = arith.constant 0 : i32
    %dma_start3A_7 = arith.constant 0 : i32
    %dma_start3A_8 = tpu.memref_slice %arg8[%dma_start3A, %dma_start3A_7] : memref<40x128xi32, #tpu.memory_space<vmem>> -> memref<1x128xi32, #tpu.memory_space<vmem>>
    %dma_start3A_9 = tpu.memref_squeeze %dma_start3A_8 : memref<1x128xi32, #tpu.memory_space<vmem>> -> memref<128xi32, #tpu.memory_space<vmem>>
    %dma_start3A_10 = arith.constant 0 : i32
    %dma_start3A_11 = arith.constant 0 : i32
    %dma_start3A_12 = tpu.memref_slice %arg2[%dma_start3A_10, %dma_start3A_11] : memref<10240x128xf32, #tpu.memory_space<hbm>> -> memref<10240x128xf32, #tpu.memory_space<hbm>>
    tpu.enqueue_indirect_dma source(%dma_start3A_12 : memref<10240x128xf32, #tpu.memory_space<hbm>>) target(%arg10 : memref<128x128xf32, #tpu.memory_space<vmem>>) offsets(%dma_start3A_9 : memref<128xi32, #tpu.memory_space<vmem>>) semaphore(%arg12 : memref<!tpu.dma_semaphore, #tpu.memory_space<semaphore_mem>>)
    %scan3A = arith.constant 0 : i32
    %scan3A_13 = arith.constant 0 : i32
    %scan3A_14 = arith.constant 19 : i32
    %scan3A_15 = arith.addi %scan3A_13, %scan3A_14 : i32
    %scan3A_16 = arith.constant 1 : i32
    scf.for %scan3A_76 = %scan3A_13 to %scan3A_15 step %scan3A_16  : i32 {
      %mul3A_77 = arith.constant 2 : i32
      %mul3A_78 = arith.muli %mul3A_77, %scan3A_76 : i32
      %dma_wait3A_79 = arith.constant 0 : i32
      %dma_wait3A_80 = arith.constant 0 : i32
      %dma_wait3A_81 = tpu.memref_slice %arg2[%dma_wait3A_79, %dma_wait3A_80] : memref<10240x128xf32, #tpu.memory_space<hbm>> -> memref<128x128xf32, #tpu.memory_space<hbm>>
      %dma_wait3A_82 = arith.constant 0 : i32
      %dma_wait3A_83 = arith.constant 0 : i32
      %dma_wait3A_84 = tpu.memref_slice %arg2[%dma_wait3A_82, %dma_wait3A_83] : memref<10240x128xf32, #tpu.memory_space<hbm>> -> memref<128x128xf32, #tpu.memory_space<hbm>>
      tpu.wait_dma2 semaphore(%arg12 : memref<!tpu.dma_semaphore, #tpu.memory_space<semaphore_mem>>) src(%dma_wait3A_84 : memref<128x128xf32, #tpu.memory_space<hbm>>) dst(%arg10 : memref<128x128xf32, #tpu.memory_space<vmem>>)
      %add3A_85 = arith.constant 1 : i32
      %add3A_86 = arith.addi %mul3A_78, %add3A_85 : i32
      %dma_start3A_87 = arith.constant 0 : i32
      %dma_start3A_88 = tpu.memref_slice %arg8[%add3A_86, %dma_start3A_87] : memref<40x128xi32, #tpu.memory_space<vmem>> -> memref<1x128xi32, #tpu.memory_space<vmem>>
      %dma_start3A_89 = tpu.memref_squeeze %dma_start3A_88 : memref<1x128xi32, #tpu.memory_space<vmem>> -> memref<128xi32, #tpu.memory_space<vmem>>
      %dma_start3A_90 = arith.constant 0 : i32
      %dma_start3A_91 = arith.constant 0 : i32
      %dma_start3A_92 = tpu.memref_slice %arg2[%dma_start3A_90, %dma_start3A_91] : memref<10240x128xf32, #tpu.memory_space<hbm>> -> memref<10240x128xf32, #tpu.memory_space<hbm>>
      tpu.enqueue_indirect_dma source(%dma_start3A_92 : memref<10240x128xf32, #tpu.memory_space<hbm>>) target(%arg11 : memref<128x128xf32, #tpu.memory_space<vmem>>) offsets(%dma_start3A_89 : memref<128xi32, #tpu.memory_space<vmem>>) semaphore(%arg13 : memref<!tpu.dma_semaphore, #tpu.memory_space<semaphore_mem>>)
      "tpu.region"() ({
        %run_scoped3A_109 = tpu.sem_alloc : memref<!tpu.dma_semaphore, #tpu.memory_space<semaphore_mem>>
        %dma_start3A_110 = arith.constant 0 : i32
        %dma_start3A_111 = tpu.memref_slice %arg9[%mul3A_78, %dma_start3A_110] : memref<40x128xi32, #tpu.memory_space<vmem>> -> memref<1x128xi32, #tpu.memory_space<vmem>>
        %dma_start3A_112 = tpu.memref_squeeze %dma_start3A_111 : memref<1x128xi32, #tpu.memory_space<vmem>> -> memref<128xi32, #tpu.memory_space<vmem>>
        %dma_start3A_113 = arith.constant 0 : i32
        %dma_start3A_114 = arith.constant 0 : i32
        %dma_start3A_115 = tpu.memref_slice %arg7[%dma_start3A_113, %dma_start3A_114] : memref<10240x128xf32, #tpu.memory_space<vmem_shared>> -> memref<10240x128xf32, #tpu.memory_space<vmem_shared>>
        tpu.enqueue_indirect_dma source(%arg10 : memref<128x128xf32, #tpu.memory_space<vmem>>) target(%dma_start3A_115 : memref<10240x128xf32, #tpu.memory_space<vmem_shared>>) offsets(%dma_start3A_112 : memref<128xi32, #tpu.memory_space<vmem>>) semaphore(%run_scoped3A_109 : memref<!tpu.dma_semaphore, #tpu.memory_space<semaphore_mem>>) {add = true}
        %dma_wait3A_116 = arith.constant 0 : i32
        %dma_wait3A_117 = tpu.memref_slice %arg9[%mul3A_78, %dma_wait3A_116] : memref<40x128xi32, #tpu.memory_space<vmem>> -> memref<1x128xi32, #tpu.memory_space<vmem>>
        %dma_wait3A_118 = tpu.memref_squeeze %dma_wait3A_117 : memref<1x128xi32, #tpu.memory_space<vmem>> -> memref<128xi32, #tpu.memory_space<vmem>>
        %dma_wait3A_119 = arith.constant 0 : i32
        %dma_wait3A_120 = arith.constant 0 : i32
        %dma_wait3A_121 = tpu.memref_slice %arg7[%dma_wait3A_119, %dma_wait3A_120] : memref<10240x128xf32, #tpu.memory_space<vmem_shared>> -> memref<10240x128xf32, #tpu.memory_space<vmem_shared>>
        tpu.wait_indirect_dma semaphore(%run_scoped3A_109 : memref<!tpu.dma_semaphore, #tpu.memory_space<semaphore_mem>>) src(%arg10 : memref<128x128xf32, #tpu.memory_space<vmem>>) dst(%dma_wait3A_121 : memref<10240x128xf32, #tpu.memory_space<vmem_shared>>)
        tpu.yield
      }) : () -> ()
      %dma_wait3A_93 = arith.constant 0 : i32
      %dma_wait3A_94 = arith.constant 0 : i32
      %dma_wait3A_95 = tpu.memref_slice %arg2[%dma_wait3A_93, %dma_wait3A_94] : memref<10240x128xf32, #tpu.memory_space<hbm>> -> memref<128x128xf32, #tpu.memory_space<hbm>>
      %dma_wait3A_96 = arith.constant 0 : i32
      %dma_wait3A_97 = arith.constant 0 : i32
      %dma_wait3A_98 = tpu.memref_slice %arg2[%dma_wait3A_96, %dma_wait3A_97] : memref<10240x128xf32, #tpu.memory_space<hbm>> -> memref<128x128xf32, #tpu.memory_space<hbm>>
      tpu.wait_dma2 semaphore(%arg13 : memref<!tpu.dma_semaphore, #tpu.memory_space<semaphore_mem>>) src(%dma_wait3A_98 : memref<128x128xf32, #tpu.memory_space<hbm>>) dst(%arg11 : memref<128x128xf32, #tpu.memory_space<vmem>>)
      %add3A_99 = arith.constant 2 : i32
      %add3A_100 = arith.addi %mul3A_78, %add3A_99 : i32
      %dma_start3A_101 = arith.constant 0 : i32
      %dma_start3A_102 = tpu.memref_slice %arg8[%add3A_100, %dma_start3A_101] : memref<40x128xi32, #tpu.memory_space<vmem>> -> memref<1x128xi32, #tpu.memory_space<vmem>>
      %dma_start3A_103 = tpu.memref_squeeze %dma_start3A_102 : memref<1x128xi32, #tpu.memory_space<vmem>> -> memref<128xi32, #tpu.memory_space<vmem>>
      %dma_start3A_104 = arith.constant 0 : i32
      %dma_start3A_105 = arith.constant 0 : i32
      %dma_start3A_106 = tpu.memref_slice %arg2[%dma_start3A_104, %dma_start3A_105] : memref<10240x128xf32, #tpu.memory_space<hbm>> -> memref<10240x128xf32, #tpu.memory_space<hbm>>
      tpu.enqueue_indirect_dma source(%dma_start3A_106 : memref<10240x128xf32, #tpu.memory_space<hbm>>) target(%arg10 : memref<128x128xf32, #tpu.memory_space<vmem>>) offsets(%dma_start3A_103 : memref<128xi32, #tpu.memory_space<vmem>>) semaphore(%arg12 : memref<!tpu.dma_semaphore, #tpu.memory_space<semaphore_mem>>)
      %add3A_107 = arith.constant 1 : i32
      %add3A_108 = arith.addi %mul3A_78, %add3A_107 : i32
      "tpu.region"() ({
        %run_scoped3A_109 = tpu.sem_alloc : memref<!tpu.dma_semaphore, #tpu.memory_space<semaphore_mem>>
        %dma_start3A_110 = arith.constant 0 : i32
        %dma_start3A_111 = tpu.memref_slice %arg9[%add3A_108, %dma_start3A_110] : memref<40x128xi32, #tpu.memory_space<vmem>> -> memref<1x128xi32, #tpu.memory_space<vmem>>
        %dma_start3A_112 = tpu.memref_squeeze %dma_start3A_111 : memref<1x128xi32, #tpu.memory_space<vmem>> -> memref<128xi32, #tpu.memory_space<vmem>>
        %dma_start3A_113 = arith.constant 0 : i32
        %dma_start3A_114 = arith.constant 0 : i32
        %dma_start3A_115 = tpu.memref_slice %arg7[%dma_start3A_113, %dma_start3A_114] : memref<10240x128xf32, #tpu.memory_space<vmem_shared>> -> memref<10240x128xf32, #tpu.memory_space<vmem_shared>>
        tpu.enqueue_indirect_dma source(%arg11 : memref<128x128xf32, #tpu.memory_space<vmem>>) target(%dma_start3A_115 : memref<10240x128xf32, #tpu.memory_space<vmem_shared>>) offsets(%dma_start3A_112 : memref<128xi32, #tpu.memory_space<vmem>>) semaphore(%run_scoped3A_109 : memref<!tpu.dma_semaphore, #tpu.memory_space<semaphore_mem>>) {add = true}
        %dma_wait3A_116 = arith.constant 0 : i32
        %dma_wait3A_117 = tpu.memref_slice %arg9[%add3A_108, %dma_wait3A_116] : memref<40x128xi32, #tpu.memory_space<vmem>> -> memref<1x128xi32, #tpu.memory_space<vmem>>
        %dma_wait3A_118 = tpu.memref_squeeze %dma_wait3A_117 : memref<1x128xi32, #tpu.memory_space<vmem>> -> memref<128xi32, #tpu.memory_space<vmem>>
        %dma_wait3A_119 = arith.constant 0 : i32
        %dma_wait3A_120 = arith.constant 0 : i32
        %dma_wait3A_121 = tpu.memref_slice %arg7[%dma_wait3A_119, %dma_wait3A_120] : memref<10240x128xf32, #tpu.memory_space<vmem_shared>> -> memref<10240x128xf32, #tpu.memory_space<vmem_shared>>
        tpu.wait_indirect_dma semaphore(%run_scoped3A_109 : memref<!tpu.dma_semaphore, #tpu.memory_space<semaphore_mem>>) src(%arg11 : memref<128x128xf32, #tpu.memory_space<vmem>>) dst(%dma_wait3A_121 : memref<10240x128xf32, #tpu.memory_space<vmem_shared>>)
        tpu.yield
      }) : () -> ()
    }
    %scan3A_17 = arith.constant 19 : i32
    %dma_wait3A = arith.constant 0 : i32
    %dma_wait3A_18 = arith.constant 0 : i32
    %dma_wait3A_19 = tpu.memref_slice %arg2[%dma_wait3A, %dma_wait3A_18] : memref<10240x128xf32, #tpu.memory_space<hbm>> -> memref<128x128xf32, #tpu.memory_space<hbm>>
    %dma_wait3A_20 = arith.constant 0 : i32
    %dma_wait3A_21 = arith.constant 0 : i32
    %dma_wait3A_22 = tpu.memref_slice %arg2[%dma_wait3A_20, %dma_wait3A_21] : memref<10240x128xf32, #tpu.memory_space<hbm>> -> memref<128x128xf32, #tpu.memory_space<hbm>>
    tpu.wait_dma2 semaphore(%arg12 : memref<!tpu.dma_semaphore, #tpu.memory_space<semaphore_mem>>) src(%dma_wait3A_22 : memref<128x128xf32, #tpu.memory_space<hbm>>) dst(%arg10 : memref<128x128xf32, #tpu.memory_space<vmem>>)
    %dma_start3A_23 = arith.constant 39 : i32
    %dma_start3A_24 = arith.constant 0 : i32
    %dma_start3A_25 = tpu.memref_slice %arg8[%dma_start3A_23, %dma_start3A_24] : memref<40x128xi32, #tpu.memory_space<vmem>> -> memref<1x128xi32, #tpu.memory_space<vmem>>
    %dma_start3A_26 = tpu.memref_squeeze %dma_start3A_25 : memref<1x128xi32, #tpu.memory_space<vmem>> -> memref<128xi32, #tpu.memory_space<vmem>>
    %dma_start3A_27 = arith.constant 0 : i32
    %dma_start3A_28 = arith.constant 0 : i32
    %dma_start3A_29 = tpu.memref_slice %arg2[%dma_start3A_27, %dma_start3A_28] : memref<10240x128xf32, #tpu.memory_space<hbm>> -> memref<10240x128xf32, #tpu.memory_space<hbm>>
    tpu.enqueue_indirect_dma source(%dma_start3A_29 : memref<10240x128xf32, #tpu.memory_space<hbm>>) target(%arg11 : memref<128x128xf32, #tpu.memory_space<vmem>>) offsets(%dma_start3A_26 : memref<128xi32, #tpu.memory_space<vmem>>) semaphore(%arg13 : memref<!tpu.dma_semaphore, #tpu.memory_space<semaphore_mem>>)
    %run_scoped3A = arith.constant 38 : i32
    "tpu.region"() ({
      %run_scoped3A_76 = tpu.sem_alloc : memref<!tpu.dma_semaphore, #tpu.memory_space<semaphore_mem>>
      %dma_start3A_77 = arith.constant 0 : i32
      %dma_start3A_78 = tpu.memref_slice %arg9[%run_scoped3A, %dma_start3A_77] : memref<40x128xi32, #tpu.memory_space<vmem>> -> memref<1x128xi32, #tpu.memory_space<vmem>>
      %dma_start3A_79 = tpu.memref_squeeze %dma_start3A_78 : memref<1x128xi32, #tpu.memory_space<vmem>> -> memref<128xi32, #tpu.memory_space<vmem>>
      %dma_start3A_80 = arith.constant 0 : i32
      %dma_start3A_81 = arith.constant 0 : i32
      %dma_start3A_82 = tpu.memref_slice %arg7[%dma_start3A_80, %dma_start3A_81] : memref<10240x128xf32, #tpu.memory_space<vmem_shared>> -> memref<10240x128xf32, #tpu.memory_space<vmem_shared>>
      tpu.enqueue_indirect_dma source(%arg10 : memref<128x128xf32, #tpu.memory_space<vmem>>) target(%dma_start3A_82 : memref<10240x128xf32, #tpu.memory_space<vmem_shared>>) offsets(%dma_start3A_79 : memref<128xi32, #tpu.memory_space<vmem>>) semaphore(%run_scoped3A_76 : memref<!tpu.dma_semaphore, #tpu.memory_space<semaphore_mem>>) {add = true}
      %dma_wait3A_83 = arith.constant 0 : i32
      %dma_wait3A_84 = tpu.memref_slice %arg9[%run_scoped3A, %dma_wait3A_83] : memref<40x128xi32, #tpu.memory_space<vmem>> -> memref<1x128xi32, #tpu.memory_space<vmem>>
      %dma_wait3A_85 = tpu.memref_squeeze %dma_wait3A_84 : memref<1x128xi32, #tpu.memory_space<vmem>> -> memref<128xi32, #tpu.memory_space<vmem>>
      %dma_wait3A_86 = arith.constant 0 : i32
      %dma_wait3A_87 = arith.constant 0 : i32
      %dma_wait3A_88 = tpu.memref_slice %arg7[%dma_wait3A_86, %dma_wait3A_87] : memref<10240x128xf32, #tpu.memory_space<vmem_shared>> -> memref<10240x128xf32, #tpu.memory_space<vmem_shared>>
      tpu.wait_indirect_dma semaphore(%run_scoped3A_76 : memref<!tpu.dma_semaphore, #tpu.memory_space<semaphore_mem>>) src(%arg10 : memref<128x128xf32, #tpu.memory_space<vmem>>) dst(%dma_wait3A_88 : memref<10240x128xf32, #tpu.memory_space<vmem_shared>>)
      tpu.yield
    }) : () -> ()
    %dma_wait3A_30 = arith.constant 0 : i32
    %dma_wait3A_31 = arith.constant 0 : i32
    %dma_wait3A_32 = tpu.memref_slice %arg2[%dma_wait3A_30, %dma_wait3A_31] : memref<10240x128xf32, #tpu.memory_space<hbm>> -> memref<128x128xf32, #tpu.memory_space<hbm>>
    %dma_wait3A_33 = arith.constant 0 : i32
    %dma_wait3A_34 = arith.constant 0 : i32
    %dma_wait3A_35 = tpu.memref_slice %arg2[%dma_wait3A_33, %dma_wait3A_34] : memref<10240x128xf32, #tpu.memory_space<hbm>> -> memref<128x128xf32, #tpu.memory_space<hbm>>
    tpu.wait_dma2 semaphore(%arg13 : memref<!tpu.dma_semaphore, #tpu.memory_space<semaphore_mem>>) src(%dma_wait3A_35 : memref<128x128xf32, #tpu.memory_space<hbm>>) dst(%arg11 : memref<128x128xf32, #tpu.memory_space<vmem>>)
    %run_scoped3A_36 = arith.constant 39 : i32
    "tpu.region"() ({
      %run_scoped3A_76 = tpu.sem_alloc : memref<!tpu.dma_semaphore, #tpu.memory_space<semaphore_mem>>
      %dma_start3A_77 = arith.constant 0 : i32
      %dma_start3A_78 = tpu.memref_slice %arg9[%run_scoped3A_36, %dma_start3A_77] : memref<40x128xi32, #tpu.memory_space<vmem>> -> memref<1x128xi32, #tpu.memory_space<vmem>>
      %dma_start3A_79 = tpu.memref_squeeze %dma_start3A_78 : memref<1x128xi32, #tpu.memory_space<vmem>> -> memref<128xi32, #tpu.memory_space<vmem>>
      %dma_start3A_80 = arith.constant 0 : i32
      %dma_start3A_81 = arith.constant 0 : i32
      %dma_start3A_82 = tpu.memref_slice %arg7[%dma_start3A_80, %dma_start3A_81] : memref<10240x128xf32, #tpu.memory_space<vmem_shared>> -> memref<10240x128xf32, #tpu.memory_space<vmem_shared>>
      tpu.enqueue_indirect_dma source(%arg11 : memref<128x128xf32, #tpu.memory_space<vmem>>) target(%dma_start3A_82 : memref<10240x128xf32, #tpu.memory_space<vmem_shared>>) offsets(%dma_start3A_79 : memref<128xi32, #tpu.memory_space<vmem>>) semaphore(%run_scoped3A_76 : memref<!tpu.dma_semaphore, #tpu.memory_space<semaphore_mem>>) {add = true}
      %dma_wait3A_83 = arith.constant 0 : i32
      %dma_wait3A_84 = tpu.memref_slice %arg9[%run_scoped3A_36, %dma_wait3A_83] : memref<40x128xi32, #tpu.memory_space<vmem>> -> memref<1x128xi32, #tpu.memory_space<vmem>>
      %dma_wait3A_85 = tpu.memref_squeeze %dma_wait3A_84 : memref<1x128xi32, #tpu.memory_space<vmem>> -> memref<128xi32, #tpu.memory_space<vmem>>
      %dma_wait3A_86 = arith.constant 0 : i32
      %dma_wait3A_87 = arith.constant 0 : i32
      %dma_wait3A_88 = tpu.memref_slice %arg7[%dma_wait3A_86, %dma_wait3A_87] : memref<10240x128xf32, #tpu.memory_space<vmem_shared>> -> memref<10240x128xf32, #tpu.memory_space<vmem_shared>>
      tpu.wait_indirect_dma semaphore(%run_scoped3A_76 : memref<!tpu.dma_semaphore, #tpu.memory_space<semaphore_mem>>) src(%arg11 : memref<128x128xf32, #tpu.memory_space<vmem>>) dst(%dma_wait3A_88 : memref<10240x128xf32, #tpu.memory_space<vmem_shared>>)
      tpu.yield
    }) : () -> ()
    %mul3A_37 = arith.constant 80 : i32
    %mul3A_38 = arith.muli %add3A, %mul3A_37 : i32
    %add3A_39 = arith.constant 40 : i32
    %add3A_40 = arith.addi %mul3A_38, %add3A_39 : i32
    "tpu.region"() ({
      %run_scoped3A_76 = tpu.sem_alloc : memref<!tpu.dma_semaphore, #tpu.memory_space<semaphore_mem>>
      %dma_start3A_77 = arith.constant 0 : i32
      %dma_start3A_78 = arith.constant 0 : i32
      %dma_start3A_79 = tpu.memref_slice %arg8[%dma_start3A_77, %dma_start3A_78] : memref<40x128xi32, #tpu.memory_space<vmem>> -> memref<40x128xi32, #tpu.memory_space<vmem>>
      %dma_start3A_80 = arith.constant 0 : i32
      %dma_start3A_81 = tpu.memref_slice %arg3[%add3A_40, %dma_start3A_80] : memref<2560x128xi32, #tpu.memory_space<hbm>> -> memref<40x128xi32, #tpu.memory_space<hbm>>
      %dma_start3A_82 = arith.constant 0 : i32
      %dma_start3A_83 = arith.constant 0 : i32
      %dma_start3A_84 = tpu.memref_slice %arg8[%dma_start3A_82, %dma_start3A_83] : memref<40x128xi32, #tpu.memory_space<vmem>> -> memref<40x128xi32, #tpu.memory_space<vmem>>
      %dma_start3A_85 = arith.constant 0 : i32
      %dma_start3A_86 = tpu.memref_slice %arg3[%add3A_40, %dma_start3A_85] : memref<2560x128xi32, #tpu.memory_space<hbm>> -> memref<40x128xi32, #tpu.memory_space<hbm>>
      tpu.enqueue_dma source(%dma_start3A_86 : memref<40x128xi32, #tpu.memory_space<hbm>>) target(%dma_start3A_84 : memref<40x128xi32, #tpu.memory_space<vmem>>) target_semaphore(%run_scoped3A_76 : memref<!tpu.dma_semaphore, #tpu.memory_space<semaphore_mem>>)
      %dma_wait3A_87 = arith.constant 0 : i32
      %dma_wait3A_88 = arith.constant 0 : i32
      %dma_wait3A_89 = tpu.memref_slice %arg8[%dma_wait3A_87, %dma_wait3A_88] : memref<40x128xi32, #tpu.memory_space<vmem>> -> memref<40x128xi32, #tpu.memory_space<vmem>>
      %dma_wait3A_90 = arith.constant 0 : i32
      %dma_wait3A_91 = tpu.memref_slice %arg3[%add3A_40, %dma_wait3A_90] : memref<2560x128xi32, #tpu.memory_space<hbm>> -> memref<40x128xi32, #tpu.memory_space<hbm>>
      %dma_wait3A_92 = arith.constant 0 : i32
      %dma_wait3A_93 = arith.constant 0 : i32
      %dma_wait3A_94 = tpu.memref_slice %arg8[%dma_wait3A_92, %dma_wait3A_93] : memref<40x128xi32, #tpu.memory_space<vmem>> -> memref<40x128xi32, #tpu.memory_space<vmem>>
      %dma_wait3A_95 = arith.constant 0 : i32
      %dma_wait3A_96 = tpu.memref_slice %arg3[%add3A_40, %dma_wait3A_95] : memref<2560x128xi32, #tpu.memory_space<hbm>> -> memref<40x128xi32, #tpu.memory_space<hbm>>
      tpu.wait_dma2 semaphore(%run_scoped3A_76 : memref<!tpu.dma_semaphore, #tpu.memory_space<semaphore_mem>>) src(%dma_wait3A_96 : memref<40x128xi32, #tpu.memory_space<hbm>>) dst(%dma_wait3A_94 : memref<40x128xi32, #tpu.memory_space<vmem>>)
      tpu.yield
    }) : () -> ()
    "tpu.region"() ({
      %run_scoped3A_76 = tpu.sem_alloc : memref<!tpu.dma_semaphore, #tpu.memory_space<semaphore_mem>>
      %dma_start3A_77 = arith.constant 0 : i32
      %dma_start3A_78 = arith.constant 0 : i32
      %dma_start3A_79 = tpu.memref_slice %arg9[%dma_start3A_77, %dma_start3A_78] : memref<40x128xi32, #tpu.memory_space<vmem>> -> memref<40x128xi32, #tpu.memory_space<vmem>>
      %dma_start3A_80 = arith.constant 0 : i32
      %dma_start3A_81 = tpu.memref_slice %arg4[%add3A_40, %dma_start3A_80] : memref<2560x128xi32, #tpu.memory_space<hbm>> -> memref<40x128xi32, #tpu.memory_space<hbm>>
      %dma_start3A_82 = arith.constant 0 : i32
      %dma_start3A_83 = arith.constant 0 : i32
      %dma_start3A_84 = tpu.memref_slice %arg9[%dma_start3A_82, %dma_start3A_83] : memref<40x128xi32, #tpu.memory_space<vmem>> -> memref<40x128xi32, #tpu.memory_space<vmem>>
      %dma_start3A_85 = arith.constant 0 : i32
      %dma_start3A_86 = tpu.memref_slice %arg4[%add3A_40, %dma_start3A_85] : memref<2560x128xi32, #tpu.memory_space<hbm>> -> memref<40x128xi32, #tpu.memory_space<hbm>>
      tpu.enqueue_dma source(%dma_start3A_86 : memref<40x128xi32, #tpu.memory_space<hbm>>) target(%dma_start3A_84 : memref<40x128xi32, #tpu.memory_space<vmem>>) target_semaphore(%run_scoped3A_76 : memref<!tpu.dma_semaphore, #tpu.memory_space<semaphore_mem>>)
      %dma_wait3A_87 = arith.constant 0 : i32
      %dma_wait3A_88 = arith.constant 0 : i32
      %dma_wait3A_89 = tpu.memref_slice %arg9[%dma_wait3A_87, %dma_wait3A_88] : memref<40x128xi32, #tpu.memory_space<vmem>> -> memref<40x128xi32, #tpu.memory_space<vmem>>
      %dma_wait3A_90 = arith.constant 0 : i32
      %dma_wait3A_91 = tpu.memref_slice %arg4[%add3A_40, %dma_wait3A_90] : memref<2560x128xi32, #tpu.memory_space<hbm>> -> memref<40x128xi32, #tpu.memory_space<hbm>>
      %dma_wait3A_92 = arith.constant 0 : i32
      %dma_wait3A_93 = arith.constant 0 : i32
      %dma_wait3A_94 = tpu.memref_slice %arg9[%dma_wait3A_92, %dma_wait3A_93] : memref<40x128xi32, #tpu.memory_space<vmem>> -> memref<40x128xi32, #tpu.memory_space<vmem>>
      %dma_wait3A_95 = arith.constant 0 : i32
      %dma_wait3A_96 = tpu.memref_slice %arg4[%add3A_40, %dma_wait3A_95] : memref<2560x128xi32, #tpu.memory_space<hbm>> -> memref<40x128xi32, #tpu.memory_space<hbm>>
      tpu.wait_dma2 semaphore(%run_scoped3A_76 : memref<!tpu.dma_semaphore, #tpu.memory_space<semaphore_mem>>) src(%dma_wait3A_96 : memref<40x128xi32, #tpu.memory_space<hbm>>) dst(%dma_wait3A_94 : memref<40x128xi32, #tpu.memory_space<vmem>>)
      tpu.yield
    }) : () -> ()
    %dma_start3A_41 = arith.constant 0 : i32
    %dma_start3A_42 = arith.constant 0 : i32
    %dma_start3A_43 = tpu.memref_slice %arg8[%dma_start3A_41, %dma_start3A_42] : memref<40x128xi32, #tpu.memory_space<vmem>> -> memref<1x128xi32, #tpu.memory_space<vmem>>
    %dma_start3A_44 = tpu.memref_squeeze %dma_start3A_43 : memref<1x128xi32, #tpu.memory_space<vmem>> -> memref<128xi32, #tpu.memory_space<vmem>>
    %dma_start3A_45 = arith.constant 0 : i32
    %dma_start3A_46 = arith.constant 0 : i32
    %dma_start3A_47 = tpu.memref_slice %arg2[%dma_start3A_45, %dma_start3A_46] : memref<10240x128xf32, #tpu.memory_space<hbm>> -> memref<10240x128xf32, #tpu.memory_space<hbm>>
    tpu.enqueue_indirect_dma source(%dma_start3A_47 : memref<10240x128xf32, #tpu.memory_space<hbm>>) target(%arg10 : memref<128x128xf32, #tpu.memory_space<vmem>>) offsets(%dma_start3A_44 : memref<128xi32, #tpu.memory_space<vmem>>) semaphore(%arg12 : memref<!tpu.dma_semaphore, #tpu.memory_space<semaphore_mem>>)
    %scan3A_48 = arith.constant 0 : i32
    %scan3A_49 = arith.constant 0 : i32
    %scan3A_50 = arith.constant 19 : i32
    %scan3A_51 = arith.addi %scan3A_49, %scan3A_50 : i32
    %scan3A_52 = arith.constant 1 : i32
    scf.for %scan3A_76 = %scan3A_49 to %scan3A_51 step %scan3A_52  : i32 {
      %mul3A_77 = arith.constant 2 : i32
      %mul3A_78 = arith.muli %mul3A_77, %scan3A_76 : i32
      %dma_wait3A_79 = arith.constant 0 : i32
      %dma_wait3A_80 = arith.constant 0 : i32
      %dma_wait3A_81 = tpu.memref_slice %arg2[%dma_wait3A_79, %dma_wait3A_80] : memref<10240x128xf32, #tpu.memory_space<hbm>> -> memref<128x128xf32, #tpu.memory_space<hbm>>
      %dma_wait3A_82 = arith.constant 0 : i32
      %dma_wait3A_83 = arith.constant 0 : i32
      %dma_wait3A_84 = tpu.memref_slice %arg2[%dma_wait3A_82, %dma_wait3A_83] : memref<10240x128xf32, #tpu.memory_space<hbm>> -> memref<128x128xf32, #tpu.memory_space<hbm>>
      tpu.wait_dma2 semaphore(%arg12 : memref<!tpu.dma_semaphore, #tpu.memory_space<semaphore_mem>>) src(%dma_wait3A_84 : memref<128x128xf32, #tpu.memory_space<hbm>>) dst(%arg10 : memref<128x128xf32, #tpu.memory_space<vmem>>)
      %add3A_85 = arith.constant 1 : i32
      %add3A_86 = arith.addi %mul3A_78, %add3A_85 : i32
      %dma_start3A_87 = arith.constant 0 : i32
      %dma_start3A_88 = tpu.memref_slice %arg8[%add3A_86, %dma_start3A_87] : memref<40x128xi32, #tpu.memory_space<vmem>> -> memref<1x128xi32, #tpu.memory_space<vmem>>
      %dma_start3A_89 = tpu.memref_squeeze %dma_start3A_88 : memref<1x128xi32, #tpu.memory_space<vmem>> -> memref<128xi32, #tpu.memory_space<vmem>>
      %dma_start3A_90 = arith.constant 0 : i32
      %dma_start3A_91 = arith.constant 0 : i32
      %dma_start3A_92 = tpu.memref_slice %arg2[%dma_start3A_90, %dma_start3A_91] : memref<10240x128xf32, #tpu.memory_space<hbm>> -> memref<10240x128xf32, #tpu.memory_space<hbm>>
      tpu.enqueue_indirect_dma source(%dma_start3A_92 : memref<10240x128xf32, #tpu.memory_space<hbm>>) target(%arg11 : memref<128x128xf32, #tpu.memory_space<vmem>>) offsets(%dma_start3A_89 : memref<128xi32, #tpu.memory_space<vmem>>) semaphore(%arg13 : memref<!tpu.dma_semaphore, #tpu.memory_space<semaphore_mem>>)
      "tpu.region"() ({
        %run_scoped3A_109 = tpu.sem_alloc : memref<!tpu.dma_semaphore, #tpu.memory_space<semaphore_mem>>
        %dma_start3A_110 = arith.constant 0 : i32
        %dma_start3A_111 = tpu.memref_slice %arg9[%mul3A_78, %dma_start3A_110] : memref<40x128xi32, #tpu.memory_space<vmem>> -> memref<1x128xi32, #tpu.memory_space<vmem>>
        %dma_start3A_112 = tpu.memref_squeeze %dma_start3A_111 : memref<1x128xi32, #tpu.memory_space<vmem>> -> memref<128xi32, #tpu.memory_space<vmem>>
        %dma_start3A_113 = arith.constant 0 : i32
        %dma_start3A_114 = arith.constant 0 : i32
        %dma_start3A_115 = tpu.memref_slice %arg7[%dma_start3A_113, %dma_start3A_114] : memref<10240x128xf32, #tpu.memory_space<vmem_shared>> -> memref<10240x128xf32, #tpu.memory_space<vmem_shared>>
        tpu.enqueue_indirect_dma source(%arg10 : memref<128x128xf32, #tpu.memory_space<vmem>>) target(%dma_start3A_115 : memref<10240x128xf32, #tpu.memory_space<vmem_shared>>) offsets(%dma_start3A_112 : memref<128xi32, #tpu.memory_space<vmem>>) semaphore(%run_scoped3A_109 : memref<!tpu.dma_semaphore, #tpu.memory_space<semaphore_mem>>) {add = true}
        %dma_wait3A_116 = arith.constant 0 : i32
        %dma_wait3A_117 = tpu.memref_slice %arg9[%mul3A_78, %dma_wait3A_116] : memref<40x128xi32, #tpu.memory_space<vmem>> -> memref<1x128xi32, #tpu.memory_space<vmem>>
        %dma_wait3A_118 = tpu.memref_squeeze %dma_wait3A_117 : memref<1x128xi32, #tpu.memory_space<vmem>> -> memref<128xi32, #tpu.memory_space<vmem>>
        %dma_wait3A_119 = arith.constant 0 : i32
        %dma_wait3A_120 = arith.constant 0 : i32
        %dma_wait3A_121 = tpu.memref_slice %arg7[%dma_wait3A_119, %dma_wait3A_120] : memref<10240x128xf32, #tpu.memory_space<vmem_shared>> -> memref<10240x128xf32, #tpu.memory_space<vmem_shared>>
        tpu.wait_indirect_dma semaphore(%run_scoped3A_109 : memref<!tpu.dma_semaphore, #tpu.memory_space<semaphore_mem>>) src(%arg10 : memref<128x128xf32, #tpu.memory_space<vmem>>) dst(%dma_wait3A_121 : memref<10240x128xf32, #tpu.memory_space<vmem_shared>>)
        tpu.yield
      }) : () -> ()
      %dma_wait3A_93 = arith.constant 0 : i32
      %dma_wait3A_94 = arith.constant 0 : i32
      %dma_wait3A_95 = tpu.memref_slice %arg2[%dma_wait3A_93, %dma_wait3A_94] : memref<10240x128xf32, #tpu.memory_space<hbm>> -> memref<128x128xf32, #tpu.memory_space<hbm>>
      %dma_wait3A_96 = arith.constant 0 : i32
      %dma_wait3A_97 = arith.constant 0 : i32
      %dma_wait3A_98 = tpu.memref_slice %arg2[%dma_wait3A_96, %dma_wait3A_97] : memref<10240x128xf32, #tpu.memory_space<hbm>> -> memref<128x128xf32, #tpu.memory_space<hbm>>
      tpu.wait_dma2 semaphore(%arg13 : memref<!tpu.dma_semaphore, #tpu.memory_space<semaphore_mem>>) src(%dma_wait3A_98 : memref<128x128xf32, #tpu.memory_space<hbm>>) dst(%arg11 : memref<128x128xf32, #tpu.memory_space<vmem>>)
      %add3A_99 = arith.constant 2 : i32
      %add3A_100 = arith.addi %mul3A_78, %add3A_99 : i32
      %dma_start3A_101 = arith.constant 0 : i32
      %dma_start3A_102 = tpu.memref_slice %arg8[%add3A_100, %dma_start3A_101] : memref<40x128xi32, #tpu.memory_space<vmem>> -> memref<1x128xi32, #tpu.memory_space<vmem>>
      %dma_start3A_103 = tpu.memref_squeeze %dma_start3A_102 : memref<1x128xi32, #tpu.memory_space<vmem>> -> memref<128xi32, #tpu.memory_space<vmem>>
      %dma_start3A_104 = arith.constant 0 : i32
      %dma_start3A_105 = arith.constant 0 : i32
      %dma_start3A_106 = tpu.memref_slice %arg2[%dma_start3A_104, %dma_start3A_105] : memref<10240x128xf32, #tpu.memory_space<hbm>> -> memref<10240x128xf32, #tpu.memory_space<hbm>>
      tpu.enqueue_indirect_dma source(%dma_start3A_106 : memref<10240x128xf32, #tpu.memory_space<hbm>>) target(%arg10 : memref<128x128xf32, #tpu.memory_space<vmem>>) offsets(%dma_start3A_103 : memref<128xi32, #tpu.memory_space<vmem>>) semaphore(%arg12 : memref<!tpu.dma_semaphore, #tpu.memory_space<semaphore_mem>>)
      %add3A_107 = arith.constant 1 : i32
      %add3A_108 = arith.addi %mul3A_78, %add3A_107 : i32
      "tpu.region"() ({
        %run_scoped3A_109 = tpu.sem_alloc : memref<!tpu.dma_semaphore, #tpu.memory_space<semaphore_mem>>
        %dma_start3A_110 = arith.constant 0 : i32
        %dma_start3A_111 = tpu.memref_slice %arg9[%add3A_108, %dma_start3A_110] : memref<40x128xi32, #tpu.memory_space<vmem>> -> memref<1x128xi32, #tpu.memory_space<vmem>>
        %dma_start3A_112 = tpu.memref_squeeze %dma_start3A_111 : memref<1x128xi32, #tpu.memory_space<vmem>> -> memref<128xi32, #tpu.memory_space<vmem>>
        %dma_start3A_113 = arith.constant 0 : i32
        %dma_start3A_114 = arith.constant 0 : i32
        %dma_start3A_115 = tpu.memref_slice %arg7[%dma_start3A_113, %dma_start3A_114] : memref<10240x128xf32, #tpu.memory_space<vmem_shared>> -> memref<10240x128xf32, #tpu.memory_space<vmem_shared>>
        tpu.enqueue_indirect_dma source(%arg11 : memref<128x128xf32, #tpu.memory_space<vmem>>) target(%dma_start3A_115 : memref<10240x128xf32, #tpu.memory_space<vmem_shared>>) offsets(%dma_start3A_112 : memref<128xi32, #tpu.memory_space<vmem>>) semaphore(%run_scoped3A_109 : memref<!tpu.dma_semaphore, #tpu.memory_space<semaphore_mem>>) {add = true}
        %dma_wait3A_116 = arith.constant 0 : i32
        %dma_wait3A_117 = tpu.memref_slice %arg9[%add3A_108, %dma_wait3A_116] : memref<40x128xi32, #tpu.memory_space<vmem>> -> memref<1x128xi32, #tpu.memory_space<vmem>>
        %dma_wait3A_118 = tpu.memref_squeeze %dma_wait3A_117 : memref<1x128xi32, #tpu.memory_space<vmem>> -> memref<128xi32, #tpu.memory_space<vmem>>
        %dma_wait3A_119 = arith.constant 0 : i32
        %dma_wait3A_120 = arith.constant 0 : i32
        %dma_wait3A_121 = tpu.memref_slice %arg7[%dma_wait3A_119, %dma_wait3A_120] : memref<10240x128xf32, #tpu.memory_space<vmem_shared>> -> memref<10240x128xf32, #tpu.memory_space<vmem_shared>>
        tpu.wait_indirect_dma semaphore(%run_scoped3A_109 : memref<!tpu.dma_semaphore, #tpu.memory_space<semaphore_mem>>) src(%arg11 : memref<128x128xf32, #tpu.memory_space<vmem>>) dst(%dma_wait3A_121 : memref<10240x128xf32, #tpu.memory_space<vmem_shared>>)
        tpu.yield
      }) : () -> ()
    }
    %scan3A_53 = arith.constant 19 : i32
    %dma_wait3A_54 = arith.constant 0 : i32
    %dma_wait3A_55 = arith.constant 0 : i32
    %dma_wait3A_56 = tpu.memref_slice %arg2[%dma_wait3A_54, %dma_wait3A_55] : memref<10240x128xf32, #tpu.memory_space<hbm>> -> memref<128x128xf32, #tpu.memory_space<hbm>>
    %dma_wait3A_57 = arith.constant 0 : i32
    %dma_wait3A_58 = arith.constant 0 : i32
    %dma_wait3A_59 = tpu.memref_slice %arg2[%dma_wait3A_57, %dma_wait3A_58] : memref<10240x128xf32, #tpu.memory_space<hbm>> -> memref<128x128xf32, #tpu.memory_space<hbm>>
    tpu.wait_dma2 semaphore(%arg12 : memref<!tpu.dma_semaphore, #tpu.memory_space<semaphore_mem>>) src(%dma_wait3A_59 : memref<128x128xf32, #tpu.memory_space<hbm>>) dst(%arg10 : memref<128x128xf32, #tpu.memory_space<vmem>>)
    %dma_start3A_60 = arith.constant 39 : i32
    %dma_start3A_61 = arith.constant 0 : i32
    %dma_start3A_62 = tpu.memref_slice %arg8[%dma_start3A_60, %dma_start3A_61] : memref<40x128xi32, #tpu.memory_space<vmem>> -> memref<1x128xi32, #tpu.memory_space<vmem>>
    %dma_start3A_63 = tpu.memref_squeeze %dma_start3A_62 : memref<1x128xi32, #tpu.memory_space<vmem>> -> memref<128xi32, #tpu.memory_space<vmem>>
    %dma_start3A_64 = arith.constant 0 : i32
    %dma_start3A_65 = arith.constant 0 : i32
    %dma_start3A_66 = tpu.memref_slice %arg2[%dma_start3A_64, %dma_start3A_65] : memref<10240x128xf32, #tpu.memory_space<hbm>> -> memref<10240x128xf32, #tpu.memory_space<hbm>>
    tpu.enqueue_indirect_dma source(%dma_start3A_66 : memref<10240x128xf32, #tpu.memory_space<hbm>>) target(%arg11 : memref<128x128xf32, #tpu.memory_space<vmem>>) offsets(%dma_start3A_63 : memref<128xi32, #tpu.memory_space<vmem>>) semaphore(%arg13 : memref<!tpu.dma_semaphore, #tpu.memory_space<semaphore_mem>>)
    %run_scoped3A_67 = arith.constant 38 : i32
    "tpu.region"() ({
      %run_scoped3A_76 = tpu.sem_alloc : memref<!tpu.dma_semaphore, #tpu.memory_space<semaphore_mem>>
      %dma_start3A_77 = arith.constant 0 : i32
      %dma_start3A_78 = tpu.memref_slice %arg9[%run_scoped3A_67, %dma_start3A_77] : memref<40x128xi32, #tpu.memory_space<vmem>> -> memref<1x128xi32, #tpu.memory_space<vmem>>
      %dma_start3A_79 = tpu.memref_squeeze %dma_start3A_78 : memref<1x128xi32, #tpu.memory_space<vmem>> -> memref<128xi32, #tpu.memory_space<vmem>>
      %dma_start3A_80 = arith.constant 0 : i32
      %dma_start3A_81 = arith.constant 0 : i32
      %dma_start3A_82 = tpu.memref_slice %arg7[%dma_start3A_80, %dma_start3A_81] : memref<10240x128xf32, #tpu.memory_space<vmem_shared>> -> memref<10240x128xf32, #tpu.memory_space<vmem_shared>>
      tpu.enqueue_indirect_dma source(%arg10 : memref<128x128xf32, #tpu.memory_space<vmem>>) target(%dma_start3A_82 : memref<10240x128xf32, #tpu.memory_space<vmem_shared>>) offsets(%dma_start3A_79 : memref<128xi32, #tpu.memory_space<vmem>>) semaphore(%run_scoped3A_76 : memref<!tpu.dma_semaphore, #tpu.memory_space<semaphore_mem>>) {add = true}
      %dma_wait3A_83 = arith.constant 0 : i32
      %dma_wait3A_84 = tpu.memref_slice %arg9[%run_scoped3A_67, %dma_wait3A_83] : memref<40x128xi32, #tpu.memory_space<vmem>> -> memref<1x128xi32, #tpu.memory_space<vmem>>
      %dma_wait3A_85 = tpu.memref_squeeze %dma_wait3A_84 : memref<1x128xi32, #tpu.memory_space<vmem>> -> memref<128xi32, #tpu.memory_space<vmem>>
      %dma_wait3A_86 = arith.constant 0 : i32
      %dma_wait3A_87 = arith.constant 0 : i32
      %dma_wait3A_88 = tpu.memref_slice %arg7[%dma_wait3A_86, %dma_wait3A_87] : memref<10240x128xf32, #tpu.memory_space<vmem_shared>> -> memref<10240x128xf32, #tpu.memory_space<vmem_shared>>
      tpu.wait_indirect_dma semaphore(%run_scoped3A_76 : memref<!tpu.dma_semaphore, #tpu.memory_space<semaphore_mem>>) src(%arg10 : memref<128x128xf32, #tpu.memory_space<vmem>>) dst(%dma_wait3A_88 : memref<10240x128xf32, #tpu.memory_space<vmem_shared>>)
      tpu.yield
    }) : () -> ()
    %dma_wait3A_68 = arith.constant 0 : i32
    %dma_wait3A_69 = arith.constant 0 : i32
    %dma_wait3A_70 = tpu.memref_slice %arg2[%dma_wait3A_68, %dma_wait3A_69] : memref<10240x128xf32, #tpu.memory_space<hbm>> -> memref<128x128xf32, #tpu.memory_space<hbm>>
    %dma_wait3A_71 = arith.constant 0 : i32
    %dma_wait3A_72 = arith.constant 0 : i32
    %dma_wait3A_73 = tpu.memref_slice %arg2[%dma_wait3A_71, %dma_wait3A_72] : memref<10240x128xf32, #tpu.memory_space<hbm>> -> memref<128x128xf32, #tpu.memory_space<hbm>>
    tpu.wait_dma2 semaphore(%arg13 : memref<!tpu.dma_semaphore, #tpu.memory_space<semaphore_mem>>) src(%dma_wait3A_73 : memref<128x128xf32, #tpu.memory_space<hbm>>) dst(%arg11 : memref<128x128xf32, #tpu.memory_space<vmem>>)
    %run_scoped3A_74 = arith.constant 39 : i32
    "tpu.region"() ({
      %run_scoped3A_76 = tpu.sem_alloc : memref<!tpu.dma_semaphore, #tpu.memory_space<semaphore_mem>>
      %dma_start3A_77 = arith.constant 0 : i32
      %dma_start3A_78 = tpu.memref_slice %arg9[%run_scoped3A_74, %dma_start3A_77] : memref<40x128xi32, #tpu.memory_space<vmem>> -> memref<1x128xi32, #tpu.memory_space<vmem>>
      %dma_start3A_79 = tpu.memref_squeeze %dma_start3A_78 : memref<1x128xi32, #tpu.memory_space<vmem>> -> memref<128xi32, #tpu.memory_space<vmem>>
      %dma_start3A_80 = arith.constant 0 : i32
      %dma_start3A_81 = arith.constant 0 : i32
      %dma_start3A_82 = tpu.memref_slice %arg7[%dma_start3A_80, %dma_start3A_81] : memref<10240x128xf32, #tpu.memory_space<vmem_shared>> -> memref<10240x128xf32, #tpu.memory_space<vmem_shared>>
      tpu.enqueue_indirect_dma source(%arg11 : memref<128x128xf32, #tpu.memory_space<vmem>>) target(%dma_start3A_82 : memref<10240x128xf32, #tpu.memory_space<vmem_shared>>) offsets(%dma_start3A_79 : memref<128xi32, #tpu.memory_space<vmem>>) semaphore(%run_scoped3A_76 : memref<!tpu.dma_semaphore, #tpu.memory_space<semaphore_mem>>) {add = true}
      %dma_wait3A_83 = arith.constant 0 : i32
      %dma_wait3A_84 = tpu.memref_slice %arg9[%run_scoped3A_74, %dma_wait3A_83] : memref<40x128xi32, #tpu.memory_space<vmem>> -> memref<1x128xi32, #tpu.memory_space<vmem>>
      %dma_wait3A_85 = tpu.memref_squeeze %dma_wait3A_84 : memref<1x128xi32, #tpu.memory_space<vmem>> -> memref<128xi32, #tpu.memory_space<vmem>>
      %dma_wait3A_86 = arith.constant 0 : i32
      %dma_wait3A_87 = arith.constant 0 : i32
      %dma_wait3A_88 = tpu.memref_slice %arg7[%dma_wait3A_86, %dma_wait3A_87] : memref<10240x128xf32, #tpu.memory_space<vmem_shared>> -> memref<10240x128xf32, #tpu.memory_space<vmem_shared>>
      tpu.wait_indirect_dma semaphore(%run_scoped3A_76 : memref<!tpu.dma_semaphore, #tpu.memory_space<semaphore_mem>>) src(%arg11 : memref<128x128xf32, #tpu.memory_space<vmem>>) dst(%dma_wait3A_88 : memref<10240x128xf32, #tpu.memory_space<vmem_shared>>)
      tpu.yield
    }) : () -> ()
    %barrier3A_75 = arith.constant 0 : index
    tpu.barrier barrier_id(%barrier3A_75)
    "tpu.region"() ({
      %run_scoped3A_76 = tpu.sem_alloc : memref<!tpu.dma_semaphore, #tpu.memory_space<semaphore_mem>>
      %dma_start3A_77 = arith.constant 0 : i32
      %dma_start3A_78 = tpu.memref_slice %arg6[%arg0, %mul3A_2, %dma_start3A_77] : memref<2x10240x128xf32, #tpu.memory_space<hbm>> -> memref<1x640x128xf32, #tpu.memory_space<hbm>>
      %dma_start3A_79 = tpu.memref_squeeze %dma_start3A_78 : memref<1x640x128xf32, #tpu.memory_space<hbm>> -> memref<640x128xf32, #tpu.memory_space<hbm>>
      %dma_start3A_80 = arith.constant 0 : i32
      %dma_start3A_81 = tpu.memref_slice %arg7[%mul3A_2, %dma_start3A_80] : memref<10240x128xf32, #tpu.memory_space<vmem_shared>> -> memref<640x128xf32, #tpu.memory_space<vmem_shared>>
      tpu.enqueue_dma source(%dma_start3A_81 : memref<640x128xf32, #tpu.memory_space<vmem_shared>>) target(%dma_start3A_79 : memref<640x128xf32, #tpu.memory_space<hbm>>) target_semaphore(%run_scoped3A_76 : memref<!tpu.dma_semaphore, #tpu.memory_space<semaphore_mem>>)
      %dma_wait3A_82 = arith.constant 0 : i32
      %dma_wait3A_83 = tpu.memref_slice %arg6[%arg0, %mul3A_2, %dma_wait3A_82] : memref<2x10240x128xf32, #tpu.memory_space<hbm>> -> memref<1x640x128xf32, #tpu.memory_space<hbm>>
      %dma_wait3A_84 = tpu.memref_squeeze %dma_wait3A_83 : memref<1x640x128xf32, #tpu.memory_space<hbm>> -> memref<640x128xf32, #tpu.memory_space<hbm>>
      %dma_wait3A_85 = arith.constant 0 : i32
      %dma_wait3A_86 = tpu.memref_slice %arg7[%mul3A_2, %dma_wait3A_85] : memref<10240x128xf32, #tpu.memory_space<vmem_shared>> -> memref<640x128xf32, #tpu.memory_space<vmem_shared>>
      tpu.wait_dma2 semaphore(%run_scoped3A_76 : memref<!tpu.dma_semaphore, #tpu.memory_space<semaphore_mem>>) src(%dma_wait3A_86 : memref<640x128xf32, #tpu.memory_space<vmem_shared>>) dst(%dma_wait3A_84 : memref<640x128xf32, #tpu.memory_space<hbm>>)
      tpu.yield
    }) : () -> ()
    return
  }
}

#map = affine_map<(d0, d1) -> (0, 0)>
#map1 = affine_map<(d0, d1) -> (0, 0, 0)>
module attributes {stable_mosaic.version = 14 : i64} {
  func.func @conv_kernel(%arg0: i32, %arg1: i32, %arg2: memref<10240x128xf32, #tpu.memory_space<hbm>>, %arg3: memref<2560x128xi32, #tpu.memory_space<hbm>>, %arg4: memref<2560x128xi32, #tpu.memory_space<hbm>>, %arg5: memref<10240x128xf32, #tpu.memory_space<hbm>>, %arg6: memref<2x10240x128xf32, #tpu.memory_space<hbm>>, %arg7: memref<10240x128xf32, #tpu.memory_space<vmem_shared>>, %arg8: memref<40x128xi32, #tpu.memory_space<vmem>>, %arg9: memref<40x128xi32, #tpu.memory_space<vmem>>, %arg10: memref<128x128xf32, #tpu.memory_space<vmem>>, %arg11: memref<128x128xf32, #tpu.memory_space<vmem>>, %arg12: memref<!tpu.dma_semaphore, #tpu.memory_space<semaphore_mem>>, %arg13: memref<!tpu.dma_semaphore, #tpu.memory_space<semaphore_mem>>) attributes {dimension_semantics = [#tpu.dimension_semantics<core_parallel>, #tpu.dimension_semantics<subcore_parallel>], iteration_bounds = array<i64: 2, 16>, scalar_prefetch = 0 : i64, scratch_operands = 7 : i64, tpu.core_type = #tpu.core_type<sc_vector_subcore>, window_params = [{transform_indices = #map}, {transform_indices = #map}, {transform_indices = #map}, {transform_indices = #map}, {transform_indices = #map1}]} {
    %mul3A = arith.constant 16 : i32
    %mul3A_0 = arith.muli %arg0, %mul3A : i32
    %add3A = arith.addi %mul3A_0, %arg1 : i32
    %mul3A_1 = arith.constant 640 : i32
    %mul3A_2 = arith.muli %arg1, %mul3A_1 : i32
    "tpu.region"() ({
      %run_scoped3A_76 = tpu.sem_alloc : memref<!tpu.dma_semaphore, #tpu.memory_space<semaphore_mem>>
      %dma_start3A_77 = arith.constant 0 : i32
      %dma_start3A_78 = tpu.memref_slice %arg7[%mul3A_2, %dma_start3A_77] : memref<10240x128xf32, #tpu.memory_space<vmem_shared>> -> memref<640x128xf32, #tpu.memory_space<vmem_shared>>
      %dma_start3A_79 = arith.constant 0 : i32
      %dma_start3A_80 = tpu.memref_slice %arg5[%mul3A_2, %dma_start3A_79] : memref<10240x128xf32, #tpu.memory_space<hbm>> -> memref<640x128xf32, #tpu.memory_space<hbm>>
      tpu.enqueue_dma source(%dma_start3A_80 : memref<640x128xf32, #tpu.memory_space<hbm>>) target(%dma_start3A_78 : memref<640x128xf32, #tpu.memory_space<vmem_shared>>) target_semaphore(%run_scoped3A_76 : memref<!tpu.dma_semaphore, #tpu.memory_space<semaphore_mem>>)
      %dma_wait3A_81 = arith.constant 0 : i32
      %dma_wait3A_82 = tpu.memref_slice %arg7[%mul3A_2, %dma_wait3A_81] : memref<10240x128xf32, #tpu.memory_space<vmem_shared>> -> memref<640x128xf32, #tpu.memory_space<vmem_shared>>
      %dma_wait3A_83 = arith.constant 0 : i32
      %dma_wait3A_84 = tpu.memref_slice %arg5[%mul3A_2, %dma_wait3A_83] : memref<10240x128xf32, #tpu.memory_space<hbm>> -> memref<640x128xf32, #tpu.memory_space<hbm>>
      tpu.wait_dma2 semaphore(%run_scoped3A_76 : memref<!tpu.dma_semaphore, #tpu.memory_space<semaphore_mem>>) src(%dma_wait3A_84 : memref<640x128xf32, #tpu.memory_space<hbm>>) dst(%dma_wait3A_82 : memref<640x128xf32, #tpu.memory_space<vmem_shared>>)
      tpu.yield
    }) : () -> ()
    %barrier3A = arith.constant 0 : index
    tpu.barrier barrier_id(%barrier3A)
    %mul3A_3 = arith.constant 80 : i32
    %mul3A_4 = arith.muli %add3A, %mul3A_3 : i32
    %add3A_5 = arith.constant 0 : i32
    %add3A_6 = arith.addi %mul3A_4, %add3A_5 : i32
    "tpu.region"() ({
      %run_scoped3A_76 = tpu.sem_alloc : memref<!tpu.dma_semaphore, #tpu.memory_space<semaphore_mem>>
      %dma_start3A_77 = arith.constant 0 : i32
      %dma_start3A_78 = arith.constant 0 : i32
      %dma_start3A_79 = tpu.memref_slice %arg8[%dma_start3A_77, %dma_start3A_78] : memref<40x128xi32, #tpu.memory_space<vmem>> -> memref<40x128xi32, #tpu.memory_space<vmem>>
      %dma_start3A_80 = arith.constant 0 : i32
      %dma_start3A_81 = tpu.memref_slice %arg3[%add3A_6, %dma_start3A_80] : memref<2560x128xi32, #tpu.memory_space<hbm>> -> memref<40x128xi32, #tpu.memory_space<hbm>>
      %dma_start3A_82 = arith.constant 0 : i32
      %dma_start3A_83 = arith.constant 0 : i32
      %dma_start3A_84 = tpu.memref_slice %arg8[%dma_start3A_82, %dma_start3A_83] : memref<40x128xi32, #tpu.memory_space<vmem>> -> memref<40x128xi32, #tpu.memory_space<vmem>>
      %dma_start3A_85 = arith.constant 0 : i32
      %dma_start3A_86 = tpu.memref_slice %arg3[%add3A_6, %dma_start3A_85] : memref<2560x128xi32, #tpu.memory_space<hbm>> -> memref<40x128xi32, #tpu.memory_space<hbm>>
      tpu.enqueue_dma source(%dma_start3A_86 : memref<40x128xi32, #tpu.memory_space<hbm>>) target(%dma_start3A_84 : memref<40x128xi32, #tpu.memory_space<vmem>>) target_semaphore(%run_scoped3A_76 : memref<!tpu.dma_semaphore, #tpu.memory_space<semaphore_mem>>)
      %dma_wait3A_87 = arith.constant 0 : i32
      %dma_wait3A_88 = arith.constant 0 : i32
      %dma_wait3A_89 = tpu.memref_slice %arg8[%dma_wait3A_87, %dma_wait3A_88] : memref<40x128xi32, #tpu.memory_space<vmem>> -> memref<40x128xi32, #tpu.memory_space<vmem>>
      %dma_wait3A_90 = arith.constant 0 : i32
      %dma_wait3A_91 = tpu.memref_slice %arg3[%add3A_6, %dma_wait3A_90] : memref<2560x128xi32, #tpu.memory_space<hbm>> -> memref<40x128xi32, #tpu.memory_space<hbm>>
      %dma_wait3A_92 = arith.constant 0 : i32
      %dma_wait3A_93 = arith.constant 0 : i32
      %dma_wait3A_94 = tpu.memref_slice %arg8[%dma_wait3A_92, %dma_wait3A_93] : memref<40x128xi32, #tpu.memory_space<vmem>> -> memref<40x128xi32, #tpu.memory_space<vmem>>
      %dma_wait3A_95 = arith.constant 0 : i32
      %dma_wait3A_96 = tpu.memref_slice %arg3[%add3A_6, %dma_wait3A_95] : memref<2560x128xi32, #tpu.memory_space<hbm>> -> memref<40x128xi32, #tpu.memory_space<hbm>>
      tpu.wait_dma2 semaphore(%run_scoped3A_76 : memref<!tpu.dma_semaphore, #tpu.memory_space<semaphore_mem>>) src(%dma_wait3A_96 : memref<40x128xi32, #tpu.memory_space<hbm>>) dst(%dma_wait3A_94 : memref<40x128xi32, #tpu.memory_space<vmem>>)
      tpu.yield
    }) : () -> ()
    "tpu.region"() ({
      %run_scoped3A_76 = tpu.sem_alloc : memref<!tpu.dma_semaphore, #tpu.memory_space<semaphore_mem>>
      %dma_start3A_77 = arith.constant 0 : i32
      %dma_start3A_78 = arith.constant 0 : i32
      %dma_start3A_79 = tpu.memref_slice %arg9[%dma_start3A_77, %dma_start3A_78] : memref<40x128xi32, #tpu.memory_space<vmem>> -> memref<40x128xi32, #tpu.memory_space<vmem>>
      %dma_start3A_80 = arith.constant 0 : i32
      %dma_start3A_81 = tpu.memref_slice %arg4[%add3A_6, %dma_start3A_80] : memref<2560x128xi32, #tpu.memory_space<hbm>> -> memref<40x128xi32, #tpu.memory_space<hbm>>
      %dma_start3A_82 = arith.constant 0 : i32
      %dma_start3A_83 = arith.constant 0 : i32
      %dma_start3A_84 = tpu.memref_slice %arg9[%dma_start3A_82, %dma_start3A_83] : memref<40x128xi32, #tpu.memory_space<vmem>> -> memref<40x128xi32, #tpu.memory_space<vmem>>
      %dma_start3A_85 = arith.constant 0 : i32
      %dma_start3A_86 = tpu.memref_slice %arg4[%add3A_6, %dma_start3A_85] : memref<2560x128xi32, #tpu.memory_space<hbm>> -> memref<40x128xi32, #tpu.memory_space<hbm>>
      tpu.enqueue_dma source(%dma_start3A_86 : memref<40x128xi32, #tpu.memory_space<hbm>>) target(%dma_start3A_84 : memref<40x128xi32, #tpu.memory_space<vmem>>) target_semaphore(%run_scoped3A_76 : memref<!tpu.dma_semaphore, #tpu.memory_space<semaphore_mem>>)
      %dma_wait3A_87 = arith.constant 0 : i32
      %dma_wait3A_88 = arith.constant 0 : i32
      %dma_wait3A_89 = tpu.memref_slice %arg9[%dma_wait3A_87, %dma_wait3A_88] : memref<40x128xi32, #tpu.memory_space<vmem>> -> memref<40x128xi32, #tpu.memory_space<vmem>>
      %dma_wait3A_90 = arith.constant 0 : i32
      %dma_wait3A_91 = tpu.memref_slice %arg4[%add3A_6, %dma_wait3A_90] : memref<2560x128xi32, #tpu.memory_space<hbm>> -> memref<40x128xi32, #tpu.memory_space<hbm>>
      %dma_wait3A_92 = arith.constant 0 : i32
      %dma_wait3A_93 = arith.constant 0 : i32
      %dma_wait3A_94 = tpu.memref_slice %arg9[%dma_wait3A_92, %dma_wait3A_93] : memref<40x128xi32, #tpu.memory_space<vmem>> -> memref<40x128xi32, #tpu.memory_space<vmem>>
      %dma_wait3A_95 = arith.constant 0 : i32
      %dma_wait3A_96 = tpu.memref_slice %arg4[%add3A_6, %dma_wait3A_95] : memref<2560x128xi32, #tpu.memory_space<hbm>> -> memref<40x128xi32, #tpu.memory_space<hbm>>
      tpu.wait_dma2 semaphore(%run_scoped3A_76 : memref<!tpu.dma_semaphore, #tpu.memory_space<semaphore_mem>>) src(%dma_wait3A_96 : memref<40x128xi32, #tpu.memory_space<hbm>>) dst(%dma_wait3A_94 : memref<40x128xi32, #tpu.memory_space<vmem>>)
      tpu.yield
    }) : () -> ()
    %dma_start3A = arith.constant 0 : i32
    %dma_start3A_7 = arith.constant 0 : i32
    %dma_start3A_8 = tpu.memref_slice %arg8[%dma_start3A, %dma_start3A_7] : memref<40x128xi32, #tpu.memory_space<vmem>> -> memref<1x128xi32, #tpu.memory_space<vmem>>
    %dma_start3A_9 = tpu.memref_squeeze %dma_start3A_8 : memref<1x128xi32, #tpu.memory_space<vmem>> -> memref<128xi32, #tpu.memory_space<vmem>>
    %dma_start3A_10 = arith.constant 0 : i32
    %dma_start3A_11 = arith.constant 0 : i32
    %dma_start3A_12 = tpu.memref_slice %arg2[%dma_start3A_10, %dma_start3A_11] : memref<10240x128xf32, #tpu.memory_space<hbm>> -> memref<10240x128xf32, #tpu.memory_space<hbm>>
    tpu.enqueue_indirect_dma source(%dma_start3A_12 : memref<10240x128xf32, #tpu.memory_space<hbm>>) target(%arg10 : memref<128x128xf32, #tpu.memory_space<vmem>>) offsets(%dma_start3A_9 : memref<128xi32, #tpu.memory_space<vmem>>) semaphore(%arg12 : memref<!tpu.dma_semaphore, #tpu.memory_space<semaphore_mem>>)
    %scan3A = arith.constant 0 : i32
    %scan3A_13 = arith.constant 0 : i32
    %scan3A_14 = arith.constant 19 : i32
    %scan3A_15 = arith.addi %scan3A_13, %scan3A_14 : i32
    %scan3A_16 = arith.constant 1 : i32
    scf.for %scan3A_76 = %scan3A_13 to %scan3A_15 step %scan3A_16  : i32 {
      %mul3A_77 = arith.constant 2 : i32
      %mul3A_78 = arith.muli %mul3A_77, %scan3A_76 : i32
      %dma_wait3A_79 = arith.constant 0 : i32
      %dma_wait3A_80 = arith.constant 0 : i32
      %dma_wait3A_81 = tpu.memref_slice %arg2[%dma_wait3A_79, %dma_wait3A_80] : memref<10240x128xf32, #tpu.memory_space<hbm>> -> memref<128x128xf32, #tpu.memory_space<hbm>>
      %dma_wait3A_82 = arith.constant 0 : i32
      %dma_wait3A_83 = arith.constant 0 : i32
      %dma_wait3A_84 = tpu.memref_slice %arg2[%dma_wait3A_82, %dma_wait3A_83] : memref<10240x128xf32, #tpu.memory_space<hbm>> -> memref<128x128xf32, #tpu.memory_space<hbm>>
      tpu.wait_dma2 semaphore(%arg12 : memref<!tpu.dma_semaphore, #tpu.memory_space<semaphore_mem>>) src(%dma_wait3A_84 : memref<128x128xf32, #tpu.memory_space<hbm>>) dst(%arg10 : memref<128x128xf32, #tpu.memory_space<vmem>>)
      %add3A_85 = arith.constant 1 : i32
      %add3A_86 = arith.addi %mul3A_78, %add3A_85 : i32
      %dma_start3A_87 = arith.constant 0 : i32
      %dma_start3A_88 = tpu.memref_slice %arg8[%add3A_86, %dma_start3A_87] : memref<40x128xi32, #tpu.memory_space<vmem>> -> memref<1x128xi32, #tpu.memory_space<vmem>>
      %dma_start3A_89 = tpu.memref_squeeze %dma_start3A_88 : memref<1x128xi32, #tpu.memory_space<vmem>> -> memref<128xi32, #tpu.memory_space<vmem>>
      %dma_start3A_90 = arith.constant 0 : i32
      %dma_start3A_91 = arith.constant 0 : i32
      %dma_start3A_92 = tpu.memref_slice %arg2[%dma_start3A_90, %dma_start3A_91] : memref<10240x128xf32, #tpu.memory_space<hbm>> -> memref<10240x128xf32, #tpu.memory_space<hbm>>
      tpu.enqueue_indirect_dma source(%dma_start3A_92 : memref<10240x128xf32, #tpu.memory_space<hbm>>) target(%arg11 : memref<128x128xf32, #tpu.memory_space<vmem>>) offsets(%dma_start3A_89 : memref<128xi32, #tpu.memory_space<vmem>>) semaphore(%arg13 : memref<!tpu.dma_semaphore, #tpu.memory_space<semaphore_mem>>)
      "tpu.region"() ({
        %run_scoped3A_109 = tpu.sem_alloc : memref<!tpu.dma_semaphore, #tpu.memory_space<semaphore_mem>>
        %dma_start3A_110 = arith.constant 0 : i32
        %dma_start3A_111 = tpu.memref_slice %arg9[%mul3A_78, %dma_start3A_110] : memref<40x128xi32, #tpu.memory_space<vmem>> -> memref<1x128xi32, #tpu.memory_space<vmem>>
        %dma_start3A_112 = tpu.memref_squeeze %dma_start3A_111 : memref<1x128xi32, #tpu.memory_space<vmem>> -> memref<128xi32, #tpu.memory_space<vmem>>
        %dma_start3A_113 = arith.constant 0 : i32
        %dma_start3A_114 = arith.constant 0 : i32
        %dma_start3A_115 = tpu.memref_slice %arg7[%dma_start3A_113, %dma_start3A_114] : memref<10240x128xf32, #tpu.memory_space<vmem_shared>> -> memref<10240x128xf32, #tpu.memory_space<vmem_shared>>
        tpu.enqueue_indirect_dma source(%arg10 : memref<128x128xf32, #tpu.memory_space<vmem>>) target(%dma_start3A_115 : memref<10240x128xf32, #tpu.memory_space<vmem_shared>>) offsets(%dma_start3A_112 : memref<128xi32, #tpu.memory_space<vmem>>) semaphore(%run_scoped3A_109 : memref<!tpu.dma_semaphore, #tpu.memory_space<semaphore_mem>>) {add = true}
        %dma_wait3A_116 = arith.constant 0 : i32
        %dma_wait3A_117 = tpu.memref_slice %arg9[%mul3A_78, %dma_wait3A_116] : memref<40x128xi32, #tpu.memory_space<vmem>> -> memref<1x128xi32, #tpu.memory_space<vmem>>
        %dma_wait3A_118 = tpu.memref_squeeze %dma_wait3A_117 : memref<1x128xi32, #tpu.memory_space<vmem>> -> memref<128xi32, #tpu.memory_space<vmem>>
        %dma_wait3A_119 = arith.constant 0 : i32
        %dma_wait3A_120 = arith.constant 0 : i32
        %dma_wait3A_121 = tpu.memref_slice %arg7[%dma_wait3A_119, %dma_wait3A_120] : memref<10240x128xf32, #tpu.memory_space<vmem_shared>> -> memref<10240x128xf32, #tpu.memory_space<vmem_shared>>
        tpu.wait_indirect_dma semaphore(%run_scoped3A_109 : memref<!tpu.dma_semaphore, #tpu.memory_space<semaphore_mem>>) src(%arg10 : memref<128x128xf32, #tpu.memory_space<vmem>>) dst(%dma_wait3A_121 : memref<10240x128xf32, #tpu.memory_space<vmem_shared>>)
        tpu.yield
      }) : () -> ()
      %dma_wait3A_93 = arith.constant 0 : i32
      %dma_wait3A_94 = arith.constant 0 : i32
      %dma_wait3A_95 = tpu.memref_slice %arg2[%dma_wait3A_93, %dma_wait3A_94] : memref<10240x128xf32, #tpu.memory_space<hbm>> -> memref<128x128xf32, #tpu.memory_space<hbm>>
      %dma_wait3A_96 = arith.constant 0 : i32
      %dma_wait3A_97 = arith.constant 0 : i32
      %dma_wait3A_98 = tpu.memref_slice %arg2[%dma_wait3A_96, %dma_wait3A_97] : memref<10240x128xf32, #tpu.memory_space<hbm>> -> memref<128x128xf32, #tpu.memory_space<hbm>>
      tpu.wait_dma2 semaphore(%arg13 : memref<!tpu.dma_semaphore, #tpu.memory_space<semaphore_mem>>) src(%dma_wait3A_98 : memref<128x128xf32, #tpu.memory_space<hbm>>) dst(%arg11 : memref<128x128xf32, #tpu.memory_space<vmem>>)
      %add3A_99 = arith.constant 2 : i32
      %add3A_100 = arith.addi %mul3A_78, %add3A_99 : i32
      %dma_start3A_101 = arith.constant 0 : i32
      %dma_start3A_102 = tpu.memref_slice %arg8[%add3A_100, %dma_start3A_101] : memref<40x128xi32, #tpu.memory_space<vmem>> -> memref<1x128xi32, #tpu.memory_space<vmem>>
      %dma_start3A_103 = tpu.memref_squeeze %dma_start3A_102 : memref<1x128xi32, #tpu.memory_space<vmem>> -> memref<128xi32, #tpu.memory_space<vmem>>
      %dma_start3A_104 = arith.constant 0 : i32
      %dma_start3A_105 = arith.constant 0 : i32
      %dma_start3A_106 = tpu.memref_slice %arg2[%dma_start3A_104, %dma_start3A_105] : memref<10240x128xf32, #tpu.memory_space<hbm>> -> memref<10240x128xf32, #tpu.memory_space<hbm>>
      tpu.enqueue_indirect_dma source(%dma_start3A_106 : memref<10240x128xf32, #tpu.memory_space<hbm>>) target(%arg10 : memref<128x128xf32, #tpu.memory_space<vmem>>) offsets(%dma_start3A_103 : memref<128xi32, #tpu.memory_space<vmem>>) semaphore(%arg12 : memref<!tpu.dma_semaphore, #tpu.memory_space<semaphore_mem>>)
      %add3A_107 = arith.constant 1 : i32
      %add3A_108 = arith.addi %mul3A_78, %add3A_107 : i32
      "tpu.region"() ({
        %run_scoped3A_109 = tpu.sem_alloc : memref<!tpu.dma_semaphore, #tpu.memory_space<semaphore_mem>>
        %dma_start3A_110 = arith.constant 0 : i32
        %dma_start3A_111 = tpu.memref_slice %arg9[%add3A_108, %dma_start3A_110] : memref<40x128xi32, #tpu.memory_space<vmem>> -> memref<1x128xi32, #tpu.memory_space<vmem>>
        %dma_start3A_112 = tpu.memref_squeeze %dma_start3A_111 : memref<1x128xi32, #tpu.memory_space<vmem>> -> memref<128xi32, #tpu.memory_space<vmem>>
        %dma_start3A_113 = arith.constant 0 : i32
        %dma_start3A_114 = arith.constant 0 : i32
        %dma_start3A_115 = tpu.memref_slice %arg7[%dma_start3A_113, %dma_start3A_114] : memref<10240x128xf32, #tpu.memory_space<vmem_shared>> -> memref<10240x128xf32, #tpu.memory_space<vmem_shared>>
        tpu.enqueue_indirect_dma source(%arg11 : memref<128x128xf32, #tpu.memory_space<vmem>>) target(%dma_start3A_115 : memref<10240x128xf32, #tpu.memory_space<vmem_shared>>) offsets(%dma_start3A_112 : memref<128xi32, #tpu.memory_space<vmem>>) semaphore(%run_scoped3A_109 : memref<!tpu.dma_semaphore, #tpu.memory_space<semaphore_mem>>) {add = true}
        %dma_wait3A_116 = arith.constant 0 : i32
        %dma_wait3A_117 = tpu.memref_slice %arg9[%add3A_108, %dma_wait3A_116] : memref<40x128xi32, #tpu.memory_space<vmem>> -> memref<1x128xi32, #tpu.memory_space<vmem>>
        %dma_wait3A_118 = tpu.memref_squeeze %dma_wait3A_117 : memref<1x128xi32, #tpu.memory_space<vmem>> -> memref<128xi32, #tpu.memory_space<vmem>>
        %dma_wait3A_119 = arith.constant 0 : i32
        %dma_wait3A_120 = arith.constant 0 : i32
        %dma_wait3A_121 = tpu.memref_slice %arg7[%dma_wait3A_119, %dma_wait3A_120] : memref<10240x128xf32, #tpu.memory_space<vmem_shared>> -> memref<10240x128xf32, #tpu.memory_space<vmem_shared>>
        tpu.wait_indirect_dma semaphore(%run_scoped3A_109 : memref<!tpu.dma_semaphore, #tpu.memory_space<semaphore_mem>>) src(%arg11 : memref<128x128xf32, #tpu.memory_space<vmem>>) dst(%dma_wait3A_121 : memref<10240x128xf32, #tpu.memory_space<vmem_shared>>)
        tpu.yield
      }) : () -> ()
    }
    %scan3A_17 = arith.constant 19 : i32
    %dma_wait3A = arith.constant 0 : i32
    %dma_wait3A_18 = arith.constant 0 : i32
    %dma_wait3A_19 = tpu.memref_slice %arg2[%dma_wait3A, %dma_wait3A_18] : memref<10240x128xf32, #tpu.memory_space<hbm>> -> memref<128x128xf32, #tpu.memory_space<hbm>>
    %dma_wait3A_20 = arith.constant 0 : i32
    %dma_wait3A_21 = arith.constant 0 : i32
    %dma_wait3A_22 = tpu.memref_slice %arg2[%dma_wait3A_20, %dma_wait3A_21] : memref<10240x128xf32, #tpu.memory_space<hbm>> -> memref<128x128xf32, #tpu.memory_space<hbm>>
    tpu.wait_dma2 semaphore(%arg12 : memref<!tpu.dma_semaphore, #tpu.memory_space<semaphore_mem>>) src(%dma_wait3A_22 : memref<128x128xf32, #tpu.memory_space<hbm>>) dst(%arg10 : memref<128x128xf32, #tpu.memory_space<vmem>>)
    %dma_start3A_23 = arith.constant 39 : i32
    %dma_start3A_24 = arith.constant 0 : i32
    %dma_start3A_25 = tpu.memref_slice %arg8[%dma_start3A_23, %dma_start3A_24] : memref<40x128xi32, #tpu.memory_space<vmem>> -> memref<1x128xi32, #tpu.memory_space<vmem>>
    %dma_start3A_26 = tpu.memref_squeeze %dma_start3A_25 : memref<1x128xi32, #tpu.memory_space<vmem>> -> memref<128xi32, #tpu.memory_space<vmem>>
    %dma_start3A_27 = arith.constant 0 : i32
    %dma_start3A_28 = arith.constant 0 : i32
    %dma_start3A_29 = tpu.memref_slice %arg2[%dma_start3A_27, %dma_start3A_28] : memref<10240x128xf32, #tpu.memory_space<hbm>> -> memref<10240x128xf32, #tpu.memory_space<hbm>>
    tpu.enqueue_indirect_dma source(%dma_start3A_29 : memref<10240x128xf32, #tpu.memory_space<hbm>>) target(%arg11 : memref<128x128xf32, #tpu.memory_space<vmem>>) offsets(%dma_start3A_26 : memref<128xi32, #tpu.memory_space<vmem>>) semaphore(%arg13 : memref<!tpu.dma_semaphore, #tpu.memory_space<semaphore_mem>>)
    %run_scoped3A = arith.constant 38 : i32
    "tpu.region"() ({
      %run_scoped3A_76 = tpu.sem_alloc : memref<!tpu.dma_semaphore, #tpu.memory_space<semaphore_mem>>
      %dma_start3A_77 = arith.constant 0 : i32
      %dma_start3A_78 = tpu.memref_slice %arg9[%run_scoped3A, %dma_start3A_77] : memref<40x128xi32, #tpu.memory_space<vmem>> -> memref<1x128xi32, #tpu.memory_space<vmem>>
      %dma_start3A_79 = tpu.memref_squeeze %dma_start3A_78 : memref<1x128xi32, #tpu.memory_space<vmem>> -> memref<128xi32, #tpu.memory_space<vmem>>
      %dma_start3A_80 = arith.constant 0 : i32
      %dma_start3A_81 = arith.constant 0 : i32
      %dma_start3A_82 = tpu.memref_slice %arg7[%dma_start3A_80, %dma_start3A_81] : memref<10240x128xf32, #tpu.memory_space<vmem_shared>> -> memref<10240x128xf32, #tpu.memory_space<vmem_shared>>
      tpu.enqueue_indirect_dma source(%arg10 : memref<128x128xf32, #tpu.memory_space<vmem>>) target(%dma_start3A_82 : memref<10240x128xf32, #tpu.memory_space<vmem_shared>>) offsets(%dma_start3A_79 : memref<128xi32, #tpu.memory_space<vmem>>) semaphore(%run_scoped3A_76 : memref<!tpu.dma_semaphore, #tpu.memory_space<semaphore_mem>>) {add = true}
      %dma_wait3A_83 = arith.constant 0 : i32
      %dma_wait3A_84 = tpu.memref_slice %arg9[%run_scoped3A, %dma_wait3A_83] : memref<40x128xi32, #tpu.memory_space<vmem>> -> memref<1x128xi32, #tpu.memory_space<vmem>>
      %dma_wait3A_85 = tpu.memref_squeeze %dma_wait3A_84 : memref<1x128xi32, #tpu.memory_space<vmem>> -> memref<128xi32, #tpu.memory_space<vmem>>
      %dma_wait3A_86 = arith.constant 0 : i32
      %dma_wait3A_87 = arith.constant 0 : i32
      %dma_wait3A_88 = tpu.memref_slice %arg7[%dma_wait3A_86, %dma_wait3A_87] : memref<10240x128xf32, #tpu.memory_space<vmem_shared>> -> memref<10240x128xf32, #tpu.memory_space<vmem_shared>>
      tpu.wait_indirect_dma semaphore(%run_scoped3A_76 : memref<!tpu.dma_semaphore, #tpu.memory_space<semaphore_mem>>) src(%arg10 : memref<128x128xf32, #tpu.memory_space<vmem>>) dst(%dma_wait3A_88 : memref<10240x128xf32, #tpu.memory_space<vmem_shared>>)
      tpu.yield
    }) : () -> ()
    %dma_wait3A_30 = arith.constant 0 : i32
    %dma_wait3A_31 = arith.constant 0 : i32
    %dma_wait3A_32 = tpu.memref_slice %arg2[%dma_wait3A_30, %dma_wait3A_31] : memref<10240x128xf32, #tpu.memory_space<hbm>> -> memref<128x128xf32, #tpu.memory_space<hbm>>
    %dma_wait3A_33 = arith.constant 0 : i32
    %dma_wait3A_34 = arith.constant 0 : i32
    %dma_wait3A_35 = tpu.memref_slice %arg2[%dma_wait3A_33, %dma_wait3A_34] : memref<10240x128xf32, #tpu.memory_space<hbm>> -> memref<128x128xf32, #tpu.memory_space<hbm>>
    tpu.wait_dma2 semaphore(%arg13 : memref<!tpu.dma_semaphore, #tpu.memory_space<semaphore_mem>>) src(%dma_wait3A_35 : memref<128x128xf32, #tpu.memory_space<hbm>>) dst(%arg11 : memref<128x128xf32, #tpu.memory_space<vmem>>)
    %run_scoped3A_36 = arith.constant 39 : i32
    "tpu.region"() ({
      %run_scoped3A_76 = tpu.sem_alloc : memref<!tpu.dma_semaphore, #tpu.memory_space<semaphore_mem>>
      %dma_start3A_77 = arith.constant 0 : i32
      %dma_start3A_78 = tpu.memref_slice %arg9[%run_scoped3A_36, %dma_start3A_77] : memref<40x128xi32, #tpu.memory_space<vmem>> -> memref<1x128xi32, #tpu.memory_space<vmem>>
      %dma_start3A_79 = tpu.memref_squeeze %dma_start3A_78 : memref<1x128xi32, #tpu.memory_space<vmem>> -> memref<128xi32, #tpu.memory_space<vmem>>
      %dma_start3A_80 = arith.constant 0 : i32
      %dma_start3A_81 = arith.constant 0 : i32
      %dma_start3A_82 = tpu.memref_slice %arg7[%dma_start3A_80, %dma_start3A_81] : memref<10240x128xf32, #tpu.memory_space<vmem_shared>> -> memref<10240x128xf32, #tpu.memory_space<vmem_shared>>
      tpu.enqueue_indirect_dma source(%arg11 : memref<128x128xf32, #tpu.memory_space<vmem>>) target(%dma_start3A_82 : memref<10240x128xf32, #tpu.memory_space<vmem_shared>>) offsets(%dma_start3A_79 : memref<128xi32, #tpu.memory_space<vmem>>) semaphore(%run_scoped3A_76 : memref<!tpu.dma_semaphore, #tpu.memory_space<semaphore_mem>>) {add = true}
      %dma_wait3A_83 = arith.constant 0 : i32
      %dma_wait3A_84 = tpu.memref_slice %arg9[%run_scoped3A_36, %dma_wait3A_83] : memref<40x128xi32, #tpu.memory_space<vmem>> -> memref<1x128xi32, #tpu.memory_space<vmem>>
      %dma_wait3A_85 = tpu.memref_squeeze %dma_wait3A_84 : memref<1x128xi32, #tpu.memory_space<vmem>> -> memref<128xi32, #tpu.memory_space<vmem>>
      %dma_wait3A_86 = arith.constant 0 : i32
      %dma_wait3A_87 = arith.constant 0 : i32
      %dma_wait3A_88 = tpu.memref_slice %arg7[%dma_wait3A_86, %dma_wait3A_87] : memref<10240x128xf32, #tpu.memory_space<vmem_shared>> -> memref<10240x128xf32, #tpu.memory_space<vmem_shared>>
      tpu.wait_indirect_dma semaphore(%run_scoped3A_76 : memref<!tpu.dma_semaphore, #tpu.memory_space<semaphore_mem>>) src(%arg11 : memref<128x128xf32, #tpu.memory_space<vmem>>) dst(%dma_wait3A_88 : memref<10240x128xf32, #tpu.memory_space<vmem_shared>>)
      tpu.yield
    }) : () -> ()
    %mul3A_37 = arith.constant 80 : i32
    %mul3A_38 = arith.muli %add3A, %mul3A_37 : i32
    %add3A_39 = arith.constant 40 : i32
    %add3A_40 = arith.addi %mul3A_38, %add3A_39 : i32
    "tpu.region"() ({
      %run_scoped3A_76 = tpu.sem_alloc : memref<!tpu.dma_semaphore, #tpu.memory_space<semaphore_mem>>
      %dma_start3A_77 = arith.constant 0 : i32
      %dma_start3A_78 = arith.constant 0 : i32
      %dma_start3A_79 = tpu.memref_slice %arg8[%dma_start3A_77, %dma_start3A_78] : memref<40x128xi32, #tpu.memory_space<vmem>> -> memref<40x128xi32, #tpu.memory_space<vmem>>
      %dma_start3A_80 = arith.constant 0 : i32
      %dma_start3A_81 = tpu.memref_slice %arg3[%add3A_40, %dma_start3A_80] : memref<2560x128xi32, #tpu.memory_space<hbm>> -> memref<40x128xi32, #tpu.memory_space<hbm>>
      %dma_start3A_82 = arith.constant 0 : i32
      %dma_start3A_83 = arith.constant 0 : i32
      %dma_start3A_84 = tpu.memref_slice %arg8[%dma_start3A_82, %dma_start3A_83] : memref<40x128xi32, #tpu.memory_space<vmem>> -> memref<40x128xi32, #tpu.memory_space<vmem>>
      %dma_start3A_85 = arith.constant 0 : i32
      %dma_start3A_86 = tpu.memref_slice %arg3[%add3A_40, %dma_start3A_85] : memref<2560x128xi32, #tpu.memory_space<hbm>> -> memref<40x128xi32, #tpu.memory_space<hbm>>
      tpu.enqueue_dma source(%dma_start3A_86 : memref<40x128xi32, #tpu.memory_space<hbm>>) target(%dma_start3A_84 : memref<40x128xi32, #tpu.memory_space<vmem>>) target_semaphore(%run_scoped3A_76 : memref<!tpu.dma_semaphore, #tpu.memory_space<semaphore_mem>>)
      %dma_wait3A_87 = arith.constant 0 : i32
      %dma_wait3A_88 = arith.constant 0 : i32
      %dma_wait3A_89 = tpu.memref_slice %arg8[%dma_wait3A_87, %dma_wait3A_88] : memref<40x128xi32, #tpu.memory_space<vmem>> -> memref<40x128xi32, #tpu.memory_space<vmem>>
      %dma_wait3A_90 = arith.constant 0 : i32
      %dma_wait3A_91 = tpu.memref_slice %arg3[%add3A_40, %dma_wait3A_90] : memref<2560x128xi32, #tpu.memory_space<hbm>> -> memref<40x128xi32, #tpu.memory_space<hbm>>
      %dma_wait3A_92 = arith.constant 0 : i32
      %dma_wait3A_93 = arith.constant 0 : i32
      %dma_wait3A_94 = tpu.memref_slice %arg8[%dma_wait3A_92, %dma_wait3A_93] : memref<40x128xi32, #tpu.memory_space<vmem>> -> memref<40x128xi32, #tpu.memory_space<vmem>>
      %dma_wait3A_95 = arith.constant 0 : i32
      %dma_wait3A_96 = tpu.memref_slice %arg3[%add3A_40, %dma_wait3A_95] : memref<2560x128xi32, #tpu.memory_space<hbm>> -> memref<40x128xi32, #tpu.memory_space<hbm>>
      tpu.wait_dma2 semaphore(%run_scoped3A_76 : memref<!tpu.dma_semaphore, #tpu.memory_space<semaphore_mem>>) src(%dma_wait3A_96 : memref<40x128xi32, #tpu.memory_space<hbm>>) dst(%dma_wait3A_94 : memref<40x128xi32, #tpu.memory_space<vmem>>)
      tpu.yield
    }) : () -> ()
    "tpu.region"() ({
      %run_scoped3A_76 = tpu.sem_alloc : memref<!tpu.dma_semaphore, #tpu.memory_space<semaphore_mem>>
      %dma_start3A_77 = arith.constant 0 : i32
      %dma_start3A_78 = arith.constant 0 : i32
      %dma_start3A_79 = tpu.memref_slice %arg9[%dma_start3A_77, %dma_start3A_78] : memref<40x128xi32, #tpu.memory_space<vmem>> -> memref<40x128xi32, #tpu.memory_space<vmem>>
      %dma_start3A_80 = arith.constant 0 : i32
      %dma_start3A_81 = tpu.memref_slice %arg4[%add3A_40, %dma_start3A_80] : memref<2560x128xi32, #tpu.memory_space<hbm>> -> memref<40x128xi32, #tpu.memory_space<hbm>>
      %dma_start3A_82 = arith.constant 0 : i32
      %dma_start3A_83 = arith.constant 0 : i32
      %dma_start3A_84 = tpu.memref_slice %arg9[%dma_start3A_82, %dma_start3A_83] : memref<40x128xi32, #tpu.memory_space<vmem>> -> memref<40x128xi32, #tpu.memory_space<vmem>>
      %dma_start3A_85 = arith.constant 0 : i32
      %dma_start3A_86 = tpu.memref_slice %arg4[%add3A_40, %dma_start3A_85] : memref<2560x128xi32, #tpu.memory_space<hbm>> -> memref<40x128xi32, #tpu.memory_space<hbm>>
      tpu.enqueue_dma source(%dma_start3A_86 : memref<40x128xi32, #tpu.memory_space<hbm>>) target(%dma_start3A_84 : memref<40x128xi32, #tpu.memory_space<vmem>>) target_semaphore(%run_scoped3A_76 : memref<!tpu.dma_semaphore, #tpu.memory_space<semaphore_mem>>)
      %dma_wait3A_87 = arith.constant 0 : i32
      %dma_wait3A_88 = arith.constant 0 : i32
      %dma_wait3A_89 = tpu.memref_slice %arg9[%dma_wait3A_87, %dma_wait3A_88] : memref<40x128xi32, #tpu.memory_space<vmem>> -> memref<40x128xi32, #tpu.memory_space<vmem>>
      %dma_wait3A_90 = arith.constant 0 : i32
      %dma_wait3A_91 = tpu.memref_slice %arg4[%add3A_40, %dma_wait3A_90] : memref<2560x128xi32, #tpu.memory_space<hbm>> -> memref<40x128xi32, #tpu.memory_space<hbm>>
      %dma_wait3A_92 = arith.constant 0 : i32
      %dma_wait3A_93 = arith.constant 0 : i32
      %dma_wait3A_94 = tpu.memref_slice %arg9[%dma_wait3A_92, %dma_wait3A_93] : memref<40x128xi32, #tpu.memory_space<vmem>> -> memref<40x128xi32, #tpu.memory_space<vmem>>
      %dma_wait3A_95 = arith.constant 0 : i32
      %dma_wait3A_96 = tpu.memref_slice %arg4[%add3A_40, %dma_wait3A_95] : memref<2560x128xi32, #tpu.memory_space<hbm>> -> memref<40x128xi32, #tpu.memory_space<hbm>>
      tpu.wait_dma2 semaphore(%run_scoped3A_76 : memref<!tpu.dma_semaphore, #tpu.memory_space<semaphore_mem>>) src(%dma_wait3A_96 : memref<40x128xi32, #tpu.memory_space<hbm>>) dst(%dma_wait3A_94 : memref<40x128xi32, #tpu.memory_space<vmem>>)
      tpu.yield
    }) : () -> ()
    %dma_start3A_41 = arith.constant 0 : i32
    %dma_start3A_42 = arith.constant 0 : i32
    %dma_start3A_43 = tpu.memref_slice %arg8[%dma_start3A_41, %dma_start3A_42] : memref<40x128xi32, #tpu.memory_space<vmem>> -> memref<1x128xi32, #tpu.memory_space<vmem>>
    %dma_start3A_44 = tpu.memref_squeeze %dma_start3A_43 : memref<1x128xi32, #tpu.memory_space<vmem>> -> memref<128xi32, #tpu.memory_space<vmem>>
    %dma_start3A_45 = arith.constant 0 : i32
    %dma_start3A_46 = arith.constant 0 : i32
    %dma_start3A_47 = tpu.memref_slice %arg2[%dma_start3A_45, %dma_start3A_46] : memref<10240x128xf32, #tpu.memory_space<hbm>> -> memref<10240x128xf32, #tpu.memory_space<hbm>>
    tpu.enqueue_indirect_dma source(%dma_start3A_47 : memref<10240x128xf32, #tpu.memory_space<hbm>>) target(%arg10 : memref<128x128xf32, #tpu.memory_space<vmem>>) offsets(%dma_start3A_44 : memref<128xi32, #tpu.memory_space<vmem>>) semaphore(%arg12 : memref<!tpu.dma_semaphore, #tpu.memory_space<semaphore_mem>>)
    %scan3A_48 = arith.constant 0 : i32
    %scan3A_49 = arith.constant 0 : i32
    %scan3A_50 = arith.constant 19 : i32
    %scan3A_51 = arith.addi %scan3A_49, %scan3A_50 : i32
    %scan3A_52 = arith.constant 1 : i32
    scf.for %scan3A_76 = %scan3A_49 to %scan3A_51 step %scan3A_52  : i32 {
      %mul3A_77 = arith.constant 2 : i32
      %mul3A_78 = arith.muli %mul3A_77, %scan3A_76 : i32
      %dma_wait3A_79 = arith.constant 0 : i32
      %dma_wait3A_80 = arith.constant 0 : i32
      %dma_wait3A_81 = tpu.memref_slice %arg2[%dma_wait3A_79, %dma_wait3A_80] : memref<10240x128xf32, #tpu.memory_space<hbm>> -> memref<128x128xf32, #tpu.memory_space<hbm>>
      %dma_wait3A_82 = arith.constant 0 : i32
      %dma_wait3A_83 = arith.constant 0 : i32
      %dma_wait3A_84 = tpu.memref_slice %arg2[%dma_wait3A_82, %dma_wait3A_83] : memref<10240x128xf32, #tpu.memory_space<hbm>> -> memref<128x128xf32, #tpu.memory_space<hbm>>
      tpu.wait_dma2 semaphore(%arg12 : memref<!tpu.dma_semaphore, #tpu.memory_space<semaphore_mem>>) src(%dma_wait3A_84 : memref<128x128xf32, #tpu.memory_space<hbm>>) dst(%arg10 : memref<128x128xf32, #tpu.memory_space<vmem>>)
      %add3A_85 = arith.constant 1 : i32
      %add3A_86 = arith.addi %mul3A_78, %add3A_85 : i32
      %dma_start3A_87 = arith.constant 0 : i32
      %dma_start3A_88 = tpu.memref_slice %arg8[%add3A_86, %dma_start3A_87] : memref<40x128xi32, #tpu.memory_space<vmem>> -> memref<1x128xi32, #tpu.memory_space<vmem>>
      %dma_start3A_89 = tpu.memref_squeeze %dma_start3A_88 : memref<1x128xi32, #tpu.memory_space<vmem>> -> memref<128xi32, #tpu.memory_space<vmem>>
      %dma_start3A_90 = arith.constant 0 : i32
      %dma_start3A_91 = arith.constant 0 : i32
      %dma_start3A_92 = tpu.memref_slice %arg2[%dma_start3A_90, %dma_start3A_91] : memref<10240x128xf32, #tpu.memory_space<hbm>> -> memref<10240x128xf32, #tpu.memory_space<hbm>>
      tpu.enqueue_indirect_dma source(%dma_start3A_92 : memref<10240x128xf32, #tpu.memory_space<hbm>>) target(%arg11 : memref<128x128xf32, #tpu.memory_space<vmem>>) offsets(%dma_start3A_89 : memref<128xi32, #tpu.memory_space<vmem>>) semaphore(%arg13 : memref<!tpu.dma_semaphore, #tpu.memory_space<semaphore_mem>>)
      "tpu.region"() ({
        %run_scoped3A_109 = tpu.sem_alloc : memref<!tpu.dma_semaphore, #tpu.memory_space<semaphore_mem>>
        %dma_start3A_110 = arith.constant 0 : i32
        %dma_start3A_111 = tpu.memref_slice %arg9[%mul3A_78, %dma_start3A_110] : memref<40x128xi32, #tpu.memory_space<vmem>> -> memref<1x128xi32, #tpu.memory_space<vmem>>
        %dma_start3A_112 = tpu.memref_squeeze %dma_start3A_111 : memref<1x128xi32, #tpu.memory_space<vmem>> -> memref<128xi32, #tpu.memory_space<vmem>>
        %dma_start3A_113 = arith.constant 0 : i32
        %dma_start3A_114 = arith.constant 0 : i32
        %dma_start3A_115 = tpu.memref_slice %arg7[%dma_start3A_113, %dma_start3A_114] : memref<10240x128xf32, #tpu.memory_space<vmem_shared>> -> memref<10240x128xf32, #tpu.memory_space<vmem_shared>>
        tpu.enqueue_indirect_dma source(%arg10 : memref<128x128xf32, #tpu.memory_space<vmem>>) target(%dma_start3A_115 : memref<10240x128xf32, #tpu.memory_space<vmem_shared>>) offsets(%dma_start3A_112 : memref<128xi32, #tpu.memory_space<vmem>>) semaphore(%run_scoped3A_109 : memref<!tpu.dma_semaphore, #tpu.memory_space<semaphore_mem>>) {add = true}
        %dma_wait3A_116 = arith.constant 0 : i32
        %dma_wait3A_117 = tpu.memref_slice %arg9[%mul3A_78, %dma_wait3A_116] : memref<40x128xi32, #tpu.memory_space<vmem>> -> memref<1x128xi32, #tpu.memory_space<vmem>>
        %dma_wait3A_118 = tpu.memref_squeeze %dma_wait3A_117 : memref<1x128xi32, #tpu.memory_space<vmem>> -> memref<128xi32, #tpu.memory_space<vmem>>
        %dma_wait3A_119 = arith.constant 0 : i32
        %dma_wait3A_120 = arith.constant 0 : i32
        %dma_wait3A_121 = tpu.memref_slice %arg7[%dma_wait3A_119, %dma_wait3A_120] : memref<10240x128xf32, #tpu.memory_space<vmem_shared>> -> memref<10240x128xf32, #tpu.memory_space<vmem_shared>>
        tpu.wait_indirect_dma semaphore(%run_scoped3A_109 : memref<!tpu.dma_semaphore, #tpu.memory_space<semaphore_mem>>) src(%arg10 : memref<128x128xf32, #tpu.memory_space<vmem>>) dst(%dma_wait3A_121 : memref<10240x128xf32, #tpu.memory_space<vmem_shared>>)
        tpu.yield
      }) : () -> ()
      %dma_wait3A_93 = arith.constant 0 : i32
      %dma_wait3A_94 = arith.constant 0 : i32
      %dma_wait3A_95 = tpu.memref_slice %arg2[%dma_wait3A_93, %dma_wait3A_94] : memref<10240x128xf32, #tpu.memory_space<hbm>> -> memref<128x128xf32, #tpu.memory_space<hbm>>
      %dma_wait3A_96 = arith.constant 0 : i32
      %dma_wait3A_97 = arith.constant 0 : i32
      %dma_wait3A_98 = tpu.memref_slice %arg2[%dma_wait3A_96, %dma_wait3A_97] : memref<10240x128xf32, #tpu.memory_space<hbm>> -> memref<128x128xf32, #tpu.memory_space<hbm>>
      tpu.wait_dma2 semaphore(%arg13 : memref<!tpu.dma_semaphore, #tpu.memory_space<semaphore_mem>>) src(%dma_wait3A_98 : memref<128x128xf32, #tpu.memory_space<hbm>>) dst(%arg11 : memref<128x128xf32, #tpu.memory_space<vmem>>)
      %add3A_99 = arith.constant 2 : i32
      %add3A_100 = arith.addi %mul3A_78, %add3A_99 : i32
      %dma_start3A_101 = arith.constant 0 : i32
      %dma_start3A_102 = tpu.memref_slice %arg8[%add3A_100, %dma_start3A_101] : memref<40x128xi32, #tpu.memory_space<vmem>> -> memref<1x128xi32, #tpu.memory_space<vmem>>
      %dma_start3A_103 = tpu.memref_squeeze %dma_start3A_102 : memref<1x128xi32, #tpu.memory_space<vmem>> -> memref<128xi32, #tpu.memory_space<vmem>>
      %dma_start3A_104 = arith.constant 0 : i32
      %dma_start3A_105 = arith.constant 0 : i32
      %dma_start3A_106 = tpu.memref_slice %arg2[%dma_start3A_104, %dma_start3A_105] : memref<10240x128xf32, #tpu.memory_space<hbm>> -> memref<10240x128xf32, #tpu.memory_space<hbm>>
      tpu.enqueue_indirect_dma source(%dma_start3A_106 : memref<10240x128xf32, #tpu.memory_space<hbm>>) target(%arg10 : memref<128x128xf32, #tpu.memory_space<vmem>>) offsets(%dma_start3A_103 : memref<128xi32, #tpu.memory_space<vmem>>) semaphore(%arg12 : memref<!tpu.dma_semaphore, #tpu.memory_space<semaphore_mem>>)
      %add3A_107 = arith.constant 1 : i32
      %add3A_108 = arith.addi %mul3A_78, %add3A_107 : i32
      "tpu.region"() ({
        %run_scoped3A_109 = tpu.sem_alloc : memref<!tpu.dma_semaphore, #tpu.memory_space<semaphore_mem>>
        %dma_start3A_110 = arith.constant 0 : i32
        %dma_start3A_111 = tpu.memref_slice %arg9[%add3A_108, %dma_start3A_110] : memref<40x128xi32, #tpu.memory_space<vmem>> -> memref<1x128xi32, #tpu.memory_space<vmem>>
        %dma_start3A_112 = tpu.memref_squeeze %dma_start3A_111 : memref<1x128xi32, #tpu.memory_space<vmem>> -> memref<128xi32, #tpu.memory_space<vmem>>
        %dma_start3A_113 = arith.constant 0 : i32
        %dma_start3A_114 = arith.constant 0 : i32
        %dma_start3A_115 = tpu.memref_slice %arg7[%dma_start3A_113, %dma_start3A_114] : memref<10240x128xf32, #tpu.memory_space<vmem_shared>> -> memref<10240x128xf32, #tpu.memory_space<vmem_shared>>
        tpu.enqueue_indirect_dma source(%arg11 : memref<128x128xf32, #tpu.memory_space<vmem>>) target(%dma_start3A_115 : memref<10240x128xf32, #tpu.memory_space<vmem_shared>>) offsets(%dma_start3A_112 : memref<128xi32, #tpu.memory_space<vmem>>) semaphore(%run_scoped3A_109 : memref<!tpu.dma_semaphore, #tpu.memory_space<semaphore_mem>>) {add = true}
        %dma_wait3A_116 = arith.constant 0 : i32
        %dma_wait3A_117 = tpu.memref_slice %arg9[%add3A_108, %dma_wait3A_116] : memref<40x128xi32, #tpu.memory_space<vmem>> -> memref<1x128xi32, #tpu.memory_space<vmem>>
        %dma_wait3A_118 = tpu.memref_squeeze %dma_wait3A_117 : memref<1x128xi32, #tpu.memory_space<vmem>> -> memref<128xi32, #tpu.memory_space<vmem>>
        %dma_wait3A_119 = arith.constant 0 : i32
        %dma_wait3A_120 = arith.constant 0 : i32
        %dma_wait3A_121 = tpu.memref_slice %arg7[%dma_wait3A_119, %dma_wait3A_120] : memref<10240x128xf32, #tpu.memory_space<vmem_shared>> -> memref<10240x128xf32, #tpu.memory_space<vmem_shared>>
        tpu.wait_indirect_dma semaphore(%run_scoped3A_109 : memref<!tpu.dma_semaphore, #tpu.memory_space<semaphore_mem>>) src(%arg11 : memref<128x128xf32, #tpu.memory_space<vmem>>) dst(%dma_wait3A_121 : memref<10240x128xf32, #tpu.memory_space<vmem_shared>>)
        tpu.yield
      }) : () -> ()
    }
    %scan3A_53 = arith.constant 19 : i32
    %dma_wait3A_54 = arith.constant 0 : i32
    %dma_wait3A_55 = arith.constant 0 : i32
    %dma_wait3A_56 = tpu.memref_slice %arg2[%dma_wait3A_54, %dma_wait3A_55] : memref<10240x128xf32, #tpu.memory_space<hbm>> -> memref<128x128xf32, #tpu.memory_space<hbm>>
    %dma_wait3A_57 = arith.constant 0 : i32
    %dma_wait3A_58 = arith.constant 0 : i32
    %dma_wait3A_59 = tpu.memref_slice %arg2[%dma_wait3A_57, %dma_wait3A_58] : memref<10240x128xf32, #tpu.memory_space<hbm>> -> memref<128x128xf32, #tpu.memory_space<hbm>>
    tpu.wait_dma2 semaphore(%arg12 : memref<!tpu.dma_semaphore, #tpu.memory_space<semaphore_mem>>) src(%dma_wait3A_59 : memref<128x128xf32, #tpu.memory_space<hbm>>) dst(%arg10 : memref<128x128xf32, #tpu.memory_space<vmem>>)
    %dma_start3A_60 = arith.constant 39 : i32
    %dma_start3A_61 = arith.constant 0 : i32
    %dma_start3A_62 = tpu.memref_slice %arg8[%dma_start3A_60, %dma_start3A_61] : memref<40x128xi32, #tpu.memory_space<vmem>> -> memref<1x128xi32, #tpu.memory_space<vmem>>
    %dma_start3A_63 = tpu.memref_squeeze %dma_start3A_62 : memref<1x128xi32, #tpu.memory_space<vmem>> -> memref<128xi32, #tpu.memory_space<vmem>>
    %dma_start3A_64 = arith.constant 0 : i32
    %dma_start3A_65 = arith.constant 0 : i32
    %dma_start3A_66 = tpu.memref_slice %arg2[%dma_start3A_64, %dma_start3A_65] : memref<10240x128xf32, #tpu.memory_space<hbm>> -> memref<10240x128xf32, #tpu.memory_space<hbm>>
    tpu.enqueue_indirect_dma source(%dma_start3A_66 : memref<10240x128xf32, #tpu.memory_space<hbm>>) target(%arg11 : memref<128x128xf32, #tpu.memory_space<vmem>>) offsets(%dma_start3A_63 : memref<128xi32, #tpu.memory_space<vmem>>) semaphore(%arg13 : memref<!tpu.dma_semaphore, #tpu.memory_space<semaphore_mem>>)
    %run_scoped3A_67 = arith.constant 38 : i32
    "tpu.region"() ({
      %run_scoped3A_76 = tpu.sem_alloc : memref<!tpu.dma_semaphore, #tpu.memory_space<semaphore_mem>>
      %dma_start3A_77 = arith.constant 0 : i32
      %dma_start3A_78 = tpu.memref_slice %arg9[%run_scoped3A_67, %dma_start3A_77] : memref<40x128xi32, #tpu.memory_space<vmem>> -> memref<1x128xi32, #tpu.memory_space<vmem>>
      %dma_start3A_79 = tpu.memref_squeeze %dma_start3A_78 : memref<1x128xi32, #tpu.memory_space<vmem>> -> memref<128xi32, #tpu.memory_space<vmem>>
      %dma_start3A_80 = arith.constant 0 : i32
      %dma_start3A_81 = arith.constant 0 : i32
      %dma_start3A_82 = tpu.memref_slice %arg7[%dma_start3A_80, %dma_start3A_81] : memref<10240x128xf32, #tpu.memory_space<vmem_shared>> -> memref<10240x128xf32, #tpu.memory_space<vmem_shared>>
      tpu.enqueue_indirect_dma source(%arg10 : memref<128x128xf32, #tpu.memory_space<vmem>>) target(%dma_start3A_82 : memref<10240x128xf32, #tpu.memory_space<vmem_shared>>) offsets(%dma_start3A_79 : memref<128xi32, #tpu.memory_space<vmem>>) semaphore(%run_scoped3A_76 : memref<!tpu.dma_semaphore, #tpu.memory_space<semaphore_mem>>) {add = true}
      %dma_wait3A_83 = arith.constant 0 : i32
      %dma_wait3A_84 = tpu.memref_slice %arg9[%run_scoped3A_67, %dma_wait3A_83] : memref<40x128xi32, #tpu.memory_space<vmem>> -> memref<1x128xi32, #tpu.memory_space<vmem>>
      %dma_wait3A_85 = tpu.memref_squeeze %dma_wait3A_84 : memref<1x128xi32, #tpu.memory_space<vmem>> -> memref<128xi32, #tpu.memory_space<vmem>>
      %dma_wait3A_86 = arith.constant 0 : i32
      %dma_wait3A_87 = arith.constant 0 : i32
      %dma_wait3A_88 = tpu.memref_slice %arg7[%dma_wait3A_86, %dma_wait3A_87] : memref<10240x128xf32, #tpu.memory_space<vmem_shared>> -> memref<10240x128xf32, #tpu.memory_space<vmem_shared>>
      tpu.wait_indirect_dma semaphore(%run_scoped3A_76 : memref<!tpu.dma_semaphore, #tpu.memory_space<semaphore_mem>>) src(%arg10 : memref<128x128xf32, #tpu.memory_space<vmem>>) dst(%dma_wait3A_88 : memref<10240x128xf32, #tpu.memory_space<vmem_shared>>)
      tpu.yield
    }) : () -> ()
    %dma_wait3A_68 = arith.constant 0 : i32
    %dma_wait3A_69 = arith.constant 0 : i32
    %dma_wait3A_70 = tpu.memref_slice %arg2[%dma_wait3A_68, %dma_wait3A_69] : memref<10240x128xf32, #tpu.memory_space<hbm>> -> memref<128x128xf32, #tpu.memory_space<hbm>>
    %dma_wait3A_71 = arith.constant 0 : i32
    %dma_wait3A_72 = arith.constant 0 : i32
    %dma_wait3A_73 = tpu.memref_slice %arg2[%dma_wait3A_71, %dma_wait3A_72] : memref<10240x128xf32, #tpu.memory_space<hbm>> -> memref<128x128xf32, #tpu.memory_space<hbm>>
    tpu.wait_dma2 semaphore(%arg13 : memref<!tpu.dma_semaphore, #tpu.memory_space<semaphore_mem>>) src(%dma_wait3A_73 : memref<128x128xf32, #tpu.memory_space<hbm>>) dst(%arg11 : memref<128x128xf32, #tpu.memory_space<vmem>>)
    %run_scoped3A_74 = arith.constant 39 : i32
    "tpu.region"() ({
      %run_scoped3A_76 = tpu.sem_alloc : memref<!tpu.dma_semaphore, #tpu.memory_space<semaphore_mem>>
      %dma_start3A_77 = arith.constant 0 : i32
      %dma_start3A_78 = tpu.memref_slice %arg9[%run_scoped3A_74, %dma_start3A_77] : memref<40x128xi32, #tpu.memory_space<vmem>> -> memref<1x128xi32, #tpu.memory_space<vmem>>
      %dma_start3A_79 = tpu.memref_squeeze %dma_start3A_78 : memref<1x128xi32, #tpu.memory_space<vmem>> -> memref<128xi32, #tpu.memory_space<vmem>>
      %dma_start3A_80 = arith.constant 0 : i32
      %dma_start3A_81 = arith.constant 0 : i32
      %dma_start3A_82 = tpu.memref_slice %arg7[%dma_start3A_80, %dma_start3A_81] : memref<10240x128xf32, #tpu.memory_space<vmem_shared>> -> memref<10240x128xf32, #tpu.memory_space<vmem_shared>>
      tpu.enqueue_indirect_dma source(%arg11 : memref<128x128xf32, #tpu.memory_space<vmem>>) target(%dma_start3A_82 : memref<10240x128xf32, #tpu.memory_space<vmem_shared>>) offsets(%dma_start3A_79 : memref<128xi32, #tpu.memory_space<vmem>>) semaphore(%run_scoped3A_76 : memref<!tpu.dma_semaphore, #tpu.memory_space<semaphore_mem>>) {add = true}
      %dma_wait3A_83 = arith.constant 0 : i32
      %dma_wait3A_84 = tpu.memref_slice %arg9[%run_scoped3A_74, %dma_wait3A_83] : memref<40x128xi32, #tpu.memory_space<vmem>> -> memref<1x128xi32, #tpu.memory_space<vmem>>
      %dma_wait3A_85 = tpu.memref_squeeze %dma_wait3A_84 : memref<1x128xi32, #tpu.memory_space<vmem>> -> memref<128xi32, #tpu.memory_space<vmem>>
      %dma_wait3A_86 = arith.constant 0 : i32
      %dma_wait3A_87 = arith.constant 0 : i32
      %dma_wait3A_88 = tpu.memref_slice %arg7[%dma_wait3A_86, %dma_wait3A_87] : memref<10240x128xf32, #tpu.memory_space<vmem_shared>> -> memref<10240x128xf32, #tpu.memory_space<vmem_shared>>
      tpu.wait_indirect_dma semaphore(%run_scoped3A_76 : memref<!tpu.dma_semaphore, #tpu.memory_space<semaphore_mem>>) src(%arg11 : memref<128x128xf32, #tpu.memory_space<vmem>>) dst(%dma_wait3A_88 : memref<10240x128xf32, #tpu.memory_space<vmem_shared>>)
      tpu.yield
    }) : () -> ()
    %barrier3A_75 = arith.constant 0 : index
    tpu.barrier barrier_id(%barrier3A_75)
    "tpu.region"() ({
      %run_scoped3A_76 = tpu.sem_alloc : memref<!tpu.dma_semaphore, #tpu.memory_space<semaphore_mem>>
      %dma_start3A_77 = arith.constant 0 : i32
      %dma_start3A_78 = tpu.memref_slice %arg6[%arg0, %mul3A_2, %dma_start3A_77] : memref<2x10240x128xf32, #tpu.memory_space<hbm>> -> memref<1x640x128xf32, #tpu.memory_space<hbm>>
      %dma_start3A_79 = tpu.memref_squeeze %dma_start3A_78 : memref<1x640x128xf32, #tpu.memory_space<hbm>> -> memref<640x128xf32, #tpu.memory_space<hbm>>
      %dma_start3A_80 = arith.constant 0 : i32
      %dma_start3A_81 = tpu.memref_slice %arg7[%mul3A_2, %dma_start3A_80] : memref<10240x128xf32, #tpu.memory_space<vmem_shared>> -> memref<640x128xf32, #tpu.memory_space<vmem_shared>>
      tpu.enqueue_dma source(%dma_start3A_81 : memref<640x128xf32, #tpu.memory_space<vmem_shared>>) target(%dma_start3A_79 : memref<640x128xf32, #tpu.memory_space<hbm>>) target_semaphore(%run_scoped3A_76 : memref<!tpu.dma_semaphore, #tpu.memory_space<semaphore_mem>>)
      %dma_wait3A_82 = arith.constant 0 : i32
      %dma_wait3A_83 = tpu.memref_slice %arg6[%arg0, %mul3A_2, %dma_wait3A_82] : memref<2x10240x128xf32, #tpu.memory_space<hbm>> -> memref<1x640x128xf32, #tpu.memory_space<hbm>>
      %dma_wait3A_84 = tpu.memref_squeeze %dma_wait3A_83 : memref<1x640x128xf32, #tpu.memory_space<hbm>> -> memref<640x128xf32, #tpu.memory_space<hbm>>
      %dma_wait3A_85 = arith.constant 0 : i32
      %dma_wait3A_86 = tpu.memref_slice %arg7[%mul3A_2, %dma_wait3A_85] : memref<10240x128xf32, #tpu.memory_space<vmem_shared>> -> memref<640x128xf32, #tpu.memory_space<vmem_shared>>
      tpu.wait_dma2 semaphore(%run_scoped3A_76 : memref<!tpu.dma_semaphore, #tpu.memory_space<semaphore_mem>>) src(%dma_wait3A_86 : memref<640x128xf32, #tpu.memory_space<vmem_shared>>) dst(%dma_wait3A_84 : memref<640x128xf32, #tpu.memory_space<hbm>>)
      tpu.yield
    }) : () -> ()
    return
  }
}

#map = affine_map<(d0, d1) -> (0, 0)>
#map1 = affine_map<(d0, d1) -> (0, 0, 0)>
module attributes {stable_mosaic.version = 14 : i64} {
  func.func @conv_kernel(%arg0: i32, %arg1: i32, %arg2: memref<10240x128xf32, #tpu.memory_space<hbm>>, %arg3: memref<2560x128xi32, #tpu.memory_space<hbm>>, %arg4: memref<2560x128xi32, #tpu.memory_space<hbm>>, %arg5: memref<10240x128xf32, #tpu.memory_space<hbm>>, %arg6: memref<2x10240x128xf32, #tpu.memory_space<hbm>>, %arg7: memref<10240x128xf32, #tpu.memory_space<vmem_shared>>, %arg8: memref<40x128xi32, #tpu.memory_space<vmem>>, %arg9: memref<40x128xi32, #tpu.memory_space<vmem>>, %arg10: memref<128x128xf32, #tpu.memory_space<vmem>>, %arg11: memref<128x128xf32, #tpu.memory_space<vmem>>, %arg12: memref<!tpu.dma_semaphore, #tpu.memory_space<semaphore_mem>>, %arg13: memref<!tpu.dma_semaphore, #tpu.memory_space<semaphore_mem>>) attributes {dimension_semantics = [#tpu.dimension_semantics<core_parallel>, #tpu.dimension_semantics<subcore_parallel>], iteration_bounds = array<i64: 2, 16>, scalar_prefetch = 0 : i64, scratch_operands = 7 : i64, tpu.core_type = #tpu.core_type<sc_vector_subcore>, window_params = [{transform_indices = #map}, {transform_indices = #map}, {transform_indices = #map}, {transform_indices = #map}, {transform_indices = #map1}]} {
    %mul3A = arith.constant 16 : i32
    %mul3A_0 = arith.muli %arg0, %mul3A : i32
    %add3A = arith.addi %mul3A_0, %arg1 : i32
    %mul3A_1 = arith.constant 640 : i32
    %mul3A_2 = arith.muli %arg1, %mul3A_1 : i32
    "tpu.region"() ({
      %run_scoped3A_76 = tpu.sem_alloc : memref<!tpu.dma_semaphore, #tpu.memory_space<semaphore_mem>>
      %dma_start3A_77 = arith.constant 0 : i32
      %dma_start3A_78 = tpu.memref_slice %arg7[%mul3A_2, %dma_start3A_77] : memref<10240x128xf32, #tpu.memory_space<vmem_shared>> -> memref<640x128xf32, #tpu.memory_space<vmem_shared>>
      %dma_start3A_79 = arith.constant 0 : i32
      %dma_start3A_80 = tpu.memref_slice %arg5[%mul3A_2, %dma_start3A_79] : memref<10240x128xf32, #tpu.memory_space<hbm>> -> memref<640x128xf32, #tpu.memory_space<hbm>>
      tpu.enqueue_dma source(%dma_start3A_80 : memref<640x128xf32, #tpu.memory_space<hbm>>) target(%dma_start3A_78 : memref<640x128xf32, #tpu.memory_space<vmem_shared>>) target_semaphore(%run_scoped3A_76 : memref<!tpu.dma_semaphore, #tpu.memory_space<semaphore_mem>>)
      %dma_wait3A_81 = arith.constant 0 : i32
      %dma_wait3A_82 = tpu.memref_slice %arg7[%mul3A_2, %dma_wait3A_81] : memref<10240x128xf32, #tpu.memory_space<vmem_shared>> -> memref<640x128xf32, #tpu.memory_space<vmem_shared>>
      %dma_wait3A_83 = arith.constant 0 : i32
      %dma_wait3A_84 = tpu.memref_slice %arg5[%mul3A_2, %dma_wait3A_83] : memref<10240x128xf32, #tpu.memory_space<hbm>> -> memref<640x128xf32, #tpu.memory_space<hbm>>
      tpu.wait_dma2 semaphore(%run_scoped3A_76 : memref<!tpu.dma_semaphore, #tpu.memory_space<semaphore_mem>>) src(%dma_wait3A_84 : memref<640x128xf32, #tpu.memory_space<hbm>>) dst(%dma_wait3A_82 : memref<640x128xf32, #tpu.memory_space<vmem_shared>>)
      tpu.yield
    }) : () -> ()
    %barrier3A = arith.constant 0 : index
    tpu.barrier barrier_id(%barrier3A)
    %mul3A_3 = arith.constant 80 : i32
    %mul3A_4 = arith.muli %add3A, %mul3A_3 : i32
    %add3A_5 = arith.constant 0 : i32
    %add3A_6 = arith.addi %mul3A_4, %add3A_5 : i32
    "tpu.region"() ({
      %run_scoped3A_76 = tpu.sem_alloc : memref<!tpu.dma_semaphore, #tpu.memory_space<semaphore_mem>>
      %dma_start3A_77 = arith.constant 0 : i32
      %dma_start3A_78 = arith.constant 0 : i32
      %dma_start3A_79 = tpu.memref_slice %arg8[%dma_start3A_77, %dma_start3A_78] : memref<40x128xi32, #tpu.memory_space<vmem>> -> memref<40x128xi32, #tpu.memory_space<vmem>>
      %dma_start3A_80 = arith.constant 0 : i32
      %dma_start3A_81 = tpu.memref_slice %arg3[%add3A_6, %dma_start3A_80] : memref<2560x128xi32, #tpu.memory_space<hbm>> -> memref<40x128xi32, #tpu.memory_space<hbm>>
      %dma_start3A_82 = arith.constant 0 : i32
      %dma_start3A_83 = arith.constant 0 : i32
      %dma_start3A_84 = tpu.memref_slice %arg8[%dma_start3A_82, %dma_start3A_83] : memref<40x128xi32, #tpu.memory_space<vmem>> -> memref<40x128xi32, #tpu.memory_space<vmem>>
      %dma_start3A_85 = arith.constant 0 : i32
      %dma_start3A_86 = tpu.memref_slice %arg3[%add3A_6, %dma_start3A_85] : memref<2560x128xi32, #tpu.memory_space<hbm>> -> memref<40x128xi32, #tpu.memory_space<hbm>>
      tpu.enqueue_dma source(%dma_start3A_86 : memref<40x128xi32, #tpu.memory_space<hbm>>) target(%dma_start3A_84 : memref<40x128xi32, #tpu.memory_space<vmem>>) target_semaphore(%run_scoped3A_76 : memref<!tpu.dma_semaphore, #tpu.memory_space<semaphore_mem>>)
      %dma_wait3A_87 = arith.constant 0 : i32
      %dma_wait3A_88 = arith.constant 0 : i32
      %dma_wait3A_89 = tpu.memref_slice %arg8[%dma_wait3A_87, %dma_wait3A_88] : memref<40x128xi32, #tpu.memory_space<vmem>> -> memref<40x128xi32, #tpu.memory_space<vmem>>
      %dma_wait3A_90 = arith.constant 0 : i32
      %dma_wait3A_91 = tpu.memref_slice %arg3[%add3A_6, %dma_wait3A_90] : memref<2560x128xi32, #tpu.memory_space<hbm>> -> memref<40x128xi32, #tpu.memory_space<hbm>>
      %dma_wait3A_92 = arith.constant 0 : i32
      %dma_wait3A_93 = arith.constant 0 : i32
      %dma_wait3A_94 = tpu.memref_slice %arg8[%dma_wait3A_92, %dma_wait3A_93] : memref<40x128xi32, #tpu.memory_space<vmem>> -> memref<40x128xi32, #tpu.memory_space<vmem>>
      %dma_wait3A_95 = arith.constant 0 : i32
      %dma_wait3A_96 = tpu.memref_slice %arg3[%add3A_6, %dma_wait3A_95] : memref<2560x128xi32, #tpu.memory_space<hbm>> -> memref<40x128xi32, #tpu.memory_space<hbm>>
      tpu.wait_dma2 semaphore(%run_scoped3A_76 : memref<!tpu.dma_semaphore, #tpu.memory_space<semaphore_mem>>) src(%dma_wait3A_96 : memref<40x128xi32, #tpu.memory_space<hbm>>) dst(%dma_wait3A_94 : memref<40x128xi32, #tpu.memory_space<vmem>>)
      tpu.yield
    }) : () -> ()
    "tpu.region"() ({
      %run_scoped3A_76 = tpu.sem_alloc : memref<!tpu.dma_semaphore, #tpu.memory_space<semaphore_mem>>
      %dma_start3A_77 = arith.constant 0 : i32
      %dma_start3A_78 = arith.constant 0 : i32
      %dma_start3A_79 = tpu.memref_slice %arg9[%dma_start3A_77, %dma_start3A_78] : memref<40x128xi32, #tpu.memory_space<vmem>> -> memref<40x128xi32, #tpu.memory_space<vmem>>
      %dma_start3A_80 = arith.constant 0 : i32
      %dma_start3A_81 = tpu.memref_slice %arg4[%add3A_6, %dma_start3A_80] : memref<2560x128xi32, #tpu.memory_space<hbm>> -> memref<40x128xi32, #tpu.memory_space<hbm>>
      %dma_start3A_82 = arith.constant 0 : i32
      %dma_start3A_83 = arith.constant 0 : i32
      %dma_start3A_84 = tpu.memref_slice %arg9[%dma_start3A_82, %dma_start3A_83] : memref<40x128xi32, #tpu.memory_space<vmem>> -> memref<40x128xi32, #tpu.memory_space<vmem>>
      %dma_start3A_85 = arith.constant 0 : i32
      %dma_start3A_86 = tpu.memref_slice %arg4[%add3A_6, %dma_start3A_85] : memref<2560x128xi32, #tpu.memory_space<hbm>> -> memref<40x128xi32, #tpu.memory_space<hbm>>
      tpu.enqueue_dma source(%dma_start3A_86 : memref<40x128xi32, #tpu.memory_space<hbm>>) target(%dma_start3A_84 : memref<40x128xi32, #tpu.memory_space<vmem>>) target_semaphore(%run_scoped3A_76 : memref<!tpu.dma_semaphore, #tpu.memory_space<semaphore_mem>>)
      %dma_wait3A_87 = arith.constant 0 : i32
      %dma_wait3A_88 = arith.constant 0 : i32
      %dma_wait3A_89 = tpu.memref_slice %arg9[%dma_wait3A_87, %dma_wait3A_88] : memref<40x128xi32, #tpu.memory_space<vmem>> -> memref<40x128xi32, #tpu.memory_space<vmem>>
      %dma_wait3A_90 = arith.constant 0 : i32
      %dma_wait3A_91 = tpu.memref_slice %arg4[%add3A_6, %dma_wait3A_90] : memref<2560x128xi32, #tpu.memory_space<hbm>> -> memref<40x128xi32, #tpu.memory_space<hbm>>
      %dma_wait3A_92 = arith.constant 0 : i32
      %dma_wait3A_93 = arith.constant 0 : i32
      %dma_wait3A_94 = tpu.memref_slice %arg9[%dma_wait3A_92, %dma_wait3A_93] : memref<40x128xi32, #tpu.memory_space<vmem>> -> memref<40x128xi32, #tpu.memory_space<vmem>>
      %dma_wait3A_95 = arith.constant 0 : i32
      %dma_wait3A_96 = tpu.memref_slice %arg4[%add3A_6, %dma_wait3A_95] : memref<2560x128xi32, #tpu.memory_space<hbm>> -> memref<40x128xi32, #tpu.memory_space<hbm>>
      tpu.wait_dma2 semaphore(%run_scoped3A_76 : memref<!tpu.dma_semaphore, #tpu.memory_space<semaphore_mem>>) src(%dma_wait3A_96 : memref<40x128xi32, #tpu.memory_space<hbm>>) dst(%dma_wait3A_94 : memref<40x128xi32, #tpu.memory_space<vmem>>)
      tpu.yield
    }) : () -> ()
    %dma_start3A = arith.constant 0 : i32
    %dma_start3A_7 = arith.constant 0 : i32
    %dma_start3A_8 = tpu.memref_slice %arg8[%dma_start3A, %dma_start3A_7] : memref<40x128xi32, #tpu.memory_space<vmem>> -> memref<1x128xi32, #tpu.memory_space<vmem>>
    %dma_start3A_9 = tpu.memref_squeeze %dma_start3A_8 : memref<1x128xi32, #tpu.memory_space<vmem>> -> memref<128xi32, #tpu.memory_space<vmem>>
    %dma_start3A_10 = arith.constant 0 : i32
    %dma_start3A_11 = arith.constant 0 : i32
    %dma_start3A_12 = tpu.memref_slice %arg2[%dma_start3A_10, %dma_start3A_11] : memref<10240x128xf32, #tpu.memory_space<hbm>> -> memref<10240x128xf32, #tpu.memory_space<hbm>>
    tpu.enqueue_indirect_dma source(%dma_start3A_12 : memref<10240x128xf32, #tpu.memory_space<hbm>>) target(%arg10 : memref<128x128xf32, #tpu.memory_space<vmem>>) offsets(%dma_start3A_9 : memref<128xi32, #tpu.memory_space<vmem>>) semaphore(%arg12 : memref<!tpu.dma_semaphore, #tpu.memory_space<semaphore_mem>>)
    %scan3A = arith.constant 0 : i32
    %scan3A_13 = arith.constant 0 : i32
    %scan3A_14 = arith.constant 19 : i32
    %scan3A_15 = arith.addi %scan3A_13, %scan3A_14 : i32
    %scan3A_16 = arith.constant 1 : i32
    scf.for %scan3A_76 = %scan3A_13 to %scan3A_15 step %scan3A_16  : i32 {
      %mul3A_77 = arith.constant 2 : i32
      %mul3A_78 = arith.muli %mul3A_77, %scan3A_76 : i32
      %dma_wait3A_79 = arith.constant 0 : i32
      %dma_wait3A_80 = arith.constant 0 : i32
      %dma_wait3A_81 = tpu.memref_slice %arg2[%dma_wait3A_79, %dma_wait3A_80] : memref<10240x128xf32, #tpu.memory_space<hbm>> -> memref<128x128xf32, #tpu.memory_space<hbm>>
      %dma_wait3A_82 = arith.constant 0 : i32
      %dma_wait3A_83 = arith.constant 0 : i32
      %dma_wait3A_84 = tpu.memref_slice %arg2[%dma_wait3A_82, %dma_wait3A_83] : memref<10240x128xf32, #tpu.memory_space<hbm>> -> memref<128x128xf32, #tpu.memory_space<hbm>>
      tpu.wait_dma2 semaphore(%arg12 : memref<!tpu.dma_semaphore, #tpu.memory_space<semaphore_mem>>) src(%dma_wait3A_84 : memref<128x128xf32, #tpu.memory_space<hbm>>) dst(%arg10 : memref<128x128xf32, #tpu.memory_space<vmem>>)
      %add3A_85 = arith.constant 1 : i32
      %add3A_86 = arith.addi %mul3A_78, %add3A_85 : i32
      %dma_start3A_87 = arith.constant 0 : i32
      %dma_start3A_88 = tpu.memref_slice %arg8[%add3A_86, %dma_start3A_87] : memref<40x128xi32, #tpu.memory_space<vmem>> -> memref<1x128xi32, #tpu.memory_space<vmem>>
      %dma_start3A_89 = tpu.memref_squeeze %dma_start3A_88 : memref<1x128xi32, #tpu.memory_space<vmem>> -> memref<128xi32, #tpu.memory_space<vmem>>
      %dma_start3A_90 = arith.constant 0 : i32
      %dma_start3A_91 = arith.constant 0 : i32
      %dma_start3A_92 = tpu.memref_slice %arg2[%dma_start3A_90, %dma_start3A_91] : memref<10240x128xf32, #tpu.memory_space<hbm>> -> memref<10240x128xf32, #tpu.memory_space<hbm>>
      tpu.enqueue_indirect_dma source(%dma_start3A_92 : memref<10240x128xf32, #tpu.memory_space<hbm>>) target(%arg11 : memref<128x128xf32, #tpu.memory_space<vmem>>) offsets(%dma_start3A_89 : memref<128xi32, #tpu.memory_space<vmem>>) semaphore(%arg13 : memref<!tpu.dma_semaphore, #tpu.memory_space<semaphore_mem>>)
      "tpu.region"() ({
        %run_scoped3A_109 = tpu.sem_alloc : memref<!tpu.dma_semaphore, #tpu.memory_space<semaphore_mem>>
        %dma_start3A_110 = arith.constant 0 : i32
        %dma_start3A_111 = tpu.memref_slice %arg9[%mul3A_78, %dma_start3A_110] : memref<40x128xi32, #tpu.memory_space<vmem>> -> memref<1x128xi32, #tpu.memory_space<vmem>>
        %dma_start3A_112 = tpu.memref_squeeze %dma_start3A_111 : memref<1x128xi32, #tpu.memory_space<vmem>> -> memref<128xi32, #tpu.memory_space<vmem>>
        %dma_start3A_113 = arith.constant 0 : i32
        %dma_start3A_114 = arith.constant 0 : i32
        %dma_start3A_115 = tpu.memref_slice %arg7[%dma_start3A_113, %dma_start3A_114] : memref<10240x128xf32, #tpu.memory_space<vmem_shared>> -> memref<10240x128xf32, #tpu.memory_space<vmem_shared>>
        tpu.enqueue_indirect_dma source(%arg10 : memref<128x128xf32, #tpu.memory_space<vmem>>) target(%dma_start3A_115 : memref<10240x128xf32, #tpu.memory_space<vmem_shared>>) offsets(%dma_start3A_112 : memref<128xi32, #tpu.memory_space<vmem>>) semaphore(%run_scoped3A_109 : memref<!tpu.dma_semaphore, #tpu.memory_space<semaphore_mem>>) {add = true}
        %dma_wait3A_116 = arith.constant 0 : i32
        %dma_wait3A_117 = tpu.memref_slice %arg9[%mul3A_78, %dma_wait3A_116] : memref<40x128xi32, #tpu.memory_space<vmem>> -> memref<1x128xi32, #tpu.memory_space<vmem>>
        %dma_wait3A_118 = tpu.memref_squeeze %dma_wait3A_117 : memref<1x128xi32, #tpu.memory_space<vmem>> -> memref<128xi32, #tpu.memory_space<vmem>>
        %dma_wait3A_119 = arith.constant 0 : i32
        %dma_wait3A_120 = arith.constant 0 : i32
        %dma_wait3A_121 = tpu.memref_slice %arg7[%dma_wait3A_119, %dma_wait3A_120] : memref<10240x128xf32, #tpu.memory_space<vmem_shared>> -> memref<10240x128xf32, #tpu.memory_space<vmem_shared>>
        tpu.wait_indirect_dma semaphore(%run_scoped3A_109 : memref<!tpu.dma_semaphore, #tpu.memory_space<semaphore_mem>>) src(%arg10 : memref<128x128xf32, #tpu.memory_space<vmem>>) dst(%dma_wait3A_121 : memref<10240x128xf32, #tpu.memory_space<vmem_shared>>)
        tpu.yield
      }) : () -> ()
      %dma_wait3A_93 = arith.constant 0 : i32
      %dma_wait3A_94 = arith.constant 0 : i32
      %dma_wait3A_95 = tpu.memref_slice %arg2[%dma_wait3A_93, %dma_wait3A_94] : memref<10240x128xf32, #tpu.memory_space<hbm>> -> memref<128x128xf32, #tpu.memory_space<hbm>>
      %dma_wait3A_96 = arith.constant 0 : i32
      %dma_wait3A_97 = arith.constant 0 : i32
      %dma_wait3A_98 = tpu.memref_slice %arg2[%dma_wait3A_96, %dma_wait3A_97] : memref<10240x128xf32, #tpu.memory_space<hbm>> -> memref<128x128xf32, #tpu.memory_space<hbm>>
      tpu.wait_dma2 semaphore(%arg13 : memref<!tpu.dma_semaphore, #tpu.memory_space<semaphore_mem>>) src(%dma_wait3A_98 : memref<128x128xf32, #tpu.memory_space<hbm>>) dst(%arg11 : memref<128x128xf32, #tpu.memory_space<vmem>>)
      %add3A_99 = arith.constant 2 : i32
      %add3A_100 = arith.addi %mul3A_78, %add3A_99 : i32
      %dma_start3A_101 = arith.constant 0 : i32
      %dma_start3A_102 = tpu.memref_slice %arg8[%add3A_100, %dma_start3A_101] : memref<40x128xi32, #tpu.memory_space<vmem>> -> memref<1x128xi32, #tpu.memory_space<vmem>>
      %dma_start3A_103 = tpu.memref_squeeze %dma_start3A_102 : memref<1x128xi32, #tpu.memory_space<vmem>> -> memref<128xi32, #tpu.memory_space<vmem>>
      %dma_start3A_104 = arith.constant 0 : i32
      %dma_start3A_105 = arith.constant 0 : i32
      %dma_start3A_106 = tpu.memref_slice %arg2[%dma_start3A_104, %dma_start3A_105] : memref<10240x128xf32, #tpu.memory_space<hbm>> -> memref<10240x128xf32, #tpu.memory_space<hbm>>
      tpu.enqueue_indirect_dma source(%dma_start3A_106 : memref<10240x128xf32, #tpu.memory_space<hbm>>) target(%arg10 : memref<128x128xf32, #tpu.memory_space<vmem>>) offsets(%dma_start3A_103 : memref<128xi32, #tpu.memory_space<vmem>>) semaphore(%arg12 : memref<!tpu.dma_semaphore, #tpu.memory_space<semaphore_mem>>)
      %add3A_107 = arith.constant 1 : i32
      %add3A_108 = arith.addi %mul3A_78, %add3A_107 : i32
      "tpu.region"() ({
        %run_scoped3A_109 = tpu.sem_alloc : memref<!tpu.dma_semaphore, #tpu.memory_space<semaphore_mem>>
        %dma_start3A_110 = arith.constant 0 : i32
        %dma_start3A_111 = tpu.memref_slice %arg9[%add3A_108, %dma_start3A_110] : memref<40x128xi32, #tpu.memory_space<vmem>> -> memref<1x128xi32, #tpu.memory_space<vmem>>
        %dma_start3A_112 = tpu.memref_squeeze %dma_start3A_111 : memref<1x128xi32, #tpu.memory_space<vmem>> -> memref<128xi32, #tpu.memory_space<vmem>>
        %dma_start3A_113 = arith.constant 0 : i32
        %dma_start3A_114 = arith.constant 0 : i32
        %dma_start3A_115 = tpu.memref_slice %arg7[%dma_start3A_113, %dma_start3A_114] : memref<10240x128xf32, #tpu.memory_space<vmem_shared>> -> memref<10240x128xf32, #tpu.memory_space<vmem_shared>>
        tpu.enqueue_indirect_dma source(%arg11 : memref<128x128xf32, #tpu.memory_space<vmem>>) target(%dma_start3A_115 : memref<10240x128xf32, #tpu.memory_space<vmem_shared>>) offsets(%dma_start3A_112 : memref<128xi32, #tpu.memory_space<vmem>>) semaphore(%run_scoped3A_109 : memref<!tpu.dma_semaphore, #tpu.memory_space<semaphore_mem>>) {add = true}
        %dma_wait3A_116 = arith.constant 0 : i32
        %dma_wait3A_117 = tpu.memref_slice %arg9[%add3A_108, %dma_wait3A_116] : memref<40x128xi32, #tpu.memory_space<vmem>> -> memref<1x128xi32, #tpu.memory_space<vmem>>
        %dma_wait3A_118 = tpu.memref_squeeze %dma_wait3A_117 : memref<1x128xi32, #tpu.memory_space<vmem>> -> memref<128xi32, #tpu.memory_space<vmem>>
        %dma_wait3A_119 = arith.constant 0 : i32
        %dma_wait3A_120 = arith.constant 0 : i32
        %dma_wait3A_121 = tpu.memref_slice %arg7[%dma_wait3A_119, %dma_wait3A_120] : memref<10240x128xf32, #tpu.memory_space<vmem_shared>> -> memref<10240x128xf32, #tpu.memory_space<vmem_shared>>
        tpu.wait_indirect_dma semaphore(%run_scoped3A_109 : memref<!tpu.dma_semaphore, #tpu.memory_space<semaphore_mem>>) src(%arg11 : memref<128x128xf32, #tpu.memory_space<vmem>>) dst(%dma_wait3A_121 : memref<10240x128xf32, #tpu.memory_space<vmem_shared>>)
        tpu.yield
      }) : () -> ()
    }
    %scan3A_17 = arith.constant 19 : i32
    %dma_wait3A = arith.constant 0 : i32
    %dma_wait3A_18 = arith.constant 0 : i32
    %dma_wait3A_19 = tpu.memref_slice %arg2[%dma_wait3A, %dma_wait3A_18] : memref<10240x128xf32, #tpu.memory_space<hbm>> -> memref<128x128xf32, #tpu.memory_space<hbm>>
    %dma_wait3A_20 = arith.constant 0 : i32
    %dma_wait3A_21 = arith.constant 0 : i32
    %dma_wait3A_22 = tpu.memref_slice %arg2[%dma_wait3A_20, %dma_wait3A_21] : memref<10240x128xf32, #tpu.memory_space<hbm>> -> memref<128x128xf32, #tpu.memory_space<hbm>>
    tpu.wait_dma2 semaphore(%arg12 : memref<!tpu.dma_semaphore, #tpu.memory_space<semaphore_mem>>) src(%dma_wait3A_22 : memref<128x128xf32, #tpu.memory_space<hbm>>) dst(%arg10 : memref<128x128xf32, #tpu.memory_space<vmem>>)
    %dma_start3A_23 = arith.constant 39 : i32
    %dma_start3A_24 = arith.constant 0 : i32
    %dma_start3A_25 = tpu.memref_slice %arg8[%dma_start3A_23, %dma_start3A_24] : memref<40x128xi32, #tpu.memory_space<vmem>> -> memref<1x128xi32, #tpu.memory_space<vmem>>
    %dma_start3A_26 = tpu.memref_squeeze %dma_start3A_25 : memref<1x128xi32, #tpu.memory_space<vmem>> -> memref<128xi32, #tpu.memory_space<vmem>>
    %dma_start3A_27 = arith.constant 0 : i32
    %dma_start3A_28 = arith.constant 0 : i32
    %dma_start3A_29 = tpu.memref_slice %arg2[%dma_start3A_27, %dma_start3A_28] : memref<10240x128xf32, #tpu.memory_space<hbm>> -> memref<10240x128xf32, #tpu.memory_space<hbm>>
    tpu.enqueue_indirect_dma source(%dma_start3A_29 : memref<10240x128xf32, #tpu.memory_space<hbm>>) target(%arg11 : memref<128x128xf32, #tpu.memory_space<vmem>>) offsets(%dma_start3A_26 : memref<128xi32, #tpu.memory_space<vmem>>) semaphore(%arg13 : memref<!tpu.dma_semaphore, #tpu.memory_space<semaphore_mem>>)
    %run_scoped3A = arith.constant 38 : i32
    "tpu.region"() ({
      %run_scoped3A_76 = tpu.sem_alloc : memref<!tpu.dma_semaphore, #tpu.memory_space<semaphore_mem>>
      %dma_start3A_77 = arith.constant 0 : i32
      %dma_start3A_78 = tpu.memref_slice %arg9[%run_scoped3A, %dma_start3A_77] : memref<40x128xi32, #tpu.memory_space<vmem>> -> memref<1x128xi32, #tpu.memory_space<vmem>>
      %dma_start3A_79 = tpu.memref_squeeze %dma_start3A_78 : memref<1x128xi32, #tpu.memory_space<vmem>> -> memref<128xi32, #tpu.memory_space<vmem>>
      %dma_start3A_80 = arith.constant 0 : i32
      %dma_start3A_81 = arith.constant 0 : i32
      %dma_start3A_82 = tpu.memref_slice %arg7[%dma_start3A_80, %dma_start3A_81] : memref<10240x128xf32, #tpu.memory_space<vmem_shared>> -> memref<10240x128xf32, #tpu.memory_space<vmem_shared>>
      tpu.enqueue_indirect_dma source(%arg10 : memref<128x128xf32, #tpu.memory_space<vmem>>) target(%dma_start3A_82 : memref<10240x128xf32, #tpu.memory_space<vmem_shared>>) offsets(%dma_start3A_79 : memref<128xi32, #tpu.memory_space<vmem>>) semaphore(%run_scoped3A_76 : memref<!tpu.dma_semaphore, #tpu.memory_space<semaphore_mem>>) {add = true}
      %dma_wait3A_83 = arith.constant 0 : i32
      %dma_wait3A_84 = tpu.memref_slice %arg9[%run_scoped3A, %dma_wait3A_83] : memref<40x128xi32, #tpu.memory_space<vmem>> -> memref<1x128xi32, #tpu.memory_space<vmem>>
      %dma_wait3A_85 = tpu.memref_squeeze %dma_wait3A_84 : memref<1x128xi32, #tpu.memory_space<vmem>> -> memref<128xi32, #tpu.memory_space<vmem>>
      %dma_wait3A_86 = arith.constant 0 : i32
      %dma_wait3A_87 = arith.constant 0 : i32
      %dma_wait3A_88 = tpu.memref_slice %arg7[%dma_wait3A_86, %dma_wait3A_87] : memref<10240x128xf32, #tpu.memory_space<vmem_shared>> -> memref<10240x128xf32, #tpu.memory_space<vmem_shared>>
      tpu.wait_indirect_dma semaphore(%run_scoped3A_76 : memref<!tpu.dma_semaphore, #tpu.memory_space<semaphore_mem>>) src(%arg10 : memref<128x128xf32, #tpu.memory_space<vmem>>) dst(%dma_wait3A_88 : memref<10240x128xf32, #tpu.memory_space<vmem_shared>>)
      tpu.yield
    }) : () -> ()
    %dma_wait3A_30 = arith.constant 0 : i32
    %dma_wait3A_31 = arith.constant 0 : i32
    %dma_wait3A_32 = tpu.memref_slice %arg2[%dma_wait3A_30, %dma_wait3A_31] : memref<10240x128xf32, #tpu.memory_space<hbm>> -> memref<128x128xf32, #tpu.memory_space<hbm>>
    %dma_wait3A_33 = arith.constant 0 : i32
    %dma_wait3A_34 = arith.constant 0 : i32
    %dma_wait3A_35 = tpu.memref_slice %arg2[%dma_wait3A_33, %dma_wait3A_34] : memref<10240x128xf32, #tpu.memory_space<hbm>> -> memref<128x128xf32, #tpu.memory_space<hbm>>
    tpu.wait_dma2 semaphore(%arg13 : memref<!tpu.dma_semaphore, #tpu.memory_space<semaphore_mem>>) src(%dma_wait3A_35 : memref<128x128xf32, #tpu.memory_space<hbm>>) dst(%arg11 : memref<128x128xf32, #tpu.memory_space<vmem>>)
    %run_scoped3A_36 = arith.constant 39 : i32
    "tpu.region"() ({
      %run_scoped3A_76 = tpu.sem_alloc : memref<!tpu.dma_semaphore, #tpu.memory_space<semaphore_mem>>
      %dma_start3A_77 = arith.constant 0 : i32
      %dma_start3A_78 = tpu.memref_slice %arg9[%run_scoped3A_36, %dma_start3A_77] : memref<40x128xi32, #tpu.memory_space<vmem>> -> memref<1x128xi32, #tpu.memory_space<vmem>>
      %dma_start3A_79 = tpu.memref_squeeze %dma_start3A_78 : memref<1x128xi32, #tpu.memory_space<vmem>> -> memref<128xi32, #tpu.memory_space<vmem>>
      %dma_start3A_80 = arith.constant 0 : i32
      %dma_start3A_81 = arith.constant 0 : i32
      %dma_start3A_82 = tpu.memref_slice %arg7[%dma_start3A_80, %dma_start3A_81] : memref<10240x128xf32, #tpu.memory_space<vmem_shared>> -> memref<10240x128xf32, #tpu.memory_space<vmem_shared>>
      tpu.enqueue_indirect_dma source(%arg11 : memref<128x128xf32, #tpu.memory_space<vmem>>) target(%dma_start3A_82 : memref<10240x128xf32, #tpu.memory_space<vmem_shared>>) offsets(%dma_start3A_79 : memref<128xi32, #tpu.memory_space<vmem>>) semaphore(%run_scoped3A_76 : memref<!tpu.dma_semaphore, #tpu.memory_space<semaphore_mem>>) {add = true}
      %dma_wait3A_83 = arith.constant 0 : i32
      %dma_wait3A_84 = tpu.memref_slice %arg9[%run_scoped3A_36, %dma_wait3A_83] : memref<40x128xi32, #tpu.memory_space<vmem>> -> memref<1x128xi32, #tpu.memory_space<vmem>>
      %dma_wait3A_85 = tpu.memref_squeeze %dma_wait3A_84 : memref<1x128xi32, #tpu.memory_space<vmem>> -> memref<128xi32, #tpu.memory_space<vmem>>
      %dma_wait3A_86 = arith.constant 0 : i32
      %dma_wait3A_87 = arith.constant 0 : i32
      %dma_wait3A_88 = tpu.memref_slice %arg7[%dma_wait3A_86, %dma_wait3A_87] : memref<10240x128xf32, #tpu.memory_space<vmem_shared>> -> memref<10240x128xf32, #tpu.memory_space<vmem_shared>>
      tpu.wait_indirect_dma semaphore(%run_scoped3A_76 : memref<!tpu.dma_semaphore, #tpu.memory_space<semaphore_mem>>) src(%arg11 : memref<128x128xf32, #tpu.memory_space<vmem>>) dst(%dma_wait3A_88 : memref<10240x128xf32, #tpu.memory_space<vmem_shared>>)
      tpu.yield
    }) : () -> ()
    %mul3A_37 = arith.constant 80 : i32
    %mul3A_38 = arith.muli %add3A, %mul3A_37 : i32
    %add3A_39 = arith.constant 40 : i32
    %add3A_40 = arith.addi %mul3A_38, %add3A_39 : i32
    "tpu.region"() ({
      %run_scoped3A_76 = tpu.sem_alloc : memref<!tpu.dma_semaphore, #tpu.memory_space<semaphore_mem>>
      %dma_start3A_77 = arith.constant 0 : i32
      %dma_start3A_78 = arith.constant 0 : i32
      %dma_start3A_79 = tpu.memref_slice %arg8[%dma_start3A_77, %dma_start3A_78] : memref<40x128xi32, #tpu.memory_space<vmem>> -> memref<40x128xi32, #tpu.memory_space<vmem>>
      %dma_start3A_80 = arith.constant 0 : i32
      %dma_start3A_81 = tpu.memref_slice %arg3[%add3A_40, %dma_start3A_80] : memref<2560x128xi32, #tpu.memory_space<hbm>> -> memref<40x128xi32, #tpu.memory_space<hbm>>
      %dma_start3A_82 = arith.constant 0 : i32
      %dma_start3A_83 = arith.constant 0 : i32
      %dma_start3A_84 = tpu.memref_slice %arg8[%dma_start3A_82, %dma_start3A_83] : memref<40x128xi32, #tpu.memory_space<vmem>> -> memref<40x128xi32, #tpu.memory_space<vmem>>
      %dma_start3A_85 = arith.constant 0 : i32
      %dma_start3A_86 = tpu.memref_slice %arg3[%add3A_40, %dma_start3A_85] : memref<2560x128xi32, #tpu.memory_space<hbm>> -> memref<40x128xi32, #tpu.memory_space<hbm>>
      tpu.enqueue_dma source(%dma_start3A_86 : memref<40x128xi32, #tpu.memory_space<hbm>>) target(%dma_start3A_84 : memref<40x128xi32, #tpu.memory_space<vmem>>) target_semaphore(%run_scoped3A_76 : memref<!tpu.dma_semaphore, #tpu.memory_space<semaphore_mem>>)
      %dma_wait3A_87 = arith.constant 0 : i32
      %dma_wait3A_88 = arith.constant 0 : i32
      %dma_wait3A_89 = tpu.memref_slice %arg8[%dma_wait3A_87, %dma_wait3A_88] : memref<40x128xi32, #tpu.memory_space<vmem>> -> memref<40x128xi32, #tpu.memory_space<vmem>>
      %dma_wait3A_90 = arith.constant 0 : i32
      %dma_wait3A_91 = tpu.memref_slice %arg3[%add3A_40, %dma_wait3A_90] : memref<2560x128xi32, #tpu.memory_space<hbm>> -> memref<40x128xi32, #tpu.memory_space<hbm>>
      %dma_wait3A_92 = arith.constant 0 : i32
      %dma_wait3A_93 = arith.constant 0 : i32
      %dma_wait3A_94 = tpu.memref_slice %arg8[%dma_wait3A_92, %dma_wait3A_93] : memref<40x128xi32, #tpu.memory_space<vmem>> -> memref<40x128xi32, #tpu.memory_space<vmem>>
      %dma_wait3A_95 = arith.constant 0 : i32
      %dma_wait3A_96 = tpu.memref_slice %arg3[%add3A_40, %dma_wait3A_95] : memref<2560x128xi32, #tpu.memory_space<hbm>> -> memref<40x128xi32, #tpu.memory_space<hbm>>
      tpu.wait_dma2 semaphore(%run_scoped3A_76 : memref<!tpu.dma_semaphore, #tpu.memory_space<semaphore_mem>>) src(%dma_wait3A_96 : memref<40x128xi32, #tpu.memory_space<hbm>>) dst(%dma_wait3A_94 : memref<40x128xi32, #tpu.memory_space<vmem>>)
      tpu.yield
    }) : () -> ()
    "tpu.region"() ({
      %run_scoped3A_76 = tpu.sem_alloc : memref<!tpu.dma_semaphore, #tpu.memory_space<semaphore_mem>>
      %dma_start3A_77 = arith.constant 0 : i32
      %dma_start3A_78 = arith.constant 0 : i32
      %dma_start3A_79 = tpu.memref_slice %arg9[%dma_start3A_77, %dma_start3A_78] : memref<40x128xi32, #tpu.memory_space<vmem>> -> memref<40x128xi32, #tpu.memory_space<vmem>>
      %dma_start3A_80 = arith.constant 0 : i32
      %dma_start3A_81 = tpu.memref_slice %arg4[%add3A_40, %dma_start3A_80] : memref<2560x128xi32, #tpu.memory_space<hbm>> -> memref<40x128xi32, #tpu.memory_space<hbm>>
      %dma_start3A_82 = arith.constant 0 : i32
      %dma_start3A_83 = arith.constant 0 : i32
      %dma_start3A_84 = tpu.memref_slice %arg9[%dma_start3A_82, %dma_start3A_83] : memref<40x128xi32, #tpu.memory_space<vmem>> -> memref<40x128xi32, #tpu.memory_space<vmem>>
      %dma_start3A_85 = arith.constant 0 : i32
      %dma_start3A_86 = tpu.memref_slice %arg4[%add3A_40, %dma_start3A_85] : memref<2560x128xi32, #tpu.memory_space<hbm>> -> memref<40x128xi32, #tpu.memory_space<hbm>>
      tpu.enqueue_dma source(%dma_start3A_86 : memref<40x128xi32, #tpu.memory_space<hbm>>) target(%dma_start3A_84 : memref<40x128xi32, #tpu.memory_space<vmem>>) target_semaphore(%run_scoped3A_76 : memref<!tpu.dma_semaphore, #tpu.memory_space<semaphore_mem>>)
      %dma_wait3A_87 = arith.constant 0 : i32
      %dma_wait3A_88 = arith.constant 0 : i32
      %dma_wait3A_89 = tpu.memref_slice %arg9[%dma_wait3A_87, %dma_wait3A_88] : memref<40x128xi32, #tpu.memory_space<vmem>> -> memref<40x128xi32, #tpu.memory_space<vmem>>
      %dma_wait3A_90 = arith.constant 0 : i32
      %dma_wait3A_91 = tpu.memref_slice %arg4[%add3A_40, %dma_wait3A_90] : memref<2560x128xi32, #tpu.memory_space<hbm>> -> memref<40x128xi32, #tpu.memory_space<hbm>>
      %dma_wait3A_92 = arith.constant 0 : i32
      %dma_wait3A_93 = arith.constant 0 : i32
      %dma_wait3A_94 = tpu.memref_slice %arg9[%dma_wait3A_92, %dma_wait3A_93] : memref<40x128xi32, #tpu.memory_space<vmem>> -> memref<40x128xi32, #tpu.memory_space<vmem>>
      %dma_wait3A_95 = arith.constant 0 : i32
      %dma_wait3A_96 = tpu.memref_slice %arg4[%add3A_40, %dma_wait3A_95] : memref<2560x128xi32, #tpu.memory_space<hbm>> -> memref<40x128xi32, #tpu.memory_space<hbm>>
      tpu.wait_dma2 semaphore(%run_scoped3A_76 : memref<!tpu.dma_semaphore, #tpu.memory_space<semaphore_mem>>) src(%dma_wait3A_96 : memref<40x128xi32, #tpu.memory_space<hbm>>) dst(%dma_wait3A_94 : memref<40x128xi32, #tpu.memory_space<vmem>>)
      tpu.yield
    }) : () -> ()
    %dma_start3A_41 = arith.constant 0 : i32
    %dma_start3A_42 = arith.constant 0 : i32
    %dma_start3A_43 = tpu.memref_slice %arg8[%dma_start3A_41, %dma_start3A_42] : memref<40x128xi32, #tpu.memory_space<vmem>> -> memref<1x128xi32, #tpu.memory_space<vmem>>
    %dma_start3A_44 = tpu.memref_squeeze %dma_start3A_43 : memref<1x128xi32, #tpu.memory_space<vmem>> -> memref<128xi32, #tpu.memory_space<vmem>>
    %dma_start3A_45 = arith.constant 0 : i32
    %dma_start3A_46 = arith.constant 0 : i32
    %dma_start3A_47 = tpu.memref_slice %arg2[%dma_start3A_45, %dma_start3A_46] : memref<10240x128xf32, #tpu.memory_space<hbm>> -> memref<10240x128xf32, #tpu.memory_space<hbm>>
    tpu.enqueue_indirect_dma source(%dma_start3A_47 : memref<10240x128xf32, #tpu.memory_space<hbm>>) target(%arg10 : memref<128x128xf32, #tpu.memory_space<vmem>>) offsets(%dma_start3A_44 : memref<128xi32, #tpu.memory_space<vmem>>) semaphore(%arg12 : memref<!tpu.dma_semaphore, #tpu.memory_space<semaphore_mem>>)
    %scan3A_48 = arith.constant 0 : i32
    %scan3A_49 = arith.constant 0 : i32
    %scan3A_50 = arith.constant 19 : i32
    %scan3A_51 = arith.addi %scan3A_49, %scan3A_50 : i32
    %scan3A_52 = arith.constant 1 : i32
    scf.for %scan3A_76 = %scan3A_49 to %scan3A_51 step %scan3A_52  : i32 {
      %mul3A_77 = arith.constant 2 : i32
      %mul3A_78 = arith.muli %mul3A_77, %scan3A_76 : i32
      %dma_wait3A_79 = arith.constant 0 : i32
      %dma_wait3A_80 = arith.constant 0 : i32
      %dma_wait3A_81 = tpu.memref_slice %arg2[%dma_wait3A_79, %dma_wait3A_80] : memref<10240x128xf32, #tpu.memory_space<hbm>> -> memref<128x128xf32, #tpu.memory_space<hbm>>
      %dma_wait3A_82 = arith.constant 0 : i32
      %dma_wait3A_83 = arith.constant 0 : i32
      %dma_wait3A_84 = tpu.memref_slice %arg2[%dma_wait3A_82, %dma_wait3A_83] : memref<10240x128xf32, #tpu.memory_space<hbm>> -> memref<128x128xf32, #tpu.memory_space<hbm>>
      tpu.wait_dma2 semaphore(%arg12 : memref<!tpu.dma_semaphore, #tpu.memory_space<semaphore_mem>>) src(%dma_wait3A_84 : memref<128x128xf32, #tpu.memory_space<hbm>>) dst(%arg10 : memref<128x128xf32, #tpu.memory_space<vmem>>)
      %add3A_85 = arith.constant 1 : i32
      %add3A_86 = arith.addi %mul3A_78, %add3A_85 : i32
      %dma_start3A_87 = arith.constant 0 : i32
      %dma_start3A_88 = tpu.memref_slice %arg8[%add3A_86, %dma_start3A_87] : memref<40x128xi32, #tpu.memory_space<vmem>> -> memref<1x128xi32, #tpu.memory_space<vmem>>
      %dma_start3A_89 = tpu.memref_squeeze %dma_start3A_88 : memref<1x128xi32, #tpu.memory_space<vmem>> -> memref<128xi32, #tpu.memory_space<vmem>>
      %dma_start3A_90 = arith.constant 0 : i32
      %dma_start3A_91 = arith.constant 0 : i32
      %dma_start3A_92 = tpu.memref_slice %arg2[%dma_start3A_90, %dma_start3A_91] : memref<10240x128xf32, #tpu.memory_space<hbm>> -> memref<10240x128xf32, #tpu.memory_space<hbm>>
      tpu.enqueue_indirect_dma source(%dma_start3A_92 : memref<10240x128xf32, #tpu.memory_space<hbm>>) target(%arg11 : memref<128x128xf32, #tpu.memory_space<vmem>>) offsets(%dma_start3A_89 : memref<128xi32, #tpu.memory_space<vmem>>) semaphore(%arg13 : memref<!tpu.dma_semaphore, #tpu.memory_space<semaphore_mem>>)
      "tpu.region"() ({
        %run_scoped3A_109 = tpu.sem_alloc : memref<!tpu.dma_semaphore, #tpu.memory_space<semaphore_mem>>
        %dma_start3A_110 = arith.constant 0 : i32
        %dma_start3A_111 = tpu.memref_slice %arg9[%mul3A_78, %dma_start3A_110] : memref<40x128xi32, #tpu.memory_space<vmem>> -> memref<1x128xi32, #tpu.memory_space<vmem>>
        %dma_start3A_112 = tpu.memref_squeeze %dma_start3A_111 : memref<1x128xi32, #tpu.memory_space<vmem>> -> memref<128xi32, #tpu.memory_space<vmem>>
        %dma_start3A_113 = arith.constant 0 : i32
        %dma_start3A_114 = arith.constant 0 : i32
        %dma_start3A_115 = tpu.memref_slice %arg7[%dma_start3A_113, %dma_start3A_114] : memref<10240x128xf32, #tpu.memory_space<vmem_shared>> -> memref<10240x128xf32, #tpu.memory_space<vmem_shared>>
        tpu.enqueue_indirect_dma source(%arg10 : memref<128x128xf32, #tpu.memory_space<vmem>>) target(%dma_start3A_115 : memref<10240x128xf32, #tpu.memory_space<vmem_shared>>) offsets(%dma_start3A_112 : memref<128xi32, #tpu.memory_space<vmem>>) semaphore(%run_scoped3A_109 : memref<!tpu.dma_semaphore, #tpu.memory_space<semaphore_mem>>) {add = true}
        %dma_wait3A_116 = arith.constant 0 : i32
        %dma_wait3A_117 = tpu.memref_slice %arg9[%mul3A_78, %dma_wait3A_116] : memref<40x128xi32, #tpu.memory_space<vmem>> -> memref<1x128xi32, #tpu.memory_space<vmem>>
        %dma_wait3A_118 = tpu.memref_squeeze %dma_wait3A_117 : memref<1x128xi32, #tpu.memory_space<vmem>> -> memref<128xi32, #tpu.memory_space<vmem>>
        %dma_wait3A_119 = arith.constant 0 : i32
        %dma_wait3A_120 = arith.constant 0 : i32
        %dma_wait3A_121 = tpu.memref_slice %arg7[%dma_wait3A_119, %dma_wait3A_120] : memref<10240x128xf32, #tpu.memory_space<vmem_shared>> -> memref<10240x128xf32, #tpu.memory_space<vmem_shared>>
        tpu.wait_indirect_dma semaphore(%run_scoped3A_109 : memref<!tpu.dma_semaphore, #tpu.memory_space<semaphore_mem>>) src(%arg10 : memref<128x128xf32, #tpu.memory_space<vmem>>) dst(%dma_wait3A_121 : memref<10240x128xf32, #tpu.memory_space<vmem_shared>>)
        tpu.yield
      }) : () -> ()
      %dma_wait3A_93 = arith.constant 0 : i32
      %dma_wait3A_94 = arith.constant 0 : i32
      %dma_wait3A_95 = tpu.memref_slice %arg2[%dma_wait3A_93, %dma_wait3A_94] : memref<10240x128xf32, #tpu.memory_space<hbm>> -> memref<128x128xf32, #tpu.memory_space<hbm>>
      %dma_wait3A_96 = arith.constant 0 : i32
      %dma_wait3A_97 = arith.constant 0 : i32
      %dma_wait3A_98 = tpu.memref_slice %arg2[%dma_wait3A_96, %dma_wait3A_97] : memref<10240x128xf32, #tpu.memory_space<hbm>> -> memref<128x128xf32, #tpu.memory_space<hbm>>
      tpu.wait_dma2 semaphore(%arg13 : memref<!tpu.dma_semaphore, #tpu.memory_space<semaphore_mem>>) src(%dma_wait3A_98 : memref<128x128xf32, #tpu.memory_space<hbm>>) dst(%arg11 : memref<128x128xf32, #tpu.memory_space<vmem>>)
      %add3A_99 = arith.constant 2 : i32
      %add3A_100 = arith.addi %mul3A_78, %add3A_99 : i32
      %dma_start3A_101 = arith.constant 0 : i32
      %dma_start3A_102 = tpu.memref_slice %arg8[%add3A_100, %dma_start3A_101] : memref<40x128xi32, #tpu.memory_space<vmem>> -> memref<1x128xi32, #tpu.memory_space<vmem>>
      %dma_start3A_103 = tpu.memref_squeeze %dma_start3A_102 : memref<1x128xi32, #tpu.memory_space<vmem>> -> memref<128xi32, #tpu.memory_space<vmem>>
      %dma_start3A_104 = arith.constant 0 : i32
      %dma_start3A_105 = arith.constant 0 : i32
      %dma_start3A_106 = tpu.memref_slice %arg2[%dma_start3A_104, %dma_start3A_105] : memref<10240x128xf32, #tpu.memory_space<hbm>> -> memref<10240x128xf32, #tpu.memory_space<hbm>>
      tpu.enqueue_indirect_dma source(%dma_start3A_106 : memref<10240x128xf32, #tpu.memory_space<hbm>>) target(%arg10 : memref<128x128xf32, #tpu.memory_space<vmem>>) offsets(%dma_start3A_103 : memref<128xi32, #tpu.memory_space<vmem>>) semaphore(%arg12 : memref<!tpu.dma_semaphore, #tpu.memory_space<semaphore_mem>>)
      %add3A_107 = arith.constant 1 : i32
      %add3A_108 = arith.addi %mul3A_78, %add3A_107 : i32
      "tpu.region"() ({
        %run_scoped3A_109 = tpu.sem_alloc : memref<!tpu.dma_semaphore, #tpu.memory_space<semaphore_mem>>
        %dma_start3A_110 = arith.constant 0 : i32
        %dma_start3A_111 = tpu.memref_slice %arg9[%add3A_108, %dma_start3A_110] : memref<40x128xi32, #tpu.memory_space<vmem>> -> memref<1x128xi32, #tpu.memory_space<vmem>>
        %dma_start3A_112 = tpu.memref_squeeze %dma_start3A_111 : memref<1x128xi32, #tpu.memory_space<vmem>> -> memref<128xi32, #tpu.memory_space<vmem>>
        %dma_start3A_113 = arith.constant 0 : i32
        %dma_start3A_114 = arith.constant 0 : i32
        %dma_start3A_115 = tpu.memref_slice %arg7[%dma_start3A_113, %dma_start3A_114] : memref<10240x128xf32, #tpu.memory_space<vmem_shared>> -> memref<10240x128xf32, #tpu.memory_space<vmem_shared>>
        tpu.enqueue_indirect_dma source(%arg11 : memref<128x128xf32, #tpu.memory_space<vmem>>) target(%dma_start3A_115 : memref<10240x128xf32, #tpu.memory_space<vmem_shared>>) offsets(%dma_start3A_112 : memref<128xi32, #tpu.memory_space<vmem>>) semaphore(%run_scoped3A_109 : memref<!tpu.dma_semaphore, #tpu.memory_space<semaphore_mem>>) {add = true}
        %dma_wait3A_116 = arith.constant 0 : i32
        %dma_wait3A_117 = tpu.memref_slice %arg9[%add3A_108, %dma_wait3A_116] : memref<40x128xi32, #tpu.memory_space<vmem>> -> memref<1x128xi32, #tpu.memory_space<vmem>>
        %dma_wait3A_118 = tpu.memref_squeeze %dma_wait3A_117 : memref<1x128xi32, #tpu.memory_space<vmem>> -> memref<128xi32, #tpu.memory_space<vmem>>
        %dma_wait3A_119 = arith.constant 0 : i32
        %dma_wait3A_120 = arith.constant 0 : i32
        %dma_wait3A_121 = tpu.memref_slice %arg7[%dma_wait3A_119, %dma_wait3A_120] : memref<10240x128xf32, #tpu.memory_space<vmem_shared>> -> memref<10240x128xf32, #tpu.memory_space<vmem_shared>>
        tpu.wait_indirect_dma semaphore(%run_scoped3A_109 : memref<!tpu.dma_semaphore, #tpu.memory_space<semaphore_mem>>) src(%arg11 : memref<128x128xf32, #tpu.memory_space<vmem>>) dst(%dma_wait3A_121 : memref<10240x128xf32, #tpu.memory_space<vmem_shared>>)
        tpu.yield
      }) : () -> ()
    }
    %scan3A_53 = arith.constant 19 : i32
    %dma_wait3A_54 = arith.constant 0 : i32
    %dma_wait3A_55 = arith.constant 0 : i32
    %dma_wait3A_56 = tpu.memref_slice %arg2[%dma_wait3A_54, %dma_wait3A_55] : memref<10240x128xf32, #tpu.memory_space<hbm>> -> memref<128x128xf32, #tpu.memory_space<hbm>>
    %dma_wait3A_57 = arith.constant 0 : i32
    %dma_wait3A_58 = arith.constant 0 : i32
    %dma_wait3A_59 = tpu.memref_slice %arg2[%dma_wait3A_57, %dma_wait3A_58] : memref<10240x128xf32, #tpu.memory_space<hbm>> -> memref<128x128xf32, #tpu.memory_space<hbm>>
    tpu.wait_dma2 semaphore(%arg12 : memref<!tpu.dma_semaphore, #tpu.memory_space<semaphore_mem>>) src(%dma_wait3A_59 : memref<128x128xf32, #tpu.memory_space<hbm>>) dst(%arg10 : memref<128x128xf32, #tpu.memory_space<vmem>>)
    %dma_start3A_60 = arith.constant 39 : i32
    %dma_start3A_61 = arith.constant 0 : i32
    %dma_start3A_62 = tpu.memref_slice %arg8[%dma_start3A_60, %dma_start3A_61] : memref<40x128xi32, #tpu.memory_space<vmem>> -> memref<1x128xi32, #tpu.memory_space<vmem>>
    %dma_start3A_63 = tpu.memref_squeeze %dma_start3A_62 : memref<1x128xi32, #tpu.memory_space<vmem>> -> memref<128xi32, #tpu.memory_space<vmem>>
    %dma_start3A_64 = arith.constant 0 : i32
    %dma_start3A_65 = arith.constant 0 : i32
    %dma_start3A_66 = tpu.memref_slice %arg2[%dma_start3A_64, %dma_start3A_65] : memref<10240x128xf32, #tpu.memory_space<hbm>> -> memref<10240x128xf32, #tpu.memory_space<hbm>>
    tpu.enqueue_indirect_dma source(%dma_start3A_66 : memref<10240x128xf32, #tpu.memory_space<hbm>>) target(%arg11 : memref<128x128xf32, #tpu.memory_space<vmem>>) offsets(%dma_start3A_63 : memref<128xi32, #tpu.memory_space<vmem>>) semaphore(%arg13 : memref<!tpu.dma_semaphore, #tpu.memory_space<semaphore_mem>>)
    %run_scoped3A_67 = arith.constant 38 : i32
    "tpu.region"() ({
      %run_scoped3A_76 = tpu.sem_alloc : memref<!tpu.dma_semaphore, #tpu.memory_space<semaphore_mem>>
      %dma_start3A_77 = arith.constant 0 : i32
      %dma_start3A_78 = tpu.memref_slice %arg9[%run_scoped3A_67, %dma_start3A_77] : memref<40x128xi32, #tpu.memory_space<vmem>> -> memref<1x128xi32, #tpu.memory_space<vmem>>
      %dma_start3A_79 = tpu.memref_squeeze %dma_start3A_78 : memref<1x128xi32, #tpu.memory_space<vmem>> -> memref<128xi32, #tpu.memory_space<vmem>>
      %dma_start3A_80 = arith.constant 0 : i32
      %dma_start3A_81 = arith.constant 0 : i32
      %dma_start3A_82 = tpu.memref_slice %arg7[%dma_start3A_80, %dma_start3A_81] : memref<10240x128xf32, #tpu.memory_space<vmem_shared>> -> memref<10240x128xf32, #tpu.memory_space<vmem_shared>>
      tpu.enqueue_indirect_dma source(%arg10 : memref<128x128xf32, #tpu.memory_space<vmem>>) target(%dma_start3A_82 : memref<10240x128xf32, #tpu.memory_space<vmem_shared>>) offsets(%dma_start3A_79 : memref<128xi32, #tpu.memory_space<vmem>>) semaphore(%run_scoped3A_76 : memref<!tpu.dma_semaphore, #tpu.memory_space<semaphore_mem>>) {add = true}
      %dma_wait3A_83 = arith.constant 0 : i32
      %dma_wait3A_84 = tpu.memref_slice %arg9[%run_scoped3A_67, %dma_wait3A_83] : memref<40x128xi32, #tpu.memory_space<vmem>> -> memref<1x128xi32, #tpu.memory_space<vmem>>
      %dma_wait3A_85 = tpu.memref_squeeze %dma_wait3A_84 : memref<1x128xi32, #tpu.memory_space<vmem>> -> memref<128xi32, #tpu.memory_space<vmem>>
      %dma_wait3A_86 = arith.constant 0 : i32
      %dma_wait3A_87 = arith.constant 0 : i32
      %dma_wait3A_88 = tpu.memref_slice %arg7[%dma_wait3A_86, %dma_wait3A_87] : memref<10240x128xf32, #tpu.memory_space<vmem_shared>> -> memref<10240x128xf32, #tpu.memory_space<vmem_shared>>
      tpu.wait_indirect_dma semaphore(%run_scoped3A_76 : memref<!tpu.dma_semaphore, #tpu.memory_space<semaphore_mem>>) src(%arg10 : memref<128x128xf32, #tpu.memory_space<vmem>>) dst(%dma_wait3A_88 : memref<10240x128xf32, #tpu.memory_space<vmem_shared>>)
      tpu.yield
    }) : () -> ()
    %dma_wait3A_68 = arith.constant 0 : i32
    %dma_wait3A_69 = arith.constant 0 : i32
    %dma_wait3A_70 = tpu.memref_slice %arg2[%dma_wait3A_68, %dma_wait3A_69] : memref<10240x128xf32, #tpu.memory_space<hbm>> -> memref<128x128xf32, #tpu.memory_space<hbm>>
    %dma_wait3A_71 = arith.constant 0 : i32
    %dma_wait3A_72 = arith.constant 0 : i32
    %dma_wait3A_73 = tpu.memref_slice %arg2[%dma_wait3A_71, %dma_wait3A_72] : memref<10240x128xf32, #tpu.memory_space<hbm>> -> memref<128x128xf32, #tpu.memory_space<hbm>>
    tpu.wait_dma2 semaphore(%arg13 : memref<!tpu.dma_semaphore, #tpu.memory_space<semaphore_mem>>) src(%dma_wait3A_73 : memref<128x128xf32, #tpu.memory_space<hbm>>) dst(%arg11 : memref<128x128xf32, #tpu.memory_space<vmem>>)
    %run_scoped3A_74 = arith.constant 39 : i32
    "tpu.region"() ({
      %run_scoped3A_76 = tpu.sem_alloc : memref<!tpu.dma_semaphore, #tpu.memory_space<semaphore_mem>>
      %dma_start3A_77 = arith.constant 0 : i32
      %dma_start3A_78 = tpu.memref_slice %arg9[%run_scoped3A_74, %dma_start3A_77] : memref<40x128xi32, #tpu.memory_space<vmem>> -> memref<1x128xi32, #tpu.memory_space<vmem>>
      %dma_start3A_79 = tpu.memref_squeeze %dma_start3A_78 : memref<1x128xi32, #tpu.memory_space<vmem>> -> memref<128xi32, #tpu.memory_space<vmem>>
      %dma_start3A_80 = arith.constant 0 : i32
      %dma_start3A_81 = arith.constant 0 : i32
      %dma_start3A_82 = tpu.memref_slice %arg7[%dma_start3A_80, %dma_start3A_81] : memref<10240x128xf32, #tpu.memory_space<vmem_shared>> -> memref<10240x128xf32, #tpu.memory_space<vmem_shared>>
      tpu.enqueue_indirect_dma source(%arg11 : memref<128x128xf32, #tpu.memory_space<vmem>>) target(%dma_start3A_82 : memref<10240x128xf32, #tpu.memory_space<vmem_shared>>) offsets(%dma_start3A_79 : memref<128xi32, #tpu.memory_space<vmem>>) semaphore(%run_scoped3A_76 : memref<!tpu.dma_semaphore, #tpu.memory_space<semaphore_mem>>) {add = true}
      %dma_wait3A_83 = arith.constant 0 : i32
      %dma_wait3A_84 = tpu.memref_slice %arg9[%run_scoped3A_74, %dma_wait3A_83] : memref<40x128xi32, #tpu.memory_space<vmem>> -> memref<1x128xi32, #tpu.memory_space<vmem>>
      %dma_wait3A_85 = tpu.memref_squeeze %dma_wait3A_84 : memref<1x128xi32, #tpu.memory_space<vmem>> -> memref<128xi32, #tpu.memory_space<vmem>>
      %dma_wait3A_86 = arith.constant 0 : i32
      %dma_wait3A_87 = arith.constant 0 : i32
      %dma_wait3A_88 = tpu.memref_slice %arg7[%dma_wait3A_86, %dma_wait3A_87] : memref<10240x128xf32, #tpu.memory_space<vmem_shared>> -> memref<10240x128xf32, #tpu.memory_space<vmem_shared>>
      tpu.wait_indirect_dma semaphore(%run_scoped3A_76 : memref<!tpu.dma_semaphore, #tpu.memory_space<semaphore_mem>>) src(%arg11 : memref<128x128xf32, #tpu.memory_space<vmem>>) dst(%dma_wait3A_88 : memref<10240x128xf32, #tpu.memory_space<vmem_shared>>)
      tpu.yield
    }) : () -> ()
    %barrier3A_75 = arith.constant 0 : index
    tpu.barrier barrier_id(%barrier3A_75)
    "tpu.region"() ({
      %run_scoped3A_76 = tpu.sem_alloc : memref<!tpu.dma_semaphore, #tpu.memory_space<semaphore_mem>>
      %dma_start3A_77 = arith.constant 0 : i32
      %dma_start3A_78 = tpu.memref_slice %arg6[%arg0, %mul3A_2, %dma_start3A_77] : memref<2x10240x128xf32, #tpu.memory_space<hbm>> -> memref<1x640x128xf32, #tpu.memory_space<hbm>>
      %dma_start3A_79 = tpu.memref_squeeze %dma_start3A_78 : memref<1x640x128xf32, #tpu.memory_space<hbm>> -> memref<640x128xf32, #tpu.memory_space<hbm>>
      %dma_start3A_80 = arith.constant 0 : i32
      %dma_start3A_81 = tpu.memref_slice %arg7[%mul3A_2, %dma_start3A_80] : memref<10240x128xf32, #tpu.memory_space<vmem_shared>> -> memref<640x128xf32, #tpu.memory_space<vmem_shared>>
      tpu.enqueue_dma source(%dma_start3A_81 : memref<640x128xf32, #tpu.memory_space<vmem_shared>>) target(%dma_start3A_79 : memref<640x128xf32, #tpu.memory_space<hbm>>) target_semaphore(%run_scoped3A_76 : memref<!tpu.dma_semaphore, #tpu.memory_space<semaphore_mem>>)
      %dma_wait3A_82 = arith.constant 0 : i32
      %dma_wait3A_83 = tpu.memref_slice %arg6[%arg0, %mul3A_2, %dma_wait3A_82] : memref<2x10240x128xf32, #tpu.memory_space<hbm>> -> memref<1x640x128xf32, #tpu.memory_space<hbm>>
      %dma_wait3A_84 = tpu.memref_squeeze %dma_wait3A_83 : memref<1x640x128xf32, #tpu.memory_space<hbm>> -> memref<640x128xf32, #tpu.memory_space<hbm>>
      %dma_wait3A_85 = arith.constant 0 : i32
      %dma_wait3A_86 = tpu.memref_slice %arg7[%mul3A_2, %dma_wait3A_85] : memref<10240x128xf32, #tpu.memory_space<vmem_shared>> -> memref<640x128xf32, #tpu.memory_space<vmem_shared>>
      tpu.wait_dma2 semaphore(%run_scoped3A_76 : memref<!tpu.dma_semaphore, #tpu.memory_space<semaphore_mem>>) src(%dma_wait3A_86 : memref<640x128xf32, #tpu.memory_space<vmem_shared>>) dst(%dma_wait3A_84 : memref<640x128xf32, #tpu.memory_space<hbm>>)
      tpu.yield
    }) : () -> ()
    return
  }
}

module attributes {stable_mosaic.version = 14 : i64} {
  func.func @body(%arg0: i32, %arg1: memref<1000x144xf32, #tpu.memory_space<vmem>>, %arg2: memref<2x1000x128xf32, #tpu.memory_space<vmem>>, %arg3: memref<128x128xf32, #tpu.memory_space<vmem>>, %arg4: memref<1x128xf32, #tpu.memory_space<vmem>>, %arg5: memref<128x128xf32, #tpu.memory_space<vmem>>, %arg6: memref<1x128xf32, #tpu.memory_space<vmem>>, %arg7: memref<144x128xf32, #tpu.memory_space<vmem>>, %arg8: memref<1000x128xf32, #tpu.memory_space<vmem>>, %arg9: memref<1000x8xf32, #tpu.memory_space<vmem>>) attributes {dimension_semantics = [#tpu.dimension_semantics<arbitrary>], iteration_bounds = array<i64: 10>, scalar_prefetch = 0 : i64, scratch_operands = 0 : i64, tpu.core_type = #tpu.core_type<tc>, window_params = [{transform_indices = @transform_0, window_bounds = array<i64: 1000, 144>}, {transform_indices = @transform_1, window_bounds = array<i64: 2, 1000, 128>}, {pipeline_mode = #tpu.pipeline_mode<synchronous>, transform_indices = @transform_2, window_bounds = array<i64: 128, 128>}, {pipeline_mode = #tpu.pipeline_mode<synchronous>, transform_indices = @transform_3, window_bounds = array<i64: 1, 128>}, {pipeline_mode = #tpu.pipeline_mode<synchronous>, transform_indices = @transform_4, window_bounds = array<i64: 128, 128>}, {pipeline_mode = #tpu.pipeline_mode<synchronous>, transform_indices = @transform_5, window_bounds = array<i64: 1, 128>}, {pipeline_mode = #tpu.pipeline_mode<synchronous>, transform_indices = @transform_6, window_bounds = array<i64: 144, 128>}, {transform_indices = @transform_7, window_bounds = array<i64: 1000, 128>}, {transform_indices = @transform_8, window_bounds = array<i64: 1000, 8>}]} {
    %get3A = arith.constant 0 : index
    %get3A_0 = arith.constant 0 : index
    %get3A_1 = vector.load %arg1[%get3A, %get3A_0] : memref<1000x144xf32, #tpu.memory_space<vmem>>, vector<1000x144xf32>
    %get3A_2 = arith.constant 0 : index
    %get3A_3 = arith.constant 0 : index
    %get3A_4 = arith.constant 0 : index
    %get3A_5 = vector.load %arg2[%get3A_2, %get3A_3, %get3A_4] : memref<2x1000x128xf32, #tpu.memory_space<vmem>>, vector<1x1000x128xf32>
    %get3A_6 = vector.shape_cast %get3A_5 : vector<1x1000x128xf32> to vector<1000x128xf32>
    %slice3A = vector.extract_strided_slice %get3A_6 {offsets = [0, 0], sizes = [1000, 1], strides = [1, 1]} : vector<1000x128xf32> to vector<1000x1xf32>
    %add3A = arith.constant 1.000000e+00 : f32
    %add3A_7 = vector.broadcast %add3A : f32 to vector<1000x1xf32>
    %add3A_8 = arith.addf %add3A_7, %slice3A : vector<1000x1xf32>
    %get3A_9 = arith.constant 1 : index
    %get3A_10 = arith.constant 0 : index
    %get3A_11 = arith.constant 0 : index
    %get3A_12 = vector.load %arg2[%get3A_9, %get3A_10, %get3A_11] : memref<2x1000x128xf32, #tpu.memory_space<vmem>>, vector<1x1000x128xf32>
    %get3A_13 = vector.shape_cast %get3A_12 : vector<1x1000x128xf32> to vector<1000x128xf32>
    %slice3A_14 = vector.extract_strided_slice %get3A_13 {offsets = [0, 0], sizes = [1000, 1], strides = [1, 1]} : vector<1000x128xf32> to vector<1000x1xf32>
    %add3A_15 = arith.addf %add3A_8, %slice3A_14 : vector<1000x1xf32>
    %rsqrt3A = math.rsqrt %add3A_15 : vector<1000x1xf32>
    %slice3A_16 = vector.extract_strided_slice %get3A_1 {offsets = [0, 0], sizes = [1000, 128], strides = [1, 1]} : vector<1000x144xf32> to vector<1000x128xf32>
    %get3A_17 = arith.constant 0 : index
    %get3A_18 = arith.constant 0 : index
    %get3A_19 = vector.load %arg3[%get3A_17, %get3A_18] : memref<128x128xf32, #tpu.memory_space<vmem>>, vector<128x128xf32>
    %dot_general3A = arith.constant dense<0.000000e+00> : vector<1000x128xf32>
    %dot_general3A_20 = tpu.matmul %slice3A_16, %get3A_19, %dot_general3A {dimension_numbers = #tpu.dot_dimension_numbers<[1], [0], [0], [1], [0, 0, 1, 1], [], []>, transpose_lhs_hint = false} : vector<1000x128xf32>, vector<128x128xf32>, vector<1000x128xf32> -> vector<1000x128xf32>
    %get3A_21 = arith.constant 0 : index
    %get3A_22 = arith.constant 0 : index
    %get3A_23 = vector.load %arg4[%get3A_21, %get3A_22] : memref<1x128xf32, #tpu.memory_space<vmem>>, vector<1x128xf32>
    %add3A_24 = vector.broadcast %get3A_23 : vector<1x128xf32> to vector<1000x128xf32>
    %add3A_25 = arith.addf %dot_general3A_20, %add3A_24 : vector<1000x128xf32>
    %max3A = arith.constant 0.000000e+00 : f32
    %max3A_26 = vector.broadcast %max3A : f32 to vector<1000x128xf32>
    %max3A_27 = arith.maximumf %add3A_25, %max3A_26 : vector<1000x128xf32>
    %get3A_28 = arith.constant 0 : index
    %get3A_29 = arith.constant 0 : index
    %get3A_30 = vector.load %arg5[%get3A_28, %get3A_29] : memref<128x128xf32, #tpu.memory_space<vmem>>, vector<128x128xf32>
    %dot_general3A_31 = arith.constant dense<0.000000e+00> : vector<1000x128xf32>
    %dot_general3A_32 = tpu.matmul %max3A_27, %get3A_30, %dot_general3A_31 {dimension_numbers = #tpu.dot_dimension_numbers<[1], [0], [0], [1], [0, 0, 1, 1], [], []>, transpose_lhs_hint = false} : vector<1000x128xf32>, vector<128x128xf32>, vector<1000x128xf32> -> vector<1000x128xf32>
    %get3A_33 = arith.constant 0 : index
    %get3A_34 = arith.constant 0 : index
    %get3A_35 = vector.load %arg6[%get3A_33, %get3A_34] : memref<1x128xf32, #tpu.memory_space<vmem>>, vector<1x128xf32>
    %add3A_36 = vector.broadcast %get3A_35 : vector<1x128xf32> to vector<1000x128xf32>
    %add3A_37 = arith.addf %dot_general3A_32, %add3A_36 : vector<1000x128xf32>
    %max3A_38 = arith.constant 0.000000e+00 : f32
    %max3A_39 = vector.broadcast %max3A_38 : f32 to vector<1000x128xf32>
    %max3A_40 = arith.maximumf %add3A_37, %max3A_39 : vector<1000x128xf32>
    %get3A_41 = arith.constant 0 : index
    %get3A_42 = arith.constant 0 : index
    %get3A_43 = vector.load %arg7[%get3A_41, %get3A_42] : memref<144x128xf32, #tpu.memory_space<vmem>>, vector<144x128xf32>
    %slice3A_44 = vector.extract_strided_slice %get3A_43 {offsets = [0, 0], sizes = [128, 128], strides = [1, 1]} : vector<144x128xf32> to vector<128x128xf32>
    %dot_general3A_45 = arith.constant dense<0.000000e+00> : vector<1000x128xf32>
    %dot_general3A_46 = tpu.matmul %max3A_40, %slice3A_44, %dot_general3A_45 {dimension_numbers = #tpu.dot_dimension_numbers<[1], [0], [0], [1], [0, 0, 1, 1], [], []>, transpose_lhs_hint = false} : vector<1000x128xf32>, vector<128x128xf32>, vector<1000x128xf32> -> vector<1000x128xf32>
    %slice3A_47 = vector.extract_strided_slice %get3A_1 {offsets = [0, 128], sizes = [1000, 16], strides = [1, 1]} : vector<1000x144xf32> to vector<1000x16xf32>
    %slice3A_48 = vector.extract_strided_slice %get3A_43 {offsets = [128, 0], sizes = [16, 128], strides = [1, 1]} : vector<144x128xf32> to vector<16x128xf32>
    %dot_general3A_49 = arith.constant dense<0.000000e+00> : vector<1000x128xf32>
    %dot_general3A_50 = tpu.matmul %slice3A_47, %slice3A_48, %dot_general3A_49 {dimension_numbers = #tpu.dot_dimension_numbers<[1], [0], [0], [1], [0, 0, 1, 1], [], []>, transpose_lhs_hint = false} : vector<1000x16xf32>, vector<16x128xf32>, vector<1000x128xf32> -> vector<1000x128xf32>
    %add3A_51 = arith.addf %dot_general3A_46, %dot_general3A_50 : vector<1000x128xf32>
    %mul3A = vector.broadcast %rsqrt3A : vector<1000x1xf32> to vector<1000x128xf32>
    %mul3A_52 = arith.mulf %add3A_51, %mul3A : vector<1000x128xf32>
    %swap3A = arith.constant 0 : index
    %swap3A_53 = arith.constant 0 : index
    %swap3A_54 = vector.load %arg8[%swap3A, %swap3A_53] : memref<1000x128xf32, #tpu.memory_space<vmem>>, vector<1000x128xf32>
    tpu.vector_store %arg8[%swap3A, %swap3A_53], %mul3A_52 {strides = array<i32>} : memref<1000x128xf32, #tpu.memory_space<vmem>>, vector<1000x128xf32>,
    %broadcast_in_dim3A = vector.shape_cast %rsqrt3A : vector<1000x1xf32> to vector<1000x1xf32>
    %broadcast_in_dim3A_55 = vector.broadcast %broadcast_in_dim3A : vector<1000x1xf32> to vector<1000x8xf32>
    %swap3A_56 = arith.constant 0 : index
    %swap3A_57 = arith.constant 0 : index
    %swap3A_58 = vector.load %arg9[%swap3A_56, %swap3A_57] : memref<1000x8xf32, #tpu.memory_space<vmem>>, vector<1000x8xf32>
    tpu.vector_store %arg9[%swap3A_56, %swap3A_57], %broadcast_in_dim3A_55 {strides = array<i32>} : memref<1000x8xf32, #tpu.memory_space<vmem>>, vector<1000x8xf32>,
    return
  }
  func.func @transform_0(%arg0: i32) -> (i32, i32) {
    %c0_i32 = arith.constant 0 : i32
    %c0_i32_0 = arith.constant 0 : i32
    return %arg0, %c0_i32 : i32, i32
  }
  func.func @transform_1(%arg0: i32) -> (i32, i32, i32) {
    %c0_i32 = arith.constant 0 : i32
    %c0_i32_0 = arith.constant 0 : i32
    %c0_i32_1 = arith.constant 0 : i32
    return %c0_i32, %arg0, %c0_i32_0 : i32, i32, i32
  }
  func.func @transform_2(%arg0: i32) -> (i32, i32) {
    %c0_i32 = arith.constant 0 : i32
    %c0_i32_0 = arith.constant 0 : i32
    %c0_i32_1 = arith.constant 0 : i32
    return %c0_i32, %c0_i32_0 : i32, i32
  }
  func.func @transform_3(%arg0: i32) -> (i32, i32) {
    %c0_i32 = arith.constant 0 : i32
    %c0_i32_0 = arith.constant 0 : i32
    %c0_i32_1 = arith.constant 0 : i32
    return %c0_i32, %c0_i32_0 : i32, i32
  }
  func.func @transform_4(%arg0: i32) -> (i32, i32) {
    %c0_i32 = arith.constant 0 : i32
    %c0_i32_0 = arith.constant 0 : i32
    %c0_i32_1 = arith.constant 0 : i32
    return %c0_i32, %c0_i32_0 : i32, i32
  }
  func.func @transform_5(%arg0: i32) -> (i32, i32) {
    %c0_i32 = arith.constant 0 : i32
    %c0_i32_0 = arith.constant 0 : i32
    %c0_i32_1 = arith.constant 0 : i32
    return %c0_i32, %c0_i32_0 : i32, i32
  }
  func.func @transform_6(%arg0: i32) -> (i32, i32) {
    %c0_i32 = arith.constant 0 : i32
    %c0_i32_0 = arith.constant 0 : i32
    %c0_i32_1 = arith.constant 0 : i32
    return %c0_i32, %c0_i32_0 : i32, i32
  }
  func.func @transform_7(%arg0: i32) -> (i32, i32) {
    %c0_i32 = arith.constant 0 : i32
    %c0_i32_0 = arith.constant 0 : i32
    return %arg0, %c0_i32 : i32, i32
  }
  func.func @transform_8(%arg0: i32) -> (i32, i32) {
    %c0_i32 = arith.constant 0 : i32
    %c0_i32_0 = arith.constant 0 : i32
    return %arg0, %c0_i32 : i32, i32
  }
}

module attributes {stable_mosaic.version = 14 : i64} {
  func.func @body(%arg0: memref<2500x128xi32, #tpu.memory_space<vmem>>, %arg1: memref<2500x128xi32, #tpu.memory_space<vmem>>, %arg2: memref<2560x128xi32, #tpu.memory_space<vmem>>, %arg3: memref<2560x128xi32, #tpu.memory_space<vmem>>, %arg4: memref<10240x128xf32, #tpu.memory_space<vmem>>, %arg5: memref<128x128xf32, #tpu.memory_space<vmem>>) attributes {dimension_semantics = [], scalar_prefetch = 0 : i64, scratch_operands = 0 : i64, tpu.core_type = #tpu.core_type<tc>} {
    %iota3A = tpu.iota {dimensions = array<i32: 0>} : vector<60x128xi32>
    %mul3A = arith.constant 128 : i32
    %mul3A_0 = vector.broadcast %mul3A : i32 to vector<60x128xi32>
    %mul3A_1 = arith.muli %iota3A, %mul3A_0 : vector<60x128xi32>
    %iota3A_2 = tpu.iota {dimensions = array<i32: 1>} : vector<60x128xi32>
    %add3A = arith.addi %mul3A_1, %iota3A_2 : vector<60x128xi32>
    %get3A = arith.constant 0 : index
    %get3A_3 = arith.constant 0 : index
    %get3A_4 = vector.load %arg0[%get3A, %get3A_3] : memref<2500x128xi32, #tpu.memory_space<vmem>>, vector<2500x128xi32>
    %jit3A = arith.constant 10000 : i32
    %eq3A = arith.constant 0 : i32
    %eq3A_5 = arith.cmpi eq, %jit3A, %eq3A : i32
    %jit3A_6 = arith.constant 1 : i32
    %select_n3A = arith.select %eq3A_5, %jit3A_6, %jit3A : i32
    %rem3A = vector.broadcast %select_n3A : i32 to vector<60x128xi32>
    %rem3A_7 = arith.remsi %add3A, %rem3A : vector<60x128xi32>
    %ne3A = arith.constant 0 : i32
    %ne3A_8 = vector.broadcast %ne3A : i32 to vector<60x128xi32>
    %ne3A_9 = arith.cmpi ne, %rem3A_7, %ne3A_8 : vector<60x128xi32>
    %lt3A = arith.constant 0 : i32
    %lt3A_10 = vector.broadcast %lt3A : i32 to vector<60x128xi32>
    %lt3A_11 = arith.cmpi slt, %rem3A_7, %lt3A_10 : vector<60x128xi32>
    %lt3A_12 = arith.constant 0 : i32
    %lt3A_13 = arith.cmpi slt, %select_n3A, %lt3A_12 : i32
    %ne3A_14 = vector.broadcast %lt3A_13 : i1 to vector<60x128xi1>
    %ne3A_15 = vector.broadcast %ne3A_14 : vector<60x128xi1> to vector<60x128xi1>
    %ne3A_16 = arith.xori %lt3A_11, %ne3A_15 : vector<60x128xi1>
    %and3A = arith.andi %ne3A_16, %ne3A_9 : vector<60x128xi1>
    %add3A_17 = vector.broadcast %select_n3A : i32 to vector<60x128xi32>
    %add3A_18 = arith.addi %rem3A_7, %add3A_17 : vector<60x128xi32>
    %select_n3A_19 = arith.select %and3A, %add3A_18, %rem3A_7 : vector<60x128xi1>, vector<60x128xi32>
    %concatenate3A = tpu.concatenate %get3A_4, %select_n3A_19 in 0 : vector<2500x128xi32>, vector<60x128xi32> -> vector<2560x128xi32>
    %swap3A = arith.constant 0 : index
    %swap3A_20 = arith.constant 0 : index
    %swap3A_21 = vector.load %arg2[%swap3A, %swap3A_20] : memref<2560x128xi32, #tpu.memory_space<vmem>>, vector<2560x128xi32>
    tpu.vector_store %arg2[%swap3A, %swap3A_20], %concatenate3A {strides = array<i32>} : memref<2560x128xi32, #tpu.memory_space<vmem>>, vector<2560x128xi32>,
    %get3A_22 = arith.constant 0 : index
    %get3A_23 = arith.constant 0 : index
    %get3A_24 = vector.load %arg1[%get3A_22, %get3A_23] : memref<2500x128xi32, #tpu.memory_space<vmem>>, vector<2500x128xi32>
    %jit3A_25 = arith.constant 240 : i32
    %eq3A_26 = arith.constant 0 : i32
    %eq3A_27 = arith.cmpi eq, %jit3A_25, %eq3A_26 : i32
    %jit3A_28 = arith.constant 1 : i32
    %select_n3A_29 = arith.select %eq3A_27, %jit3A_28, %jit3A_25 : i32
    %rem3A_30 = vector.broadcast %select_n3A_29 : i32 to vector<60x128xi32>
    %rem3A_31 = arith.remsi %add3A, %rem3A_30 : vector<60x128xi32>
    %ne3A_32 = arith.constant 0 : i32
    %ne3A_33 = vector.broadcast %ne3A_32 : i32 to vector<60x128xi32>
    %ne3A_34 = arith.cmpi ne, %rem3A_31, %ne3A_33 : vector<60x128xi32>
    %lt3A_35 = arith.constant 0 : i32
    %lt3A_36 = vector.broadcast %lt3A_35 : i32 to vector<60x128xi32>
    %lt3A_37 = arith.cmpi slt, %rem3A_31, %lt3A_36 : vector<60x128xi32>
    %lt3A_38 = arith.constant 0 : i32
    %lt3A_39 = arith.cmpi slt, %select_n3A_29, %lt3A_38 : i32
    %ne3A_40 = vector.broadcast %lt3A_39 : i1 to vector<60x128xi1>
    %ne3A_41 = vector.broadcast %ne3A_40 : vector<60x128xi1> to vector<60x128xi1>
    %ne3A_42 = arith.xori %lt3A_37, %ne3A_41 : vector<60x128xi1>
    %and3A_43 = arith.andi %ne3A_42, %ne3A_34 : vector<60x128xi1>
    %add3A_44 = vector.broadcast %select_n3A_29 : i32 to vector<60x128xi32>
    %add3A_45 = arith.addi %rem3A_31, %add3A_44 : vector<60x128xi32>
    %select_n3A_46 = arith.select %and3A_43, %add3A_45, %rem3A_31 : vector<60x128xi1>, vector<60x128xi32>
    %add3A_47 = arith.constant 10000 : i32
    %add3A_48 = vector.broadcast %add3A_47 : i32 to vector<60x128xi32>
    %add3A_49 = arith.addi %add3A_48, %select_n3A_46 : vector<60x128xi32>
    %concatenate3A_50 = tpu.concatenate %get3A_24, %add3A_49 in 0 : vector<2500x128xi32>, vector<60x128xi32> -> vector<2560x128xi32>
    %swap3A_51 = arith.constant 0 : index
    %swap3A_52 = arith.constant 0 : index
    %swap3A_53 = vector.load %arg3[%swap3A_51, %swap3A_52] : memref<2560x128xi32, #tpu.memory_space<vmem>>, vector<2560x128xi32>
    tpu.vector_store %arg3[%swap3A_51, %swap3A_52], %concatenate3A_50 {strides = array<i32>} : memref<2560x128xi32, #tpu.memory_space<vmem>>, vector<2560x128xi32>,
    %broadcast_in_dim3A = arith.constant 0.000000e+00 : f32
    %broadcast_in_dim3A_54 = vector.broadcast %broadcast_in_dim3A : f32 to vector<10240x128xf32>
    %swap3A_55 = arith.constant 0 : index
    %swap3A_56 = arith.constant 0 : index
    %swap3A_57 = vector.load %arg4[%swap3A_55, %swap3A_56] : memref<10240x128xf32, #tpu.memory_space<vmem>>, vector<10240x128xf32>
    tpu.vector_store %arg4[%swap3A_55, %swap3A_56], %broadcast_in_dim3A_54 {strides = array<i32>} : memref<10240x128xf32, #tpu.memory_space<vmem>>, vector<10240x128xf32>,
    %broadcast_in_dim3A_58 = arith.constant 1.000000e+00 : f32
    %broadcast_in_dim3A_59 = vector.broadcast %broadcast_in_dim3A_58 : f32 to vector<128x128xf32>
    %swap3A_60 = arith.constant 0 : index
    %swap3A_61 = arith.constant 0 : index
    %swap3A_62 = vector.load %arg5[%swap3A_60, %swap3A_61] : memref<128x128xf32, #tpu.memory_space<vmem>>, vector<128x128xf32>
    tpu.vector_store %arg5[%swap3A_60, %swap3A_61], %broadcast_in_dim3A_59 {strides = array<i32>} : memref<128x128xf32, #tpu.memory_space<vmem>>, vector<128x128xf32>,
    return
  }
}

module attributes {stable_mosaic.version = 14 : i64} {
  func.func @body(%arg0: i32, %arg1: memref<2x1000x128xf32, #tpu.memory_space<vmem>>, %arg2: memref<1000x128xf32, #tpu.memory_space<vmem>>, %arg3: memref<1000x8xf32, #tpu.memory_space<vmem>>, %arg4: memref<128x128xf32, #tpu.memory_space<vmem>>, %arg5: memref<1x128xf32, #tpu.memory_space<vmem>>, %arg6: memref<1000x128xf32, #tpu.memory_space<vmem>>) attributes {dimension_semantics = [#tpu.dimension_semantics<arbitrary>], iteration_bounds = array<i64: 10>, scalar_prefetch = 0 : i64, scratch_operands = 0 : i64, tpu.core_type = #tpu.core_type<tc>, window_params = [{transform_indices = @transform_0, window_bounds = array<i64: 2, 1000, 128>}, {transform_indices = @transform_1, window_bounds = array<i64: 1000, 128>}, {transform_indices = @transform_2, window_bounds = array<i64: 1000, 8>}, {pipeline_mode = #tpu.pipeline_mode<synchronous>, transform_indices = @transform_3, window_bounds = array<i64: 128, 128>}, {pipeline_mode = #tpu.pipeline_mode<synchronous>, transform_indices = @transform_4, window_bounds = array<i64: 1, 128>}, {transform_indices = @transform_5, window_bounds = array<i64: 1000, 128>}]} {
    %get3A = arith.constant 0 : index
    %get3A_0 = arith.constant 0 : index
    %get3A_1 = vector.load %arg3[%get3A, %get3A_0] : memref<1000x8xf32, #tpu.memory_space<vmem>>, vector<1000x8xf32>
    %slice3A = vector.extract_strided_slice %get3A_1 {offsets = [0, 0], sizes = [1000, 1], strides = [1, 1]} : vector<1000x8xf32> to vector<1000x1xf32>
    %get3A_2 = arith.constant 0 : index
    %get3A_3 = arith.constant 0 : index
    %get3A_4 = arith.constant 0 : index
    %get3A_5 = vector.load %arg1[%get3A_2, %get3A_3, %get3A_4] : memref<2x1000x128xf32, #tpu.memory_space<vmem>>, vector<1x1000x128xf32>
    %get3A_6 = vector.shape_cast %get3A_5 : vector<1x1000x128xf32> to vector<1000x128xf32>
    %get3A_7 = arith.constant 1 : index
    %get3A_8 = arith.constant 0 : index
    %get3A_9 = arith.constant 0 : index
    %get3A_10 = vector.load %arg1[%get3A_7, %get3A_8, %get3A_9] : memref<2x1000x128xf32, #tpu.memory_space<vmem>>, vector<1x1000x128xf32>
    %get3A_11 = vector.shape_cast %get3A_10 : vector<1x1000x128xf32> to vector<1000x128xf32>
    %add3A = arith.addf %get3A_6, %get3A_11 : vector<1000x128xf32>
    %get3A_12 = arith.constant 0 : index
    %get3A_13 = arith.constant 0 : index
    %get3A_14 = vector.load %arg2[%get3A_12, %get3A_13] : memref<1000x128xf32, #tpu.memory_space<vmem>>, vector<1000x128xf32>
    %add3A_15 = arith.addf %add3A, %get3A_14 : vector<1000x128xf32>
    %mul3A = vector.broadcast %slice3A : vector<1000x1xf32> to vector<1000x128xf32>
    %mul3A_16 = arith.mulf %mul3A, %add3A_15 : vector<1000x128xf32>
    %get3A_17 = arith.constant 0 : index
    %get3A_18 = arith.constant 0 : index
    %get3A_19 = vector.load %arg5[%get3A_17, %get3A_18] : memref<1x128xf32, #tpu.memory_space<vmem>>, vector<1x128xf32>
    %add3A_20 = vector.broadcast %get3A_19 : vector<1x128xf32> to vector<1000x128xf32>
    %add3A_21 = arith.addf %mul3A_16, %add3A_20 : vector<1000x128xf32>
    %max3A = arith.constant 0.000000e+00 : f32
    %max3A_22 = vector.broadcast %max3A : f32 to vector<1000x128xf32>
    %max3A_23 = arith.maximumf %add3A_21, %max3A_22 : vector<1000x128xf32>
    %get3A_24 = arith.constant 0 : index
    %get3A_25 = arith.constant 0 : index
    %get3A_26 = vector.load %arg4[%get3A_24, %get3A_25] : memref<128x128xf32, #tpu.memory_space<vmem>>, vector<128x128xf32>
    %dot_general3A = arith.constant dense<0.000000e+00> : vector<1000x128xf32>
    %dot_general3A_27 = tpu.matmul %max3A_23, %get3A_26, %dot_general3A {dimension_numbers = #tpu.dot_dimension_numbers<[1], [0], [0], [1], [0, 0, 1, 1], [], []>, transpose_lhs_hint = false} : vector<1000x128xf32>, vector<128x128xf32>, vector<1000x128xf32> -> vector<1000x128xf32>
    %mul3A_28 = vector.broadcast %slice3A : vector<1000x1xf32> to vector<1000x128xf32>
    %mul3A_29 = arith.mulf %dot_general3A_27, %mul3A_28 : vector<1000x128xf32>
    %swap3A = arith.constant 0 : index
    %swap3A_30 = arith.constant 0 : index
    %swap3A_31 = vector.load %arg6[%swap3A, %swap3A_30] : memref<1000x128xf32, #tpu.memory_space<vmem>>, vector<1000x128xf32>
    tpu.vector_store %arg6[%swap3A, %swap3A_30], %mul3A_29 {strides = array<i32>} : memref<1000x128xf32, #tpu.memory_space<vmem>>, vector<1000x128xf32>,
    return
  }
  func.func @transform_0(%arg0: i32) -> (i32, i32, i32) {
    %c0_i32 = arith.constant 0 : i32
    %c0_i32_0 = arith.constant 0 : i32
    %c0_i32_1 = arith.constant 0 : i32
    return %c0_i32, %arg0, %c0_i32_0 : i32, i32, i32
  }
  func.func @transform_1(%arg0: i32) -> (i32, i32) {
    %c0_i32 = arith.constant 0 : i32
    %c0_i32_0 = arith.constant 0 : i32
    return %arg0, %c0_i32 : i32, i32
  }
  func.func @transform_2(%arg0: i32) -> (i32, i32) {
    %c0_i32 = arith.constant 0 : i32
    %c0_i32_0 = arith.constant 0 : i32
    return %arg0, %c0_i32 : i32, i32
  }
  func.func @transform_3(%arg0: i32) -> (i32, i32) {
    %c0_i32 = arith.constant 0 : i32
    %c0_i32_0 = arith.constant 0 : i32
    %c0_i32_1 = arith.constant 0 : i32
    return %c0_i32, %c0_i32_0 : i32, i32
  }
  func.func @transform_4(%arg0: i32) -> (i32, i32) {
    %c0_i32 = arith.constant 0 : i32
    %c0_i32_0 = arith.constant 0 : i32
    %c0_i32_1 = arith.constant 0 : i32
    return %c0_i32, %c0_i32_0 : i32, i32
  }
  func.func @transform_5(%arg0: i32) -> (i32, i32) {
    %c0_i32 = arith.constant 0 : i32
    %c0_i32_0 = arith.constant 0 : i32
    return %arg0, %c0_i32 : i32, i32
  }
}

module attributes {stable_mosaic.version = 14 : i64} {
  func.func @body(%arg0: i32, %arg1: memref<2x1000x128xf32, #tpu.memory_space<vmem>>, %arg2: memref<1000x128xf32, #tpu.memory_space<vmem>>, %arg3: memref<1000x8xf32, #tpu.memory_space<vmem>>, %arg4: memref<1x128xf32, #tpu.memory_space<vmem>>, %arg5: memref<1000x128xf32, #tpu.memory_space<vmem>>) attributes {dimension_semantics = [#tpu.dimension_semantics<arbitrary>], iteration_bounds = array<i64: 10>, scalar_prefetch = 0 : i64, scratch_operands = 0 : i64, tpu.core_type = #tpu.core_type<tc>, window_params = [{transform_indices = @transform_0, window_bounds = array<i64: 2, 1000, 128>}, {transform_indices = @transform_1, window_bounds = array<i64: 1000, 128>}, {transform_indices = @transform_2, window_bounds = array<i64: 1000, 8>}, {pipeline_mode = #tpu.pipeline_mode<synchronous>, transform_indices = @transform_3, window_bounds = array<i64: 1, 128>}, {transform_indices = @transform_4, window_bounds = array<i64: 1000, 128>}]} {
    %get3A = arith.constant 0 : index
    %get3A_0 = arith.constant 0 : index
    %get3A_1 = vector.load %arg3[%get3A, %get3A_0] : memref<1000x8xf32, #tpu.memory_space<vmem>>, vector<1000x8xf32>
    %slice3A = vector.extract_strided_slice %get3A_1 {offsets = [0, 0], sizes = [1000, 1], strides = [1, 1]} : vector<1000x8xf32> to vector<1000x1xf32>
    %get3A_2 = arith.constant 0 : index
    %get3A_3 = arith.constant 0 : index
    %get3A_4 = arith.constant 0 : index
    %get3A_5 = vector.load %arg1[%get3A_2, %get3A_3, %get3A_4] : memref<2x1000x128xf32, #tpu.memory_space<vmem>>, vector<1x1000x128xf32>
    %get3A_6 = vector.shape_cast %get3A_5 : vector<1x1000x128xf32> to vector<1000x128xf32>
    %get3A_7 = arith.constant 1 : index
    %get3A_8 = arith.constant 0 : index
    %get3A_9 = arith.constant 0 : index
    %get3A_10 = vector.load %arg1[%get3A_7, %get3A_8, %get3A_9] : memref<2x1000x128xf32, #tpu.memory_space<vmem>>, vector<1x1000x128xf32>
    %get3A_11 = vector.shape_cast %get3A_10 : vector<1x1000x128xf32> to vector<1000x128xf32>
    %add3A = arith.addf %get3A_6, %get3A_11 : vector<1000x128xf32>
    %get3A_12 = arith.constant 0 : index
    %get3A_13 = arith.constant 0 : index
    %get3A_14 = vector.load %arg2[%get3A_12, %get3A_13] : memref<1000x128xf32, #tpu.memory_space<vmem>>, vector<1000x128xf32>
    %add3A_15 = arith.addf %add3A, %get3A_14 : vector<1000x128xf32>
    %mul3A = vector.broadcast %slice3A : vector<1000x1xf32> to vector<1000x128xf32>
    %mul3A_16 = arith.mulf %mul3A, %add3A_15 : vector<1000x128xf32>
    %get3A_17 = arith.constant 0 : index
    %get3A_18 = arith.constant 0 : index
    %get3A_19 = vector.load %arg4[%get3A_17, %get3A_18] : memref<1x128xf32, #tpu.memory_space<vmem>>, vector<1x128xf32>
    %add3A_20 = vector.broadcast %get3A_19 : vector<1x128xf32> to vector<1000x128xf32>
    %add3A_21 = arith.addf %mul3A_16, %add3A_20 : vector<1000x128xf32>
    %swap3A = arith.constant 0 : index
    %swap3A_22 = arith.constant 0 : index
    %swap3A_23 = vector.load %arg5[%swap3A, %swap3A_22] : memref<1000x128xf32, #tpu.memory_space<vmem>>, vector<1000x128xf32>
    tpu.vector_store %arg5[%swap3A, %swap3A_22], %add3A_21 {strides = array<i32>} : memref<1000x128xf32, #tpu.memory_space<vmem>>, vector<1000x128xf32>,
    return
  }
  func.func @transform_0(%arg0: i32) -> (i32, i32, i32) {
    %c0_i32 = arith.constant 0 : i32
    %c0_i32_0 = arith.constant 0 : i32
    %c0_i32_1 = arith.constant 0 : i32
    return %c0_i32, %arg0, %c0_i32_0 : i32, i32, i32
  }
  func.func @transform_1(%arg0: i32) -> (i32, i32) {
    %c0_i32 = arith.constant 0 : i32
    %c0_i32_0 = arith.constant 0 : i32
    return %arg0, %c0_i32 : i32, i32
  }
  func.func @transform_2(%arg0: i32) -> (i32, i32) {
    %c0_i32 = arith.constant 0 : i32
    %c0_i32_0 = arith.constant 0 : i32
    return %arg0, %c0_i32 : i32, i32
  }
  func.func @transform_3(%arg0: i32) -> (i32, i32) {
    %c0_i32 = arith.constant 0 : i32
    %c0_i32_0 = arith.constant 0 : i32
    %c0_i32_1 = arith.constant 0 : i32
    return %c0_i32, %c0_i32_0 : i32, i32
  }
  func.func @transform_4(%arg0: i32) -> (i32, i32) {
    %c0_i32 = arith.constant 0 : i32
    %c0_i32_0 = arith.constant 0 : i32
    return %arg0, %c0_i32 : i32, i32
  }
}

</mosaic_0001>

<sc_bundles>
// kernel: kernel.11.cloned.1.call-start
scs
__scs_entry_jumppad:
0x0: {  	(pc) =	sbr.rel $0x88, $3  }
0x1: {  	(tag) =	ssettag $0x0;
	lr =	simm.s32 $0x1  }
0x2: {  	[smem:$0x3F95] =	sst lr;
	_ =	strace $0xD0000000  }
0x3: {  	_ = 	snop  }
0x4: {  	_ = 	snop  }
0x5: {  	_ = 	snop  }
0x6: {  	_ = 	snop  }
0x7: {  	_ = 	snop  }
__scs_overlays_trampoline_lowered:
0x8: {  	[smem:$0x3FA4] =	sst s0  }
0x9: {  	[smem:$0x3FA5] =	sst s1  }
0xa: {  	[smem:$0x3FA6] =	sst s2  }
0xb: {  	[smem:$0x3FA7] =	sst s3  }
0xc: {  	[smem:$0x3FA8] =	sst s4  }
0xd: {  	[smem:$0x3FA9] =	sst s5  }
0xe: {  	[smem:$0x3FAA] =	sst s6  }
0xf: {  	[smem:$0x3FAB] =	sst s7  }
0x10: {  	[smem:$0x3FAC] =	sst s8  }
0x11: {  	[smem:$0x3FAD] =	sst s9;
	s0 =	simm.s32 @!p0 $0x0  }
0x12: {  	s1 =	sld [smem:$0x3F93];
	s0 =	simm.s32 @p0 $0x1  }
0x13: {  	[smem:$0x3FAE] =	sst s0;
	s0 =	simm.s32 @!p1 $0x0  }
0x14: {  	s2 =	sld [smem:$0x3F92];
	s0 =	simm.s32 @p1 $0x1  }
0x15: {  	[smem:$0x3FAF] =	sst s0;
	s0 =	simm.s32 @!p2 $0x0  }
0x16: {  	s3 =	sld [smem:$0x3FDB];
	s0 =	simm.s32 @p2 $0x1  }
0x17: {  	s4 =	simm.s32 $0x1BF5;
	[smem:$0x3FB1] =	sst s0  }
0x18: {  	s0 =	sld [smem:$0x3F94];
	_ =	swait.ge [sflag:s4], $0x0  }
0x19: {  	s7 =	sld [smem:$0x3F95]  }
0x1a: {  	s8 =	sadd.s32 $0xFFFFE003, lr  }
0x1b: {  	s9 =	sadd.s32 $0xFFFFFEF7, lr;
	s5 =	simm.s32 $0xFFFFFFFF;
	p2 =	slt.u32 s8, $0xFFFFF086  }
0x1c: {  	p1 =	slt.u32 s9, $0xF7A;
	s5 =	simm.s32 @!p2 $0x0  }
0x1d: {  	s5 =	simm.s32 @p1 $0x1;
	p0 =	seq.s32 s7, s2  }
0x1e: {  	s7 =	smul.u32 @!p0 $0xF7A, s2;
	p2 =	seq.s32 @!p0 s5, $0x0  }
0x1f: {  	s9 =	smul.u32 $0xF7A, s1;
	s8 =	simm.s32 @!p0 $0x1BF5;
	p2 =	por !p2, p0  }
0x20: {  	[sflag:s8] =	ssyncset.s32 @!p0 $0xFFFFF086;
	s6 =	sadd.s32 @!p0 s3, s7;
	s7 =	simm.s32 @!p0 $0x108  }
0x21: {  	s3 =	sadd.s32 s3, s9;
	s6 =	sadd.s32 @!p0 $0x88, s6;
	s7 =	simm.s32 @p2 $0x1082  }
0x22: {  	[simem:s7], [sflag:s8] =	dma.local @!p0 [hbm:s6], $0xF7A  }
0x23: {  	s9 =	sor.u32 $0xD0000000, s2;
	s6 =	simm.s32 $0x108;
	_ =	swait.ge @!p0 [sflag:s8], $0x0  }
0x24: {  	s3 =	sadd.s32 $0x88, s3;
	s6 =	simm.s32 @!p1 $0x1082;
	[sflag:s4] =	ssyncset.s32 $0xFFFFF086  }
0x25: {  	[simem:s6], [sflag:s4] =	dma.local [hbm:s3], $0xF7A  }
0x26: {  	[smem:$0x3F95] =	sst s1;
	(tag) =	ssettag s2;
	_ =	strace s9  }
0x27: {  	s1 =	sld [smem:$0x3FA5]  }
0x28: {  	s2 =	sld [smem:$0x3FA6]  }
0x29: {  	s4 =	sld [smem:$0x3FA8]  }
0x2a: {  	p0 =	seq.s32 s5, $0x0;
	s5 =	sld [smem:$0x3FA9]  }
0x2b: {  	s6 =	sld [smem:$0x3FAA]  }
0x2c: {  	s7 =	sld [smem:$0x3FAB]  }
0x2d: {  	s3 =	simm.s32 $0x108;
	s8 =	sld [smem:$0x3FAC]  }
0x2e: {  	s3 =	simm.s32 @!p0 $0x1082;
	s9 =	sld [smem:$0x3FAD]  }
0x2f: {  	lr =	sadd.s32 s0, s3;
	s0 =	sld [smem:$0x3FA4]  }
0x30: {  	s3 =	sld [smem:$0x3FA7]  }
0x31: {  	[smem:$0x3FB0] =	sst s10  }
0x32: {  	s10 =	sld [smem:$0x3FAE];
	_ =	sdelay $0x3  }
0x33: {  	p0 =	seq.s32 s10, $0x1;
	s10 =	sld [smem:$0x3FB0];
	_ =	sdelay $0x3  }
0x34: {  	[smem:$0x3FB0] =	sst s10  }
0x35: {  	s10 =	sld [smem:$0x3FAF];
	_ =	sdelay $0x3  }
0x36: {  	p1 =	seq.s32 s10, $0x1;
	s10 =	sld [smem:$0x3FB0];
	_ =	sdelay $0x3  }
0x37: {  	[smem:$0x3FB0] =	sst s10  }
0x38: {  	s10 =	sld [smem:$0x3FB1]  }
0x39: {  	_ = 	snop;
	(pc) =	sbr.ind lr, $3  }
0x3a: {  	_ = 	snop  }
0x3b: {  	_ = 	snop  }
0x3c: {  	p2 =	seq.s32 s10, $0x1;
	s10 =	sld [smem:$0x3FB0]  }
0x3d: {  	_ =	shalt  }
0x3e: {  	_ =	shalt  }
0x3f: {  	_ =	shalt  }
0x40: {  	_ =	shalt  }
0x41: {  	_ =	shalt  }
0x42: {  	_ =	shalt  }
0x43: {  	_ =	shalt  }
0x44: {  	_ =	shalt  }
0x45: {  	_ =	shalt  }
0x46: {  	_ =	shalt  }
0x47: {  	_ =	shalt  }
0x48: {  	_ =	shalt  }
0x49: {  	_ =	shalt  }
0x4a: {  	_ =	shalt  }
0x4b: {  	_ =	shalt  }
0x4c: {  	_ =	shalt  }
0x4d: {  	_ =	shalt  }
0x4e: {  	_ =	shalt  }
0x4f: {  	_ =	shalt  }
0x50: {  	_ =	shalt  }
0x51: {  	_ =	shalt  }
0x52: {  	_ =	shalt  }
0x53: {  	_ =	shalt  }
0x54: {  	_ =	shalt  }
0x55: {  	_ =	shalt  }
0x56: {  	_ =	shalt  }
0x57: {  	_ =	shalt  }
0x58: {  	_ =	shalt  }
0x59: {  	_ =	shalt  }
0x5a: {  	_ =	shalt  }
0x5b: {  	_ =	shalt  }
0x5c: {  	_ =	shalt  }
0x5d: {  	_ =	shalt  }
0x5e: {  	_ =	shalt  }
0x5f: {  	_ =	shalt  }
0x60: {  	_ =	shalt  }
0x61: {  	_ =	shalt  }
0x62: {  	_ =	shalt  }
0x63: {  	_ =	shalt  }
0x64: {  	_ =	shalt  }
0x65: {  	_ =	shalt  }
0x66: {  	_ =	shalt  }
0x67: {  	_ =	shalt  }
0x68: {  	_ =	shalt  }
0x69: {  	_ =	shalt  }
0x6a: {  	_ =	shalt  }
0x6b: {  	_ =	shalt  }
0x6c: {  	_ =	shalt  }
0x6d: {  	_ =	shalt  }
0x6e: {  	_ =	shalt  }
0x6f: {  	_ =	shalt  }
0x70: {  	_ =	shalt  }
0x71: {  	_ =	shalt  }
0x72: {  	_ =	shalt  }
0x73: {  	_ =	shalt  }
0x74: {  	_ =	shalt  }
0x75: {  	_ =	shalt  }
0x76: {  	_ =	shalt  }
0x77: {  	_ =	shalt  }
0x78: {  	_ =	shalt  }
0x79: {  	_ =	shalt  }
0x7a: {  	_ =	shalt  }
0x7b: {  	_ =	shalt  }
0x7c: {  	_ =	shalt  }
0x7d: {  	_ =	shalt  }
0x7e: {  	_ =	shalt  }
0x7f: {  	_ =	shalt  }
0x80: {  	_ =	shalt  }
0x81: {  	_ =	shalt  }
0x82: {  	_ =	shalt  }
0x83: {  	_ =	shalt  }
0x84: {  	_ =	shalt  }
0x85: {  	_ =	shalt  }
0x86: {  	_ =	shalt  }
0x87: {  	_ =	shalt  }
.Lfunc_end0:
.L_simem_size_0:
called_computation_lowered:
.L_overlay_start_0:
0x88: {  	s2 =	sld [smem:$0x3FD9]  }
0x89: {  	s3 =	sld [smem:$0x3FFE];
	_ =	sdelay $0x1  }
0x8a: {  	s1 =	srdreg.scid  }
0x8b: {  	s0 =	sand.u32 $0x1, s1  }
0x8c: {  	s17 =	sshll.u32 s0, $0xA;
	s2 =	sadd.s32 s3, s2  }
0x8d: {  	s2 =	sadd.s32 s2, s17  }
0x8e: {  	[smem:$0x3FBC] =	sst s2  }
0x8f: {  	_ = 	snop  }
0x90: {  	s2 =	sld [smem:$0x3FD0];
	(tm) =	ssettm $0x1  }
0x91: {  	s18 =	sld [smem:$0x3FFB];
	_ =	sdelay $0x3  }
0x92: {  	_ =	strace s18  }
0x93: {  	s3 =	sld [smem:$0x3FFC];
	_ =	sdelay $0x3  }
0x94: {  	_ =	strace s3  }
0x95: {  	s3 =	sld [smem:$0x3FFD];
	_ =	sdelay $0x3  }
0x96: {  	_ =	strace s3  }
0x97: {  	_ =	strace $0x8FFFFFFF  }
0x98: {  	s19 =	sld [smem:$0x3FDB];
	_ =	sdelay $0x1  }
0x99: {  	s4 =	simm.s32 $_scs_section_size  }
0x9a: {  	s5 =	simm.s32 $_size__tile_overlayer_lowered;
	s6 =	simm.s32 $_tile_overlayer_lowered  }
0x9b: {  	s22 =	simm.s32 $0x1BFF;
	s21 =	sshll.u32 s6, $0x1;
	s3 =	sadd.s32 s4, s19  }
0x9c: {  	s7 =	simm.s32 $0x0;
	s20 =	sshll.u32 s5, $0x1;
	s5 =	sadd.s32 s21, s3  }
0x9d: {  	[timem:s7], [sflag:s22] =	dma.local [hbm:s5], s20  }
0x9e: {  	_ =	swait.ge [sflag:s22], s20  }
0x9f: {  	s4 =	ssub.s32 $0x0, s20;
	[sflag:s22] =	ssyncset.done $0x0  }
0xa0: {  	[sflag:s22] =	ssyncadd.s32 s4;
	_ =	sdelay $0x1  }
0xa1: {  	s23 =	simm.s32 $0x1B8B  }
0xa2: {  	_ =	swait.ge [sflag:s23], $0x1  }
0xa3: {  	[sflag:s23] =	ssyncset.done $0x0  }
0xa4: {  	s25 =	simm.s32 $0x1B8E;
	s24 =	sld [smem:$0x3FFE];
	[sflag:s23] =	ssyncadd.s32 $0xFFFFFFFF  }
0xa5: {  	s26 =	simm.s32 $execute0_lowered;
	[smem:$0x3FD2] =	sst s25  }
0xa6: {  	s5 =	sshll.u32 s26, $0x1;
	_ =	strace $0x80000046;
	[dreg:$0x1] =	wrdreg $0xFFFFFFFF  }
0xa7: {  	s28 =	simm.s32 $_size_execute0_lowered;
	s3 =	sadd.s32 s3, s5;
	[dreg:$0x0] =	wrdreg $0x0  }
0xa8: {  	s5 =	sshll.u32 s28, $0x1;
	[dreg:$0x2] =	wrdreg s3  }
0xa9: {  	[dreg:$0x3] =	wrdreg s5  }
0xaa: {  	[dreg:$0x4] =	wrdreg $0xC0  }
0xab: {  	_ =	task [dreg:s7], $0x5FFFF  }
0xac: {  	[dreg:$0x1] =	wrdreg $0xFFFFFFFF  }
0xad: {  	[dreg:$0x0] =	wrdreg $0x60  }
0xae: {  	[dreg:$0x2] =	wrdreg s2  }
0xaf: {  	[dreg:$0x3] =	wrdreg s24  }
0xb0: {  	[dreg:$0x4] =	wrdreg $0x0  }
0xb1: {  	[dreg:$0x5] =	wrdreg $0x9  }
0xb2: {  	_ =	task.clear_ibuf [dreg:s7], $0x6FFFF;
	_ =	strace $0x90000046  }
0xb3: {  	s29 =	simm.s32 $0x9;
	_ =	strace $0x80000048  }
0xb4: {  	_ =	swait.ge [sflag:s29], $0x1  }
0xb5: {  	[sflag:s29] =	ssyncadd.s32 $0xFFFFFFFF  }
0xb6: {  	_ =	strace $0x90000048  }
0xb7: {  	_ =	sfence  }
0xb8: {  	s30 =	sld [smem:$0x0];
	_ =	sdelay $0x2  }
0xb9: {  	s31 =	sshll.u32 s1, $0xD;
	s1 =	sshrl.u32 s1, $0x2  }
0xba: {  	s3 =	sand.u32 $0x4000, s31;
	s1 =	sadd.s32 s1, s30  }
0xbb: {  	s0 =	sor.u32 s3, s0;
	s1 =	sshll.u32 s1, $0x11  }
0xbc: {  	s0 =	sor.u32 s1, s0  }
0xbd: {  	s0 =	sadd.s32 $0x8F2B, s0  }
0xbe: {  	[sflag:s0] =	ssyncadd.remote.s32 $0x1  }
0xbf: {  	_ =	sfence.sel $0xFFFF  }
0xc0: {  	[dreg:$0x0] =	wrdreg $0xFFFFFFFF;
	(pc) =	sbr.abs _section_cstart, $3  }
0xc1: {  	[dreg:$0x1] =	wrdreg $0xFFFFFFFF  }
0xc2: {  	_ =	task.clear_ibuf [dreg:s7], $0x2FFFF;
	_ =	strace $0x9FFFFFFF  }
0xc3: {  	(tm) =	ssettm $0x7FFFFFFF  }
tec
execute0_lowered:
.L_overlay_start_1:
0x0: {  	(tag) =	ssettag $0x1  }
0x1: {  	s7 =	rddreg [dreg:$0x0]  }
0x2: {  	s5 =	rddreg [dreg:$0x1];
	s0 =	stileid.u32  }
0x3: {  	s1 =	srdreg.scid;
	s2 =	rddreg [dreg:$0x2];
	s3 =	simm.s32 $0x0  }
0x4: {  	s14 =	simm.s32 $0x80;
	s15 =	simm.s32 $0x0;
	s4 =	smul.u32 $0x14000, s0  }
0x5: {  	s6 =	sand.u32 $0x1, s1;
	s1 =	rddreg [dreg:$0x3];
	s12 =	smul.u32 $0x50000, s0  }
0x6: {  	[smem:$0x7FF] =	sst s3;
	s30 =	sshll.u32 s0, $0x6;
	s8 =	smul.u32 $0x140000, s6  }
0x7: {  	_ =	strace $0x80000047;
	s10 =	ssub.s32 $0x2, s6;
	s6 =	sshll.u32 s6, $0x4  }
0x8: {  	s9 =	sshrl.u32 s4, $0x3;
	s11 =	sshrl.u32 s10, $0x1;
	s28 =	sor.u32 s0, s6  }
0x9: {  	s29 =	sshrl.u32 s12, $0x2;
	s6 =	sor.u32 $0x1C01, s30;
	s12 =	simm.s32 $0x16800  }
0xa: {  	s9 =	sadd.s32 s9, s5;
	s8 =	sadd.s32 s4, s8;
	s4 =	sadd.s32 $0x2BE00, s5  }
0xb: {  	s10 =	ssub.s32 s10, s11;
	s31 =	smul.u32 $0x500, s28;
	s8 =	sshrl.u32 s8, $0x3  }
0xc: {  	s13 =	sadd.s32 s29, s2;
	s11 =	simm.s32 $0x1;
	s8 =	sadd.s32 s8, s5  }
0xd: {  	s5 =	sadd.s32 $0x3E00, s9;
	s7 =	sadd.s32 s7, s31;
	s9 =	smax.u32 s10, $0x1  }
0xe: {  	s10 =	sshrl.u32 s13, $0x3;
	s13 =	simm.s32 $0x14000;
	s8 =	sadd.s32 $0x36600, s8  }
.LBB2_1:
0xf: {  	[spmem:s10], [sflag:s6] =	dma.local [hbm:s5], $0x2800  }
0x10: {  	_ =	swait.ge [sflag:s11], $0x2800  }
0x11: {  	[sflag:s11] =	ssyncset.done $0x0  }
0x12: {  	[sflag:s11] =	ssyncadd.s32 $0xFFFFD800  }
0x13: {  	[tilespmem:s12], [sflag:$0x1] =	stream.linear.gather [hbm4b:s4+s3], $0x4000, $0x38;
	[tilespmem:$0x1A800] =	vst v63  }
0x14: {  	_ =	swait.ge [sflag:s11], $0x4000  }
0x15: {  	[sflag:s11] =	ssyncset.done $0x0  }
0x16: {  	[sflag:s11] =	ssyncadd.s32 $0xFFFFC000  }
0x17: {  	[tilespmem:s13], [sflag:$0x1] =	stream.linear.gather [hbm4b:s7+s3], $0x2800, $0x38;
	[tilespmem:$0x1A800] =	vst v63  }
0x18: {  	_ =	swait.ge [sflag:s11], $0x2800  }
0x19: {  	[sflag:s11] =	ssyncset.done $0x0  }
0x1a: {  	[sflag:s11] =	ssyncadd.s32 $0xFFFFD800  }
0x1b: {  	s16 =	simm.s32 $0x14000;
	[bflag:$0x0] =	sbarrier.arrive $0xFFFF  }
0x1c: {  	[spmem:s2] =	stream.indirect.scatter.add.f32 [tilespmem:s12], [sflag:$0x1], $0x80, s16, s14, $0xb8;
	[tilespmem:$0x1A800] =	vst v63  }
0x1d: {  	s16 =	simm.s32 $0x200;
	_ =	swait.ge [sflag:s11], $0x4000  }
.LBB2_2:
0x1e: {  	s17 =	sshra.s32 s16, $0x2;
	[sflag:s11] =	ssyncset.done $0x0;
	p0 =	sne.s32 s16, $0x9E00  }
.Ltmp0:
0x1f: {  	s17 =	sadd.s32 $0x14000, s17;
	[sflag:s11] =	ssyncadd.s32 $0xFFFFC000;
	(pc) =	sbr.rel @p0 .LBB2_2-.Ltmp0, $3  }
0x20: {  	[spmem:s2] =	stream.indirect.scatter.add.f32 [tilespmem:s12], [sflag:$0x1], $0x80, s17, s14, $0xb8;
	[tilespmem:$0x1A800] =	vst v63  }
0x21: {  	s16 =	sadd.s32 $0x200, s16;
	_ =	sdelay $0x1  }
0x22: {  	_ =	swait.ge [sflag:s11], $0x4000  }
0x23: {  	[sflag:s11] =	ssyncset.done $0x0;
	s15 =	sadd.s32 $0x1, s15  }
0x24: {  	[sflag:s11] =	ssyncadd.s32 $0xFFFFC000;
	p0 =	sne.s32 s15, s9  }
.Ltmp1:
0x25: {  	[bflag:$0x0] =	sbarrier.arrive $0xFFFF;
	(pc) =	sbr.rel @p0 .LBB2_1-.Ltmp1, $4  }
0x26: {  	[hbm:s8], [sflag:s6] =	dma.local [spmem:s10], $0x2800  }
0x27: {  	_ =	swait.ge [sflag:s11], $0x2800  }
0x28: {  	[sflag:s11] =	ssyncset.done $0x0  }
0x29: {  	[sflag:s11] =	ssyncadd.s32 $0xFFFFD800  }
0x2a: {  	_ =	sfence.sel $0x180000  }
0x2b: {  	[bflag:$0x0] =	sbarrier.arrive $0xFFFF  }
0x2c: {  	p0 =	sne.s32 s0, $0x0;
	_ =	strace $0x90000047  }
0x2d: {  	s0 =	sadd.s32 @!p0 $0x100000, s1;
	[bflag:$0x2] =	sbarrier.arrive $0xFFFF  }
0x2e: {  	[sflag:s0] =	ssyncadd.tile.s32 @!p0 $0x1;
	_ =	shalt  }
.Lfunc_end2:
_tile_overlayer_lowered:
.L_overlay_start_2:
0x2f: {  	(tag) =	ssettag $0x2  }
0x30: {  	s0 =	rddreg [dreg:$0x0];
	s2 =	stileid.u32  }
0x31: {  	s1 =	rddreg [dreg:$0x1];
	p0 =	sne.s32 s2, $0x0  }
0x32: {  	s3 =	rddreg [dreg:$0x2];
	[bflag:$0x3] =	sbarrier.arrive $0xFFFF;
	s2 =	simm.s32 @!p0 $0x1C01  }
0x33: {  	[timem:s3], [sflag:s2] =	dma.local @!p0 [hbm:s0], s1  }
0x34: {  	s0 =	simm.s32 @!p0 $0x1  }
0x35: {  	_ =	swait.ge @!p0 [sflag:s0], s1  }
0x36: {  	s1 =	ssub.s32 @!p0 $0x0, s1;
	[sflag:s0] =	ssyncset.done @!p0 $0x0  }
0x37: {  	[sflag:s0] =	ssyncadd.s32 @!p0 s1  }
0x38: {  	[bflag:$0x3] =	sbarrier.arrive $0xFFFF  }
0x39: {  	_ =	shalt  }

// kernel: kernel.14.cloned.1.call-start
scs
__scs_entry_jumppad:
0x0: {  	(pc) =	sbr.rel $0x88, $3  }
0x1: {  	(tag) =	ssettag $0x0;
	lr =	simm.s32 $0x1  }
0x2: {  	[smem:$0x3F95] =	sst lr;
	_ =	strace $0xD0000000  }
0x3: {  	_ = 	snop  }
0x4: {  	_ = 	snop  }
0x5: {  	_ = 	snop  }
0x6: {  	_ = 	snop  }
0x7: {  	_ = 	snop  }
__scs_overlays_trampoline_lowered:
0x8: {  	[smem:$0x3FA4] =	sst s0  }
0x9: {  	[smem:$0x3FA5] =	sst s1  }
0xa: {  	[smem:$0x3FA6] =	sst s2  }
0xb: {  	[smem:$0x3FA7] =	sst s3  }
0xc: {  	[smem:$0x3FA8] =	sst s4  }
0xd: {  	[smem:$0x3FA9] =	sst s5  }
0xe: {  	[smem:$0x3FAA] =	sst s6  }
0xf: {  	[smem:$0x3FAB] =	sst s7  }
0x10: {  	[smem:$0x3FAC] =	sst s8  }
0x11: {  	[smem:$0x3FAD] =	sst s9;
	s0 =	simm.s32 @!p0 $0x0  }
0x12: {  	s1 =	sld [smem:$0x3F93];
	s0 =	simm.s32 @p0 $0x1  }
0x13: {  	[smem:$0x3FAE] =	sst s0;
	s0 =	simm.s32 @!p1 $0x0  }
0x14: {  	s2 =	sld [smem:$0x3F92];
	s0 =	simm.s32 @p1 $0x1  }
0x15: {  	[smem:$0x3FAF] =	sst s0;
	s0 =	simm.s32 @!p2 $0x0  }
0x16: {  	s3 =	sld [smem:$0x3FDB];
	s0 =	simm.s32 @p2 $0x1  }
0x17: {  	s4 =	simm.s32 $0x1BF5;
	[smem:$0x3FB1] =	sst s0  }
0x18: {  	s0 =	sld [smem:$0x3F94];
	_ =	swait.ge [sflag:s4], $0x0  }
0x19: {  	s7 =	sld [smem:$0x3F95]  }
0x1a: {  	s8 =	sadd.s32 $0xFFFFE003, lr  }
0x1b: {  	s9 =	sadd.s32 $0xFFFFFEF7, lr;
	s5 =	simm.s32 $0xFFFFFFFF;
	p2 =	slt.u32 s8, $0xFFFFF086  }
0x1c: {  	p1 =	slt.u32 s9, $0xF7A;
	s5 =	simm.s32 @!p2 $0x0  }
0x1d: {  	s5 =	simm.s32 @p1 $0x1;
	p0 =	seq.s32 s7, s2  }
0x1e: {  	s7 =	smul.u32 @!p0 $0xF7A, s2;
	p2 =	seq.s32 @!p0 s5, $0x0  }
0x1f: {  	s9 =	smul.u32 $0xF7A, s1;
	s8 =	simm.s32 @!p0 $0x1BF5;
	p2 =	por !p2, p0  }
0x20: {  	[sflag:s8] =	ssyncset.s32 @!p0 $0xFFFFF086;
	s6 =	sadd.s32 @!p0 s3, s7;
	s7 =	simm.s32 @!p0 $0x108  }
0x21: {  	s3 =	sadd.s32 s3, s9;
	s6 =	sadd.s32 @!p0 $0x88, s6;
	s7 =	simm.s32 @p2 $0x1082  }
0x22: {  	[simem:s7], [sflag:s8] =	dma.local @!p0 [hbm:s6], $0xF7A  }
0x23: {  	s9 =	sor.u32 $0xD0000000, s2;
	s6 =	simm.s32 $0x108;
	_ =	swait.ge @!p0 [sflag:s8], $0x0  }
0x24: {  	s3 =	sadd.s32 $0x88, s3;
	s6 =	simm.s32 @!p1 $0x1082;
	[sflag:s4] =	ssyncset.s32 $0xFFFFF086  }
0x25: {  	[simem:s6], [sflag:s4] =	dma.local [hbm:s3], $0xF7A  }
0x26: {  	[smem:$0x3F95] =	sst s1;
	(tag) =	ssettag s2;
	_ =	strace s9  }
0x27: {  	s1 =	sld [smem:$0x3FA5]  }
0x28: {  	s2 =	sld [smem:$0x3FA6]  }
0x29: {  	s4 =	sld [smem:$0x3FA8]  }
0x2a: {  	p0 =	seq.s32 s5, $0x0;
	s5 =	sld [smem:$0x3FA9]  }
0x2b: {  	s6 =	sld [smem:$0x3FAA]  }
0x2c: {  	s7 =	sld [smem:$0x3FAB]  }
0x2d: {  	s3 =	simm.s32 $0x108;
	s8 =	sld [smem:$0x3FAC]  }
0x2e: {  	s3 =	simm.s32 @!p0 $0x1082;
	s9 =	sld [smem:$0x3FAD]  }
0x2f: {  	lr =	sadd.s32 s0, s3;
	s0 =	sld [smem:$0x3FA4]  }
0x30: {  	s3 =	sld [smem:$0x3FA7]  }
0x31: {  	[smem:$0x3FB0] =	sst s10  }
0x32: {  	s10 =	sld [smem:$0x3FAE];
	_ =	sdelay $0x3  }
0x33: {  	p0 =	seq.s32 s10, $0x1;
	s10 =	sld [smem:$0x3FB0];
	_ =	sdelay $0x3  }
0x34: {  	[smem:$0x3FB0] =	sst s10  }
0x35: {  	s10 =	sld [smem:$0x3FAF];
	_ =	sdelay $0x3  }
0x36: {  	p1 =	seq.s32 s10, $0x1;
	s10 =	sld [smem:$0x3FB0];
	_ =	sdelay $0x3  }
0x37: {  	[smem:$0x3FB0] =	sst s10  }
0x38: {  	s10 =	sld [smem:$0x3FB1]  }
0x39: {  	_ = 	snop;
	(pc) =	sbr.ind lr, $3  }
0x3a: {  	_ = 	snop  }
0x3b: {  	_ = 	snop  }
0x3c: {  	p2 =	seq.s32 s10, $0x1;
	s10 =	sld [smem:$0x3FB0]  }
0x3d: {  	_ =	shalt  }
0x3e: {  	_ =	shalt  }
0x3f: {  	_ =	shalt  }
0x40: {  	_ =	shalt  }
0x41: {  	_ =	shalt  }
0x42: {  	_ =	shalt  }
0x43: {  	_ =	shalt  }
0x44: {  	_ =	shalt  }
0x45: {  	_ =	shalt  }
0x46: {  	_ =	shalt  }
0x47: {  	_ =	shalt  }
0x48: {  	_ =	shalt  }
0x49: {  	_ =	shalt  }
0x4a: {  	_ =	shalt  }
0x4b: {  	_ =	shalt  }
0x4c: {  	_ =	shalt  }
0x4d: {  	_ =	shalt  }
0x4e: {  	_ =	shalt  }
0x4f: {  	_ =	shalt  }
0x50: {  	_ =	shalt  }
0x51: {  	_ =	shalt  }
0x52: {  	_ =	shalt  }
0x53: {  	_ =	shalt  }
0x54: {  	_ =	shalt  }
0x55: {  	_ =	shalt  }
0x56: {  	_ =	shalt  }
0x57: {  	_ =	shalt  }
0x58: {  	_ =	shalt  }
0x59: {  	_ =	shalt  }
0x5a: {  	_ =	shalt  }
0x5b: {  	_ =	shalt  }
0x5c: {  	_ =	shalt  }
0x5d: {  	_ =	shalt  }
0x5e: {  	_ =	shalt  }
0x5f: {  	_ =	shalt  }
0x60: {  	_ =	shalt  }
0x61: {  	_ =	shalt  }
0x62: {  	_ =	shalt  }
0x63: {  	_ =	shalt  }
0x64: {  	_ =	shalt  }
0x65: {  	_ =	shalt  }
0x66: {  	_ =	shalt  }
0x67: {  	_ =	shalt  }
0x68: {  	_ =	shalt  }
0x69: {  	_ =	shalt  }
0x6a: {  	_ =	shalt  }
0x6b: {  	_ =	shalt  }
0x6c: {  	_ =	shalt  }
0x6d: {  	_ =	shalt  }
0x6e: {  	_ =	shalt  }
0x6f: {  	_ =	shalt  }
0x70: {  	_ =	shalt  }
0x71: {  	_ =	shalt  }
0x72: {  	_ =	shalt  }
0x73: {  	_ =	shalt  }
0x74: {  	_ =	shalt  }
0x75: {  	_ =	shalt  }
0x76: {  	_ =	shalt  }
0x77: {  	_ =	shalt  }
0x78: {  	_ =	shalt  }
0x79: {  	_ =	shalt  }
0x7a: {  	_ =	shalt  }
0x7b: {  	_ =	shalt  }
0x7c: {  	_ =	shalt  }
0x7d: {  	_ =	shalt  }
0x7e: {  	_ =	shalt  }
0x7f: {  	_ =	shalt  }
0x80: {  	_ =	shalt  }
0x81: {  	_ =	shalt  }
0x82: {  	_ =	shalt  }
0x83: {  	_ =	shalt  }
0x84: {  	_ =	shalt  }
0x85: {  	_ =	shalt  }
0x86: {  	_ =	shalt  }
0x87: {  	_ =	shalt  }
.Lfunc_end0:
.L_simem_size_0:
called_computation.1_lowered:
.L_overlay_start_0:
0x88: {  	s2 =	sld [smem:$0x3FD9]  }
0x89: {  	s3 =	sld [smem:$0x3FFE];
	_ =	sdelay $0x1  }
0x8a: {  	s1 =	srdreg.scid  }
0x8b: {  	s0 =	sand.u32 $0x1, s1  }
0x8c: {  	s17 =	sshll.u32 s0, $0xA;
	s2 =	sadd.s32 s3, s2  }
0x8d: {  	s2 =	sadd.s32 s2, s17  }
0x8e: {  	[smem:$0x3FBC] =	sst s2  }
0x8f: {  	_ = 	snop  }
0x90: {  	s2 =	sld [smem:$0x3FD0];
	(tm) =	ssettm $0x1  }
0x91: {  	s18 =	sld [smem:$0x3FFB];
	_ =	sdelay $0x3  }
0x92: {  	_ =	strace s18  }
0x93: {  	s3 =	sld [smem:$0x3FFC];
	_ =	sdelay $0x3  }
0x94: {  	_ =	strace s3  }
0x95: {  	s3 =	sld [smem:$0x3FFD];
	_ =	sdelay $0x3  }
0x96: {  	_ =	strace s3  }
0x97: {  	_ =	strace $0x8FFFFFFF  }
0x98: {  	s19 =	sld [smem:$0x3FDB];
	_ =	sdelay $0x1  }
0x99: {  	s4 =	simm.s32 $_scs_section_size  }
0x9a: {  	s5 =	simm.s32 $_size__tile_overlayer_lowered;
	s6 =	simm.s32 $_tile_overlayer_lowered  }
0x9b: {  	s22 =	simm.s32 $0x1BFF;
	s21 =	sshll.u32 s6, $0x1;
	s3 =	sadd.s32 s4, s19  }
0x9c: {  	s7 =	simm.s32 $0x0;
	s20 =	sshll.u32 s5, $0x1;
	s5 =	sadd.s32 s21, s3  }
0x9d: {  	[timem:s7], [sflag:s22] =	dma.local [hbm:s5], s20  }
0x9e: {  	_ =	swait.ge [sflag:s22], s20  }
0x9f: {  	s4 =	ssub.s32 $0x0, s20;
	[sflag:s22] =	ssyncset.done $0x0  }
0xa0: {  	[sflag:s22] =	ssyncadd.s32 s4;
	_ =	sdelay $0x1  }
0xa1: {  	s23 =	simm.s32 $0x1B8B  }
0xa2: {  	_ =	swait.ge [sflag:s23], $0x1  }
0xa3: {  	[sflag:s23] =	ssyncset.done $0x0  }
0xa4: {  	s25 =	simm.s32 $0x1B8E;
	s24 =	sld [smem:$0x3FFE];
	[sflag:s23] =	ssyncadd.s32 $0xFFFFFFFF  }
0xa5: {  	s26 =	simm.s32 $execute0_lowered;
	[smem:$0x3FD2] =	sst s25  }
0xa6: {  	s5 =	sshll.u32 s26, $0x1;
	_ =	strace $0x80000049;
	[dreg:$0x1] =	wrdreg $0xFFFFFFFF  }
0xa7: {  	s28 =	simm.s32 $_size_execute0_lowered;
	s3 =	sadd.s32 s3, s5;
	[dreg:$0x0] =	wrdreg $0x0  }
0xa8: {  	s5 =	sshll.u32 s28, $0x1;
	[dreg:$0x2] =	wrdreg s3  }
0xa9: {  	[dreg:$0x3] =	wrdreg s5  }
0xaa: {  	[dreg:$0x4] =	wrdreg $0xC0  }
0xab: {  	_ =	task [dreg:s7], $0x5FFFF  }
0xac: {  	[dreg:$0x1] =	wrdreg $0xFFFFFFFF  }
0xad: {  	[dreg:$0x0] =	wrdreg $0x60  }
0xae: {  	[dreg:$0x2] =	wrdreg s24  }
0xaf: {  	[dreg:$0x3] =	wrdreg s2  }
0xb0: {  	[dreg:$0x4] =	wrdreg $0x0  }
0xb1: {  	[dreg:$0x5] =	wrdreg $0x9  }
0xb2: {  	_ =	task.clear_ibuf [dreg:s7], $0x6FFFF;
	_ =	strace $0x90000049  }
0xb3: {  	s29 =	simm.s32 $0x9;
	_ =	strace $0x8000004B  }
0xb4: {  	_ =	swait.ge [sflag:s29], $0x1  }
0xb5: {  	[sflag:s29] =	ssyncadd.s32 $0xFFFFFFFF  }
0xb6: {  	_ =	strace $0x9000004B  }
0xb7: {  	_ =	sfence  }
0xb8: {  	s30 =	sld [smem:$0x0];
	_ =	sdelay $0x2  }
0xb9: {  	s31 =	sshll.u32 s1, $0xD;
	s1 =	sshrl.u32 s1, $0x2  }
0xba: {  	s3 =	sand.u32 $0x4000, s31;
	s1 =	sadd.s32 s1, s30  }
0xbb: {  	s0 =	sor.u32 s3, s0;
	s1 =	sshll.u32 s1, $0x11  }
0xbc: {  	s0 =	sor.u32 s1, s0  }
0xbd: {  	s0 =	sadd.s32 $0x8F2B, s0  }
0xbe: {  	[sflag:s0] =	ssyncadd.remote.s32 $0x1  }
0xbf: {  	_ =	sfence.sel $0xFFFF  }
0xc0: {  	[dreg:$0x0] =	wrdreg $0xFFFFFFFF;
	(pc) =	sbr.abs _section_cstart, $3  }
0xc1: {  	[dreg:$0x1] =	wrdreg $0xFFFFFFFF  }
0xc2: {  	_ =	task.clear_ibuf [dreg:s7], $0x2FFFF;
	_ =	strace $0x9FFFFFFF  }
0xc3: {  	(tm) =	ssettm $0x7FFFFFFF  }
tec
execute0_lowered:
.L_overlay_start_1:
0x0: {  	(tag) =	ssettag $0x1  }
0x1: {  	s5 =	rddreg [dreg:$0x0]  }
0x2: {  	s10 =	rddreg [dreg:$0x1]  }
0x3: {  	s2 =	rddreg [dreg:$0x2]  }
0x4: {  	s0 =	rddreg [dreg:$0x3];
	s1 =	stileid.u32  }
0x5: {  	s4 =	srdreg.scid;
	s3 =	simm.s32 $0x0;
	s16 =	simm.s32 $0x15400  }
0x6: {  	s17 =	simm.s32 $0x80;
	s18 =	simm.s32 $0x16800;
	s19 =	simm.s32 $0x1  }
0x7: {  	s20 =	simm.s32 $0x1A800;
	s21 =	simm.s32 $0x2;
	s22 =	simm.s32 $0x15380  }
0x8: {  	s6 =	smul.u32 $0x14000, s1;
	s7 =	sand.u32 $0x1, s4;
	[smem:$0x7FF] =	sst s3  }
0x9: {  	s4 =	sadd.s32 $0x36600, s5;
	s11 =	sadd.s32 $0x2C600, s5;
	s12 =	smul.u32 $0x50000, s1  }
0xa: {  	s30 =	sshll.u32 s1, $0x6;
	s8 =	smul.u32 $0x140000, s7;
	_ =	strace $0x8000004A  }
0xb: {  	s23 =	sshll.u32 s7, $0x4;
	s24 =	ssub.s32 $0x2, s7;
	s9 =	sshrl.u32 s6, $0x3  }
0xc: {  	s25 =	sor.u32 s1, s23;
	s7 =	sshrl.u32 s24, $0x1;
	s26 =	sshrl.u32 s12, $0x2  }
0xd: {  	s23 =	simm.s32 $0x16700;
	s9 =	sadd.s32 s9, s5;
	s6 =	sadd.s32 s6, s8  }
0xe: {  	s28 =	smul.u32 $0x2800, s25;
	s14 =	ssub.s32 s24, s7;
	s15 =	sadd.s32 s26, s2  }
0xf: {  	s29 =	smul.u32 $0x500, s25;
	s24 =	simm.s32 $0x16780;
	s6 =	sshrl.u32 s6, $0x3  }
0x10: {  	s25 =	simm.s32 $0x0;
	s13 =	sadd.s32 s6, s5;
	s31 =	sshrl.u32 s28, $0x3  }
0x11: {  	s5 =	sadd.s32 $0x3E00, s9;
	s6 =	sor.u32 $0x1C03, s30;
	s12 =	sadd.s32 $0x280, s31  }
0x12: {  	s7 =	sadd.s32 s11, s29;
	s8 =	sadd.s32 s10, s29;
	s9 =	sadd.s32 s11, s12  }
0x13: {  	s10 =	sadd.s32 s10, s12;
	s11 =	sadd.s32 $0x5E600, s13;
	s12 =	smax.u32 s14, $0x1  }
0x14: {  	s13 =	sshrl.u32 s15, $0x3;
	s14 =	simm.s32 $0x3;
	s15 =	simm.s32 $0x14000  }
.LBB2_1:
0x15: {  	[spmem:s13], [sflag:s6] =	dma.local [hbm:s5], $0x2800  }
0x16: {  	_ =	swait.ge [sflag:s14], $0x2800  }
0x17: {  	[sflag:s14] =	ssyncset.done $0x0  }
0x18: {  	[sflag:s14] =	ssyncadd.s32 $0xFFFFD800  }
0x19: {  	[bflag:$0x0] =	sbarrier.arrive $0xFFFF  }
0x1a: {  	[tilespmem:s15], [sflag:$0x3] =	stream.linear.gather [hbm4b:s7+s3], $0x1400, $0x38;
	[tilespmem:$0x1E800] =	vst v63  }
0x1b: {  	_ =	swait.ge [sflag:s14], $0x1400  }
0x1c: {  	[sflag:s14] =	ssyncset.done $0x0  }
0x1d: {  	[sflag:s14] =	ssyncadd.s32 $0xFFFFEC00  }
0x1e: {  	[tilespmem:s16], [sflag:$0x3] =	stream.linear.gather [hbm4b:s8+s3], $0x1400, $0x38;
	[tilespmem:$0x1E800] =	vst v63  }
0x1f: {  	_ =	swait.ge [sflag:s14], $0x1400  }
0x20: {  	[sflag:s14] =	ssyncset.done $0x0  }
0x21: {  	[sflag:s14] =	ssyncadd.s32 $0xFFFFEC00  }
0x22: {  	[tilespmem:s18], [sflag:$0x1] =	stream.indirect.gather [hbm4b:s4+s17], $0x80, s15, s17, $0xb8;
	[tilespmem:$0x1E800] =	vst v63  }
0x23: {  	_ =	swait.ge [sflag:s19], $0x4000  }
0x24: {  	[sflag:s19] =	ssyncset.done $0x0  }
0x25: {  	s26 =	simm.s32 $0x14080;
	[sflag:s19] =	ssyncadd.s32 $0xFFFFC000  }
0x26: {  	[tilespmem:s20], [sflag:$0x2] =	stream.indirect.gather [hbm4b:s4+s17], $0x80, s26, s17, $0xb8;
	[tilespmem:$0x1E800] =	vst v63  }
0x27: {  	s29 =	simm.s32 $0x15400  }
0x28: {  	[spmem:s2] =	stream.indirect.scatter.add.f32 [tilespmem:s18], [sflag:$0x3], $0x80, s29, s17, $0xb8;
	[tilespmem:$0x1E800] =	vst v63  }
0x29: {  	_ =	swait.ge [sflag:s14], $0x4000  }
0x2a: {  	[sflag:s14] =	ssyncset.done $0x0  }
0x2b: {  	[sflag:s14] =	ssyncadd.s32 $0xFFFFC000  }
0x2c: {  	_ =	swait.ge [sflag:s21], $0x4000  }
0x2d: {  	[sflag:s21] =	ssyncset.done $0x0  }
0x2e: {  	s30 =	simm.s32 $0x14100;
	[sflag:s21] =	ssyncadd.s32 $0xFFFFC000  }
0x2f: {  	[tilespmem:s18], [sflag:$0x1] =	stream.indirect.gather [hbm4b:s4+s17], $0x80, s30, s17, $0xb8;
	[tilespmem:$0x1E800] =	vst v63  }
0x30: {  	s31 =	simm.s32 $0x15480  }
0x31: {  	[spmem:s2] =	stream.indirect.scatter.add.f32 [tilespmem:s20], [sflag:$0x3], $0x80, s31, s17, $0xb8;
	[tilespmem:$0x1E800] =	vst v63  }
0x32: {  	_ =	swait.ge [sflag:s14], $0x4000  }
0x33: {  	s26 =	simm.s32 $0x400;
	[sflag:s14] =	ssyncset.done $0x0  }
.LBB2_2:
0x34: {  	p0 =	sne.s32 s26, $0x4800  }
0x35: {  	[sflag:s14] =	ssyncadd.s32 $0xFFFFC000;
	s28 =	smov.u32 s26;
	s26 =	sadd.s32 $0x400, s26  }
0x36: {  	_ = 	snop  }
0x37: {  	_ =	swait.ge [sflag:s19], $0x4000  }
0x38: {  	s28 =	sshra.s32 s28, $0x2;
	[sflag:s19] =	ssyncset.done $0x0  }
0x39: {  	s29 =	sadd.s32 $0x14080, s28;
	[sflag:s19] =	ssyncadd.s32 $0xFFFFC000  }
0x3a: {  	[tilespmem:s20], [sflag:$0x2] =	stream.indirect.gather [hbm4b:s4+s17], $0x80, s29, s17, $0xb8;
	[tilespmem:$0x1E800] =	vst v63  }
0x3b: {  	s29 =	sadd.s32 $0x15400, s28  }
0x3c: {  	[spmem:s2] =	stream.indirect.scatter.add.f32 [tilespmem:s18], [sflag:$0x3], $0x80, s29, s17, $0xb8;
	[tilespmem:$0x1E800] =	vst v63  }
0x3d: {  	_ =	swait.ge [sflag:s14], $0x4000  }
0x3e: {  	[sflag:s14] =	ssyncset.done $0x0  }
0x3f: {  	[sflag:s14] =	ssyncadd.s32 $0xFFFFC000  }
0x40: {  	_ =	swait.ge [sflag:s21], $0x4000  }
0x41: {  	[sflag:s21] =	ssyncset.done $0x0  }
0x42: {  	s29 =	sadd.s32 $0x14100, s28;
	[sflag:s21] =	ssyncadd.s32 $0xFFFFC000  }
0x43: {  	[tilespmem:s18], [sflag:$0x1] =	stream.indirect.gather [hbm4b:s4+s17], $0x80, s29, s17, $0xb8;
	[tilespmem:$0x1E800] =	vst v63  }
.Ltmp0:
0x44: {  	_ = 	snop;
	(pc) =	sbr.rel @p0 .LBB2_2-.Ltmp0, $4  }
0x45: {  	s28 =	sadd.s32 $0x15480, s28  }
0x46: {  	[spmem:s2] =	stream.indirect.scatter.add.f32 [tilespmem:s20], [sflag:$0x3], $0x80, s28, s17, $0xb8;
	[tilespmem:$0x1E800] =	vst v63  }
0x47: {  	_ =	swait.ge [sflag:s14], $0x4000  }
0x48: {  	[sflag:s14] =	ssyncset.done $0x0  }
0x49: {  	[sflag:s14] =	ssyncadd.s32 $0xFFFFC000  }
0x4a: {  	_ =	swait.ge [sflag:s19], $0x4000  }
0x4b: {  	[sflag:s19] =	ssyncset.done $0x0  }
0x4c: {  	[sflag:s19] =	ssyncadd.s32 $0xFFFFC000  }
0x4d: {  	[tilespmem:s20], [sflag:$0x2] =	stream.indirect.gather [hbm4b:s4+s17], $0x80, s22, s17, $0xb8;
	[tilespmem:$0x1E800] =	vst v63  }
0x4e: {  	_ = 	snop  }
0x4f: {  	[spmem:s2] =	stream.indirect.scatter.add.f32 [tilespmem:s18], [sflag:$0x3], $0x80, s23, s17, $0xb8;
	[tilespmem:$0x1E800] =	vst v63  }
0x50: {  	_ =	swait.ge [sflag:s14], $0x4000  }
0x51: {  	[sflag:s14] =	ssyncset.done $0x0  }
0x52: {  	[sflag:s14] =	ssyncadd.s32 $0xFFFFC000  }
0x53: {  	_ =	swait.ge [sflag:s21], $0x4000  }
0x54: {  	[sflag:s21] =	ssyncset.done $0x0  }
0x55: {  	[sflag:s21] =	ssyncadd.s32 $0xFFFFC000  }
0x56: {  	[spmem:s2] =	stream.indirect.scatter.add.f32 [tilespmem:s20], [sflag:$0x3], $0x80, s24, s17, $0xb8;
	[tilespmem:$0x1E800] =	vst v63  }
0x57: {  	_ =	swait.ge [sflag:s14], $0x4000  }
0x58: {  	[sflag:s14] =	ssyncset.done $0x0  }
0x59: {  	s26 =	simm.s32 $0x0;
	[sflag:s14] =	ssyncadd.s32 $0xFFFFC000  }
0x5a: {  	[tilespmem:s15], [sflag:$0x3] =	stream.linear.gather [hbm4b:s9+s26], $0x1400, $0x38;
	[tilespmem:$0x1E800] =	vst v63  }
0x5b: {  	_ =	swait.ge [sflag:s14], $0x1400  }
0x5c: {  	[sflag:s14] =	ssyncset.done $0x0  }
0x5d: {  	[sflag:s14] =	ssyncadd.s32 $0xFFFFEC00  }
0x5e: {  	[tilespmem:s16], [sflag:$0x3] =	stream.linear.gather [hbm4b:s10+s26], $0x1400, $0x38;
	[tilespmem:$0x1E800] =	vst v63  }
0x5f: {  	_ =	swait.ge [sflag:s14], $0x1400  }
0x60: {  	[sflag:s14] =	ssyncset.done $0x0  }
0x61: {  	[sflag:s14] =	ssyncadd.s32 $0xFFFFEC00  }
0x62: {  	[tilespmem:s18], [sflag:$0x1] =	stream.indirect.gather [hbm4b:s4+s17], $0x80, s15, s17, $0xb8;
	[tilespmem:$0x1E800] =	vst v63  }
0x63: {  	_ =	swait.ge [sflag:s19], $0x4000  }
0x64: {  	[sflag:s19] =	ssyncset.done $0x0  }
0x65: {  	s28 =	simm.s32 $0x14080;
	[sflag:s19] =	ssyncadd.s32 $0xFFFFC000  }
0x66: {  	[tilespmem:s20], [sflag:$0x2] =	stream.indirect.gather [hbm4b:s4+s17], $0x80, s28, s17, $0xb8;
	[tilespmem:$0x1E800] =	vst v63  }
0x67: {  	s29 =	simm.s32 $0x15400  }
0x68: {  	[spmem:s2] =	stream.indirect.scatter.add.f32 [tilespmem:s18], [sflag:$0x3], $0x80, s29, s17, $0xb8;
	[tilespmem:$0x1E800] =	vst v63  }
0x69: {  	_ =	swait.ge [sflag:s14], $0x4000  }
0x6a: {  	[sflag:s14] =	ssyncset.done $0x0  }
0x6b: {  	[sflag:s14] =	ssyncadd.s32 $0xFFFFC000  }
0x6c: {  	_ =	swait.ge [sflag:s21], $0x4000  }
0x6d: {  	[sflag:s21] =	ssyncset.done $0x0  }
0x6e: {  	s30 =	simm.s32 $0x14100;
	[sflag:s21] =	ssyncadd.s32 $0xFFFFC000  }
0x6f: {  	[tilespmem:s18], [sflag:$0x1] =	stream.indirect.gather [hbm4b:s4+s17], $0x80, s30, s17, $0xb8;
	[tilespmem:$0x1E800] =	vst v63  }
0x70: {  	s31 =	simm.s32 $0x15480  }
0x71: {  	[spmem:s2] =	stream.indirect.scatter.add.f32 [tilespmem:s20], [sflag:$0x3], $0x80, s31, s17, $0xb8;
	[tilespmem:$0x1E800] =	vst v63  }
0x72: {  	_ =	swait.ge [sflag:s14], $0x4000  }
0x73: {  	s26 =	simm.s32 $0x400;
	[sflag:s14] =	ssyncset.done $0x0  }
.LBB2_4:
0x74: {  	p0 =	sne.s32 s26, $0x4800  }
0x75: {  	[sflag:s14] =	ssyncadd.s32 $0xFFFFC000;
	s28 =	smov.u32 s26;
	s26 =	sadd.s32 $0x400, s26  }
0x76: {  	_ = 	snop  }
0x77: {  	_ =	swait.ge [sflag:s19], $0x4000  }
0x78: {  	s28 =	sshra.s32 s28, $0x2;
	[sflag:s19] =	ssyncset.done $0x0  }
0x79: {  	s29 =	sadd.s32 $0x14080, s28;
	[sflag:s19] =	ssyncadd.s32 $0xFFFFC000  }
0x7a: {  	[tilespmem:s20], [sflag:$0x2] =	stream.indirect.gather [hbm4b:s4+s17], $0x80, s29, s17, $0xb8;
	[tilespmem:$0x1E800] =	vst v63  }
0x7b: {  	s29 =	sadd.s32 $0x15400, s28  }
0x7c: {  	[spmem:s2] =	stream.indirect.scatter.add.f32 [tilespmem:s18], [sflag:$0x3], $0x80, s29, s17, $0xb8;
	[tilespmem:$0x1E800] =	vst v63  }
0x7d: {  	_ =	swait.ge [sflag:s14], $0x4000  }
0x7e: {  	[sflag:s14] =	ssyncset.done $0x0  }
0x7f: {  	[sflag:s14] =	ssyncadd.s32 $0xFFFFC000  }
0x80: {  	_ =	swait.ge [sflag:s21], $0x4000  }
0x81: {  	[sflag:s21] =	ssyncset.done $0x0  }
0x82: {  	s29 =	sadd.s32 $0x14100, s28;
	[sflag:s21] =	ssyncadd.s32 $0xFFFFC000  }
0x83: {  	[tilespmem:s18], [sflag:$0x1] =	stream.indirect.gather [hbm4b:s4+s17], $0x80, s29, s17, $0xb8;
	[tilespmem:$0x1E800] =	vst v63  }
.Ltmp1:
0x84: {  	_ = 	snop;
	(pc) =	sbr.rel @p0 .LBB2_4-.Ltmp1, $4  }
0x85: {  	s28 =	sadd.s32 $0x15480, s28  }
0x86: {  	[spmem:s2] =	stream.indirect.scatter.add.f32 [tilespmem:s20], [sflag:$0x3], $0x80, s28, s17, $0xb8;
	[tilespmem:$0x1E800] =	vst v63  }
0x87: {  	_ =	swait.ge [sflag:s14], $0x4000  }
0x88: {  	[sflag:s14] =	ssyncset.done $0x0  }
0x89: {  	[sflag:s14] =	ssyncadd.s32 $0xFFFFC000  }
0x8a: {  	_ =	swait.ge [sflag:s19], $0x4000  }
0x8b: {  	[sflag:s19] =	ssyncset.done $0x0  }
0x8c: {  	[sflag:s19] =	ssyncadd.s32 $0xFFFFC000  }
0x8d: {  	[tilespmem:s20], [sflag:$0x2] =	stream.indirect.gather [hbm4b:s4+s17], $0x80, s22, s17, $0xb8;
	[tilespmem:$0x1E800] =	vst v63  }
0x8e: {  	_ = 	snop  }
0x8f: {  	[spmem:s2] =	stream.indirect.scatter.add.f32 [tilespmem:s18], [sflag:$0x3], $0x80, s23, s17, $0xb8;
	[tilespmem:$0x1E800] =	vst v63  }
0x90: {  	_ =	swait.ge [sflag:s14], $0x4000  }
0x91: {  	[sflag:s14] =	ssyncset.done $0x0  }
0x92: {  	[sflag:s14] =	ssyncadd.s32 $0xFFFFC000  }
0x93: {  	_ =	swait.ge [sflag:s21], $0x4000  }
0x94: {  	[sflag:s21] =	ssyncset.done $0x0  }
0x95: {  	[sflag:s21] =	ssyncadd.s32 $0xFFFFC000  }
0x96: {  	[spmem:s2] =	stream.indirect.scatter.add.f32 [tilespmem:s20], [sflag:$0x3], $0x80, s24, s17, $0xb8;
	[tilespmem:$0x1E800] =	vst v63  }
0x97: {  	_ =	swait.ge [sflag:s14], $0x4000  }
0x98: {  	s25 =	sadd.s32 $0x1, s25;
	[sflag:s14] =	ssyncset.done $0x0  }
0x99: {  	p0 =	sne.s32 s25, s12;
	[sflag:s14] =	ssyncadd.s32 $0xFFFFC000  }
.Ltmp2:
0x9a: {  	[bflag:$0x0] =	sbarrier.arrive $0xFFFF;
	(pc) =	sbr.rel @p0 .LBB2_1-.Ltmp2, $4  }
0x9b: {  	[hbm:s11], [sflag:s6] =	dma.local [spmem:s13], $0x2800  }
0x9c: {  	_ =	swait.ge [sflag:s14], $0x2800  }
0x9d: {  	[sflag:s14] =	ssyncset.done $0x0  }
0x9e: {  	[sflag:s14] =	ssyncadd.s32 $0xFFFFD800  }
0x9f: {  	_ =	sfence.sel $0x180000  }
0xa0: {  	[bflag:$0x0] =	sbarrier.arrive $0xFFFF  }
0xa1: {  	p0 =	sne.s32 s1, $0x0;
	_ =	strace $0x9000004A  }
0xa2: {  	s0 =	sadd.s32 @!p0 $0x100000, s0;
	[bflag:$0x2] =	sbarrier.arrive $0xFFFF  }
0xa3: {  	[sflag:s0] =	ssyncadd.tile.s32 @!p0 $0x1;
	_ =	shalt  }
.Lfunc_end2:
_tile_overlayer_lowered:
.L_overlay_start_2:
0xa4: {  	(tag) =	ssettag $0x2  }
0xa5: {  	s0 =	rddreg [dreg:$0x0];
	s2 =	stileid.u32  }
0xa6: {  	s1 =	rddreg [dreg:$0x1];
	p0 =	sne.s32 s2, $0x0  }
0xa7: {  	s3 =	rddreg [dreg:$0x2];
	[bflag:$0x3] =	sbarrier.arrive $0xFFFF;
	s2 =	simm.s32 @!p0 $0x1C03  }
0xa8: {  	[timem:s3], [sflag:s2] =	dma.local @!p0 [hbm:s0], s1  }
0xa9: {  	s0 =	simm.s32 @!p0 $0x3  }
0xaa: {  	_ =	swait.ge @!p0 [sflag:s0], s1  }
0xab: {  	s1 =	ssub.s32 @!p0 $0x0, s1;
	[sflag:s0] =	ssyncset.done @!p0 $0x0  }
0xac: {  	[sflag:s0] =	ssyncadd.s32 @!p0 s1  }
0xad: {  	[bflag:$0x3] =	sbarrier.arrive $0xFFFF  }
0xae: {  	_ =	shalt  }

// kernel: kernel.17.cloned.1.call-start
scs
__scs_entry_jumppad:
0x0: {  	(pc) =	sbr.rel $0x88, $3  }
0x1: {  	(tag) =	ssettag $0x0;
	lr =	simm.s32 $0x1  }
0x2: {  	[smem:$0x3F95] =	sst lr;
	_ =	strace $0xD0000000  }
0x3: {  	_ = 	snop  }
0x4: {  	_ = 	snop  }
0x5: {  	_ = 	snop  }
0x6: {  	_ = 	snop  }
0x7: {  	_ = 	snop  }
__scs_overlays_trampoline_lowered:
0x8: {  	[smem:$0x3FA4] =	sst s0  }
0x9: {  	[smem:$0x3FA5] =	sst s1  }
0xa: {  	[smem:$0x3FA6] =	sst s2  }
0xb: {  	[smem:$0x3FA7] =	sst s3  }
0xc: {  	[smem:$0x3FA8] =	sst s4  }
0xd: {  	[smem:$0x3FA9] =	sst s5  }
0xe: {  	[smem:$0x3FAA] =	sst s6  }
0xf: {  	[smem:$0x3FAB] =	sst s7  }
0x10: {  	[smem:$0x3FAC] =	sst s8  }
0x11: {  	[smem:$0x3FAD] =	sst s9;
	s0 =	simm.s32 @!p0 $0x0  }
0x12: {  	s1 =	sld [smem:$0x3F93];
	s0 =	simm.s32 @p0 $0x1  }
0x13: {  	[smem:$0x3FAE] =	sst s0;
	s0 =	simm.s32 @!p1 $0x0  }
0x14: {  	s2 =	sld [smem:$0x3F92];
	s0 =	simm.s32 @p1 $0x1  }
0x15: {  	[smem:$0x3FAF] =	sst s0;
	s0 =	simm.s32 @!p2 $0x0  }
0x16: {  	s3 =	sld [smem:$0x3FDB];
	s0 =	simm.s32 @p2 $0x1  }
0x17: {  	s4 =	simm.s32 $0x1BF5;
	[smem:$0x3FB1] =	sst s0  }
0x18: {  	s0 =	sld [smem:$0x3F94];
	_ =	swait.ge [sflag:s4], $0x0  }
0x19: {  	s7 =	sld [smem:$0x3F95]  }
0x1a: {  	s8 =	sadd.s32 $0xFFFFE003, lr  }
0x1b: {  	s9 =	sadd.s32 $0xFFFFFEF7, lr;
	s5 =	simm.s32 $0xFFFFFFFF;
	p2 =	slt.u32 s8, $0xFFFFF086  }
0x1c: {  	p1 =	slt.u32 s9, $0xF7A;
	s5 =	simm.s32 @!p2 $0x0  }
0x1d: {  	s5 =	simm.s32 @p1 $0x1;
	p0 =	seq.s32 s7, s2  }
0x1e: {  	s7 =	smul.u32 @!p0 $0xF7A, s2;
	p2 =	seq.s32 @!p0 s5, $0x0  }
0x1f: {  	s9 =	smul.u32 $0xF7A, s1;
	s8 =	simm.s32 @!p0 $0x1BF5;
	p2 =	por !p2, p0  }
0x20: {  	[sflag:s8] =	ssyncset.s32 @!p0 $0xFFFFF086;
	s6 =	sadd.s32 @!p0 s3, s7;
	s7 =	simm.s32 @!p0 $0x108  }
0x21: {  	s3 =	sadd.s32 s3, s9;
	s6 =	sadd.s32 @!p0 $0x88, s6;
	s7 =	simm.s32 @p2 $0x1082  }
0x22: {  	[simem:s7], [sflag:s8] =	dma.local @!p0 [hbm:s6], $0xF7A  }
0x23: {  	s9 =	sor.u32 $0xD0000000, s2;
	s6 =	simm.s32 $0x108;
	_ =	swait.ge @!p0 [sflag:s8], $0x0  }
0x24: {  	s3 =	sadd.s32 $0x88, s3;
	s6 =	simm.s32 @!p1 $0x1082;
	[sflag:s4] =	ssyncset.s32 $0xFFFFF086  }
0x25: {  	[simem:s6], [sflag:s4] =	dma.local [hbm:s3], $0xF7A  }
0x26: {  	[smem:$0x3F95] =	sst s1;
	(tag) =	ssettag s2;
	_ =	strace s9  }
0x27: {  	s1 =	sld [smem:$0x3FA5]  }
0x28: {  	s2 =	sld [smem:$0x3FA6]  }
0x29: {  	s4 =	sld [smem:$0x3FA8]  }
0x2a: {  	p0 =	seq.s32 s5, $0x0;
	s5 =	sld [smem:$0x3FA9]  }
0x2b: {  	s6 =	sld [smem:$0x3FAA]  }
0x2c: {  	s7 =	sld [smem:$0x3FAB]  }
0x2d: {  	s3 =	simm.s32 $0x108;
	s8 =	sld [smem:$0x3FAC]  }
0x2e: {  	s3 =	simm.s32 @!p0 $0x1082;
	s9 =	sld [smem:$0x3FAD]  }
0x2f: {  	lr =	sadd.s32 s0, s3;
	s0 =	sld [smem:$0x3FA4]  }
0x30: {  	s3 =	sld [smem:$0x3FA7]  }
0x31: {  	[smem:$0x3FB0] =	sst s10  }
0x32: {  	s10 =	sld [smem:$0x3FAE];
	_ =	sdelay $0x3  }
0x33: {  	p0 =	seq.s32 s10, $0x1;
	s10 =	sld [smem:$0x3FB0];
	_ =	sdelay $0x3  }
0x34: {  	[smem:$0x3FB0] =	sst s10  }
0x35: {  	s10 =	sld [smem:$0x3FAF];
	_ =	sdelay $0x3  }
0x36: {  	p1 =	seq.s32 s10, $0x1;
	s10 =	sld [smem:$0x3FB0];
	_ =	sdelay $0x3  }
0x37: {  	[smem:$0x3FB0] =	sst s10  }
0x38: {  	s10 =	sld [smem:$0x3FB1]  }
0x39: {  	_ = 	snop;
	(pc) =	sbr.ind lr, $3  }
0x3a: {  	_ = 	snop  }
0x3b: {  	_ = 	snop  }
0x3c: {  	p2 =	seq.s32 s10, $0x1;
	s10 =	sld [smem:$0x3FB0]  }
0x3d: {  	_ =	shalt  }
0x3e: {  	_ =	shalt  }
0x3f: {  	_ =	shalt  }
0x40: {  	_ =	shalt  }
0x41: {  	_ =	shalt  }
0x42: {  	_ =	shalt  }
0x43: {  	_ =	shalt  }
0x44: {  	_ =	shalt  }
0x45: {  	_ =	shalt  }
0x46: {  	_ =	shalt  }
0x47: {  	_ =	shalt  }
0x48: {  	_ =	shalt  }
0x49: {  	_ =	shalt  }
0x4a: {  	_ =	shalt  }
0x4b: {  	_ =	shalt  }
0x4c: {  	_ =	shalt  }
0x4d: {  	_ =	shalt  }
0x4e: {  	_ =	shalt  }
0x4f: {  	_ =	shalt  }
0x50: {  	_ =	shalt  }
0x51: {  	_ =	shalt  }
0x52: {  	_ =	shalt  }
0x53: {  	_ =	shalt  }
0x54: {  	_ =	shalt  }
0x55: {  	_ =	shalt  }
0x56: {  	_ =	shalt  }
0x57: {  	_ =	shalt  }
0x58: {  	_ =	shalt  }
0x59: {  	_ =	shalt  }
0x5a: {  	_ =	shalt  }
0x5b: {  	_ =	shalt  }
0x5c: {  	_ =	shalt  }
0x5d: {  	_ =	shalt  }
0x5e: {  	_ =	shalt  }
0x5f: {  	_ =	shalt  }
0x60: {  	_ =	shalt  }
0x61: {  	_ =	shalt  }
0x62: {  	_ =	shalt  }
0x63: {  	_ =	shalt  }
0x64: {  	_ =	shalt  }
0x65: {  	_ =	shalt  }
0x66: {  	_ =	shalt  }
0x67: {  	_ =	shalt  }
0x68: {  	_ =	shalt  }
0x69: {  	_ =	shalt  }
0x6a: {  	_ =	shalt  }
0x6b: {  	_ =	shalt  }
0x6c: {  	_ =	shalt  }
0x6d: {  	_ =	shalt  }
0x6e: {  	_ =	shalt  }
0x6f: {  	_ =	shalt  }
0x70: {  	_ =	shalt  }
0x71: {  	_ =	shalt  }
0x72: {  	_ =	shalt  }
0x73: {  	_ =	shalt  }
0x74: {  	_ =	shalt  }
0x75: {  	_ =	shalt  }
0x76: {  	_ =	shalt  }
0x77: {  	_ =	shalt  }
0x78: {  	_ =	shalt  }
0x79: {  	_ =	shalt  }
0x7a: {  	_ =	shalt  }
0x7b: {  	_ =	shalt  }
0x7c: {  	_ =	shalt  }
0x7d: {  	_ =	shalt  }
0x7e: {  	_ =	shalt  }
0x7f: {  	_ =	shalt  }
0x80: {  	_ =	shalt  }
0x81: {  	_ =	shalt  }
0x82: {  	_ =	shalt  }
0x83: {  	_ =	shalt  }
0x84: {  	_ =	shalt  }
0x85: {  	_ =	shalt  }
0x86: {  	_ =	shalt  }
0x87: {  	_ =	shalt  }
.Lfunc_end0:
.L_simem_size_0:
called_computation.2_lowered:
.L_overlay_start_0:
0x88: {  	s2 =	sld [smem:$0x3FD9]  }
0x89: {  	s3 =	sld [smem:$0x3FFE];
	_ =	sdelay $0x1  }
0x8a: {  	s1 =	srdreg.scid  }
0x8b: {  	s0 =	sand.u32 $0x1, s1  }
0x8c: {  	s17 =	sshll.u32 s0, $0xA;
	s2 =	sadd.s32 s3, s2  }
0x8d: {  	s2 =	sadd.s32 s2, s17  }
0x8e: {  	[smem:$0x3FBC] =	sst s2  }
0x8f: {  	_ = 	snop  }
0x90: {  	s2 =	sld [smem:$0x3FD0];
	(tm) =	ssettm $0x1  }
0x91: {  	s18 =	sld [smem:$0x3FFB];
	_ =	sdelay $0x3  }
0x92: {  	_ =	strace s18  }
0x93: {  	s3 =	sld [smem:$0x3FFC];
	_ =	sdelay $0x3  }
0x94: {  	_ =	strace s3  }
0x95: {  	s3 =	sld [smem:$0x3FFD];
	_ =	sdelay $0x3  }
0x96: {  	_ =	strace s3  }
0x97: {  	_ =	strace $0x8FFFFFFF  }
0x98: {  	s19 =	sld [smem:$0x3FDB];
	_ =	sdelay $0x1  }
0x99: {  	s4 =	simm.s32 $_scs_section_size  }
0x9a: {  	s5 =	simm.s32 $_size__tile_overlayer_lowered;
	s6 =	simm.s32 $_tile_overlayer_lowered  }
0x9b: {  	s22 =	simm.s32 $0x1BFF;
	s21 =	sshll.u32 s6, $0x1;
	s3 =	sadd.s32 s4, s19  }
0x9c: {  	s7 =	simm.s32 $0x0;
	s20 =	sshll.u32 s5, $0x1;
	s5 =	sadd.s32 s21, s3  }
0x9d: {  	[timem:s7], [sflag:s22] =	dma.local [hbm:s5], s20  }
0x9e: {  	_ =	swait.ge [sflag:s22], s20  }
0x9f: {  	s4 =	ssub.s32 $0x0, s20;
	[sflag:s22] =	ssyncset.done $0x0  }
0xa0: {  	[sflag:s22] =	ssyncadd.s32 s4;
	_ =	sdelay $0x1  }
0xa1: {  	s23 =	simm.s32 $0x1B8B  }
0xa2: {  	_ =	swait.ge [sflag:s23], $0x1  }
0xa3: {  	[sflag:s23] =	ssyncset.done $0x0  }
0xa4: {  	s25 =	simm.s32 $0x1B8E;
	s24 =	sld [smem:$0x3FFE];
	[sflag:s23] =	ssyncadd.s32 $0xFFFFFFFF  }
0xa5: {  	s26 =	simm.s32 $execute0_lowered;
	[smem:$0x3FD2] =	sst s25  }
0xa6: {  	s5 =	sshll.u32 s26, $0x1;
	_ =	strace $0x8000004C;
	[dreg:$0x1] =	wrdreg $0xFFFFFFFF  }
0xa7: {  	s28 =	simm.s32 $_size_execute0_lowered;
	s3 =	sadd.s32 s3, s5;
	[dreg:$0x0] =	wrdreg $0x0  }
0xa8: {  	s5 =	sshll.u32 s28, $0x1;
	[dreg:$0x2] =	wrdreg s3  }
0xa9: {  	[dreg:$0x3] =	wrdreg s5  }
0xaa: {  	[dreg:$0x4] =	wrdreg $0xC0  }
0xab: {  	_ =	task [dreg:s7], $0x5FFFF  }
0xac: {  	[dreg:$0x1] =	wrdreg $0xFFFFFFFF  }
0xad: {  	[dreg:$0x0] =	wrdreg $0x60  }
0xae: {  	[dreg:$0x2] =	wrdreg s24  }
0xaf: {  	[dreg:$0x3] =	wrdreg s2  }
0xb0: {  	[dreg:$0x4] =	wrdreg $0x0  }
0xb1: {  	[dreg:$0x5] =	wrdreg $0x9  }
0xb2: {  	_ =	task.clear_ibuf [dreg:s7], $0x6FFFF;
	_ =	strace $0x9000004C  }
0xb3: {  	s29 =	simm.s32 $0x9;
	_ =	strace $0x8000004E  }
0xb4: {  	_ =	swait.ge [sflag:s29], $0x1  }
0xb5: {  	[sflag:s29] =	ssyncadd.s32 $0xFFFFFFFF  }
0xb6: {  	_ =	strace $0x9000004E  }
0xb7: {  	_ =	sfence  }
0xb8: {  	s30 =	sld [smem:$0x0];
	_ =	sdelay $0x2  }
0xb9: {  	s31 =	sshll.u32 s1, $0xD;
	s1 =	sshrl.u32 s1, $0x2  }
0xba: {  	s3 =	sand.u32 $0x4000, s31;
	s1 =	sadd.s32 s1, s30  }
0xbb: {  	s0 =	sor.u32 s3, s0;
	s1 =	sshll.u32 s1, $0x11  }
0xbc: {  	s0 =	sor.u32 s1, s0  }
0xbd: {  	s0 =	sadd.s32 $0x8F2B, s0  }
0xbe: {  	[sflag:s0] =	ssyncadd.remote.s32 $0x1  }
0xbf: {  	_ =	sfence.sel $0xFFFF  }
0xc0: {  	[dreg:$0x0] =	wrdreg $0xFFFFFFFF;
	(pc) =	sbr.abs _section_cstart, $3  }
0xc1: {  	[dreg:$0x1] =	wrdreg $0xFFFFFFFF  }
0xc2: {  	_ =	task.clear_ibuf [dreg:s7], $0x2FFFF;
	_ =	strace $0x9FFFFFFF  }
0xc3: {  	(tm) =	ssettm $0x7FFFFFFF  }
tec
execute0_lowered:
.L_overlay_start_1:
0x0: {  	(tag) =	ssettag $0x1  }
0x1: {  	s5 =	rddreg [dreg:$0x0]  }
0x2: {  	s10 =	rddreg [dreg:$0x1]  }
0x3: {  	s2 =	rddreg [dreg:$0x2]  }
0x4: {  	s0 =	rddreg [dreg:$0x3];
	s1 =	stileid.u32  }
0x5: {  	s4 =	srdreg.scid;
	s3 =	simm.s32 $0x0;
	s16 =	simm.s32 $0x15400  }
0x6: {  	s17 =	simm.s32 $0x80;
	s18 =	simm.s32 $0x16800;
	s19 =	simm.s32 $0x1  }
0x7: {  	s20 =	simm.s32 $0x1A800;
	s21 =	simm.s32 $0x2;
	s22 =	simm.s32 $0x15380  }
0x8: {  	s6 =	smul.u32 $0x14000, s1;
	s7 =	sand.u32 $0x1, s4;
	[smem:$0x7FF] =	sst s3  }
0x9: {  	s4 =	sadd.s32 $0x36600, s5;
	s11 =	sadd.s32 $0x2C600, s5;
	s12 =	smul.u32 $0x50000, s1  }
0xa: {  	s30 =	sshll.u32 s1, $0x6;
	s8 =	smul.u32 $0x140000, s7;
	_ =	strace $0x8000004D  }
0xb: {  	s23 =	sshll.u32 s7, $0x4;
	s24 =	ssub.s32 $0x2, s7;
	s9 =	sshrl.u32 s6, $0x3  }
0xc: {  	s25 =	sor.u32 s1, s23;
	s7 =	sshrl.u32 s24, $0x1;
	s26 =	sshrl.u32 s12, $0x2  }
0xd: {  	s23 =	simm.s32 $0x16700;
	s9 =	sadd.s32 s9, s5;
	s6 =	sadd.s32 s6, s8  }
0xe: {  	s28 =	smul.u32 $0x2800, s25;
	s14 =	ssub.s32 s24, s7;
	s15 =	sadd.s32 s26, s2  }
0xf: {  	s29 =	smul.u32 $0x500, s25;
	s24 =	simm.s32 $0x16780;
	s6 =	sshrl.u32 s6, $0x3  }
0x10: {  	s25 =	simm.s32 $0x0;
	s13 =	sadd.s32 s6, s5;
	s31 =	sshrl.u32 s28, $0x3  }
0x11: {  	s5 =	sadd.s32 $0x3E00, s9;
	s6 =	sor.u32 $0x1C03, s30;
	s12 =	sadd.s32 $0x280, s31  }
0x12: {  	s7 =	sadd.s32 s11, s29;
	s8 =	sadd.s32 s10, s29;
	s9 =	sadd.s32 s11, s12  }
0x13: {  	s10 =	sadd.s32 s10, s12;
	s11 =	sadd.s32 $0x5E600, s13;
	s12 =	smax.u32 s14, $0x1  }
0x14: {  	s13 =	sshrl.u32 s15, $0x3;
	s14 =	simm.s32 $0x3;
	s15 =	simm.s32 $0x14000  }
.LBB2_1:
0x15: {  	[spmem:s13], [sflag:s6] =	dma.local [hbm:s5], $0x2800  }
0x16: {  	_ =	swait.ge [sflag:s14], $0x2800  }
0x17: {  	[sflag:s14] =	ssyncset.done $0x0  }
0x18: {  	[sflag:s14] =	ssyncadd.s32 $0xFFFFD800  }
0x19: {  	[bflag:$0x0] =	sbarrier.arrive $0xFFFF  }
0x1a: {  	[tilespmem:s15], [sflag:$0x3] =	stream.linear.gather [hbm4b:s7+s3], $0x1400, $0x38;
	[tilespmem:$0x1E800] =	vst v63  }
0x1b: {  	_ =	swait.ge [sflag:s14], $0x1400  }
0x1c: {  	[sflag:s14] =	ssyncset.done $0x0  }
0x1d: {  	[sflag:s14] =	ssyncadd.s32 $0xFFFFEC00  }
0x1e: {  	[tilespmem:s16], [sflag:$0x3] =	stream.linear.gather [hbm4b:s8+s3], $0x1400, $0x38;
	[tilespmem:$0x1E800] =	vst v63  }
0x1f: {  	_ =	swait.ge [sflag:s14], $0x1400  }
0x20: {  	[sflag:s14] =	ssyncset.done $0x0  }
0x21: {  	[sflag:s14] =	ssyncadd.s32 $0xFFFFEC00  }
0x22: {  	[tilespmem:s18], [sflag:$0x1] =	stream.indirect.gather [hbm4b:s4+s17], $0x80, s15, s17, $0xb8;
	[tilespmem:$0x1E800] =	vst v63  }
0x23: {  	_ =	swait.ge [sflag:s19], $0x4000  }
0x24: {  	[sflag:s19] =	ssyncset.done $0x0  }
0x25: {  	s26 =	simm.s32 $0x14080;
	[sflag:s19] =	ssyncadd.s32 $0xFFFFC000  }
0x26: {  	[tilespmem:s20], [sflag:$0x2] =	stream.indirect.gather [hbm4b:s4+s17], $0x80, s26, s17, $0xb8;
	[tilespmem:$0x1E800] =	vst v63  }
0x27: {  	s29 =	simm.s32 $0x15400  }
0x28: {  	[spmem:s2] =	stream.indirect.scatter.add.f32 [tilespmem:s18], [sflag:$0x3], $0x80, s29, s17, $0xb8;
	[tilespmem:$0x1E800] =	vst v63  }
0x29: {  	_ =	swait.ge [sflag:s14], $0x4000  }
0x2a: {  	[sflag:s14] =	ssyncset.done $0x0  }
0x2b: {  	[sflag:s14] =	ssyncadd.s32 $0xFFFFC000  }
0x2c: {  	_ =	swait.ge [sflag:s21], $0x4000  }
0x2d: {  	[sflag:s21] =	ssyncset.done $0x0  }
0x2e: {  	s30 =	simm.s32 $0x14100;
	[sflag:s21] =	ssyncadd.s32 $0xFFFFC000  }
0x2f: {  	[tilespmem:s18], [sflag:$0x1] =	stream.indirect.gather [hbm4b:s4+s17], $0x80, s30, s17, $0xb8;
	[tilespmem:$0x1E800] =	vst v63  }
0x30: {  	s31 =	simm.s32 $0x15480  }
0x31: {  	[spmem:s2] =	stream.indirect.scatter.add.f32 [tilespmem:s20], [sflag:$0x3], $0x80, s31, s17, $0xb8;
	[tilespmem:$0x1E800] =	vst v63  }
0x32: {  	_ =	swait.ge [sflag:s14], $0x4000  }
0x33: {  	s26 =	simm.s32 $0x400;
	[sflag:s14] =	ssyncset.done $0x0  }
.LBB2_2:
0x34: {  	p0 =	sne.s32 s26, $0x4800  }
0x35: {  	[sflag:s14] =	ssyncadd.s32 $0xFFFFC000;
	s28 =	smov.u32 s26;
	s26 =	sadd.s32 $0x400, s26  }
0x36: {  	_ = 	snop  }
0x37: {  	_ =	swait.ge [sflag:s19], $0x4000  }
0x38: {  	s28 =	sshra.s32 s28, $0x2;
	[sflag:s19] =	ssyncset.done $0x0  }
0x39: {  	s29 =	sadd.s32 $0x14080, s28;
	[sflag:s19] =	ssyncadd.s32 $0xFFFFC000  }
0x3a: {  	[tilespmem:s20], [sflag:$0x2] =	stream.indirect.gather [hbm4b:s4+s17], $0x80, s29, s17, $0xb8;
	[tilespmem:$0x1E800] =	vst v63  }
0x3b: {  	s29 =	sadd.s32 $0x15400, s28  }
0x3c: {  	[spmem:s2] =	stream.indirect.scatter.add.f32 [tilespmem:s18], [sflag:$0x3], $0x80, s29, s17, $0xb8;
	[tilespmem:$0x1E800] =	vst v63  }
0x3d: {  	_ =	swait.ge [sflag:s14], $0x4000  }
0x3e: {  	[sflag:s14] =	ssyncset.done $0x0  }
0x3f: {  	[sflag:s14] =	ssyncadd.s32 $0xFFFFC000  }
0x40: {  	_ =	swait.ge [sflag:s21], $0x4000  }
0x41: {  	[sflag:s21] =	ssyncset.done $0x0  }
0x42: {  	s29 =	sadd.s32 $0x14100, s28;
	[sflag:s21] =	ssyncadd.s32 $0xFFFFC000  }
0x43: {  	[tilespmem:s18], [sflag:$0x1] =	stream.indirect.gather [hbm4b:s4+s17], $0x80, s29, s17, $0xb8;
	[tilespmem:$0x1E800] =	vst v63  }
.Ltmp0:
0x44: {  	_ = 	snop;
	(pc) =	sbr.rel @p0 .LBB2_2-.Ltmp0, $4  }
0x45: {  	s28 =	sadd.s32 $0x15480, s28  }
0x46: {  	[spmem:s2] =	stream.indirect.scatter.add.f32 [tilespmem:s20], [sflag:$0x3], $0x80, s28, s17, $0xb8;
	[tilespmem:$0x1E800] =	vst v63  }
0x47: {  	_ =	swait.ge [sflag:s14], $0x4000  }
0x48: {  	[sflag:s14] =	ssyncset.done $0x0  }
0x49: {  	[sflag:s14] =	ssyncadd.s32 $0xFFFFC000  }
0x4a: {  	_ =	swait.ge [sflag:s19], $0x4000  }
0x4b: {  	[sflag:s19] =	ssyncset.done $0x0  }
0x4c: {  	[sflag:s19] =	ssyncadd.s32 $0xFFFFC000  }
0x4d: {  	[tilespmem:s20], [sflag:$0x2] =	stream.indirect.gather [hbm4b:s4+s17], $0x80, s22, s17, $0xb8;
	[tilespmem:$0x1E800] =	vst v63  }
0x4e: {  	_ = 	snop  }
0x4f: {  	[spmem:s2] =	stream.indirect.scatter.add.f32 [tilespmem:s18], [sflag:$0x3], $0x80, s23, s17, $0xb8;
	[tilespmem:$0x1E800] =	vst v63  }
0x50: {  	_ =	swait.ge [sflag:s14], $0x4000  }
0x51: {  	[sflag:s14] =	ssyncset.done $0x0  }
0x52: {  	[sflag:s14] =	ssyncadd.s32 $0xFFFFC000  }
0x53: {  	_ =	swait.ge [sflag:s21], $0x4000  }
0x54: {  	[sflag:s21] =	ssyncset.done $0x0  }
0x55: {  	[sflag:s21] =	ssyncadd.s32 $0xFFFFC000  }
0x56: {  	[spmem:s2] =	stream.indirect.scatter.add.f32 [tilespmem:s20], [sflag:$0x3], $0x80, s24, s17, $0xb8;
	[tilespmem:$0x1E800] =	vst v63  }
0x57: {  	_ =	swait.ge [sflag:s14], $0x4000  }
0x58: {  	[sflag:s14] =	ssyncset.done $0x0  }
0x59: {  	s26 =	simm.s32 $0x0;
	[sflag:s14] =	ssyncadd.s32 $0xFFFFC000  }
0x5a: {  	[tilespmem:s15], [sflag:$0x3] =	stream.linear.gather [hbm4b:s9+s26], $0x1400, $0x38;
	[tilespmem:$0x1E800] =	vst v63  }
0x5b: {  	_ =	swait.ge [sflag:s14], $0x1400  }
0x5c: {  	[sflag:s14] =	ssyncset.done $0x0  }
0x5d: {  	[sflag:s14] =	ssyncadd.s32 $0xFFFFEC00  }
0x5e: {  	[tilespmem:s16], [sflag:$0x3] =	stream.linear.gather [hbm4b:s10+s26], $0x1400, $0x38;
	[tilespmem:$0x1E800] =	vst v63  }
0x5f: {  	_ =	swait.ge [sflag:s14], $0x1400  }
0x60: {  	[sflag:s14] =	ssyncset.done $0x0  }
0x61: {  	[sflag:s14] =	ssyncadd.s32 $0xFFFFEC00  }
0x62: {  	[tilespmem:s18], [sflag:$0x1] =	stream.indirect.gather [hbm4b:s4+s17], $0x80, s15, s17, $0xb8;
	[tilespmem:$0x1E800] =	vst v63  }
0x63: {  	_ =	swait.ge [sflag:s19], $0x4000  }
0x64: {  	[sflag:s19] =	ssyncset.done $0x0  }
0x65: {  	s28 =	simm.s32 $0x14080;
	[sflag:s19] =	ssyncadd.s32 $0xFFFFC000  }
0x66: {  	[tilespmem:s20], [sflag:$0x2] =	stream.indirect.gather [hbm4b:s4+s17], $0x80, s28, s17, $0xb8;
	[tilespmem:$0x1E800] =	vst v63  }
0x67: {  	s29 =	simm.s32 $0x15400  }
0x68: {  	[spmem:s2] =	stream.indirect.scatter.add.f32 [tilespmem:s18], [sflag:$0x3], $0x80, s29, s17, $0xb8;
	[tilespmem:$0x1E800] =	vst v63  }
0x69: {  	_ =	swait.ge [sflag:s14], $0x4000  }
0x6a: {  	[sflag:s14] =	ssyncset.done $0x0  }
0x6b: {  	[sflag:s14] =	ssyncadd.s32 $0xFFFFC000  }
0x6c: {  	_ =	swait.ge [sflag:s21], $0x4000  }
0x6d: {  	[sflag:s21] =	ssyncset.done $0x0  }
0x6e: {  	s30 =	simm.s32 $0x14100;
	[sflag:s21] =	ssyncadd.s32 $0xFFFFC000  }
0x6f: {  	[tilespmem:s18], [sflag:$0x1] =	stream.indirect.gather [hbm4b:s4+s17], $0x80, s30, s17, $0xb8;
	[tilespmem:$0x1E800] =	vst v63  }
0x70: {  	s31 =	simm.s32 $0x15480  }
0x71: {  	[spmem:s2] =	stream.indirect.scatter.add.f32 [tilespmem:s20], [sflag:$0x3], $0x80, s31, s17, $0xb8;
	[tilespmem:$0x1E800] =	vst v63  }
0x72: {  	_ =	swait.ge [sflag:s14], $0x4000  }
0x73: {  	s26 =	simm.s32 $0x400;
	[sflag:s14] =	ssyncset.done $0x0  }
.LBB2_4:
0x74: {  	p0 =	sne.s32 s26, $0x4800  }
0x75: {  	[sflag:s14] =	ssyncadd.s32 $0xFFFFC000;
	s28 =	smov.u32 s26;
	s26 =	sadd.s32 $0x400, s26  }
0x76: {  	_ = 	snop  }
0x77: {  	_ =	swait.ge [sflag:s19], $0x4000  }
0x78: {  	s28 =	sshra.s32 s28, $0x2;
	[sflag:s19] =	ssyncset.done $0x0  }
0x79: {  	s29 =	sadd.s32 $0x14080, s28;
	[sflag:s19] =	ssyncadd.s32 $0xFFFFC000  }
0x7a: {  	[tilespmem:s20], [sflag:$0x2] =	stream.indirect.gather [hbm4b:s4+s17], $0x80, s29, s17, $0xb8;
	[tilespmem:$0x1E800] =	vst v63  }
0x7b: {  	s29 =	sadd.s32 $0x15400, s28  }
0x7c: {  	[spmem:s2] =	stream.indirect.scatter.add.f32 [tilespmem:s18], [sflag:$0x3], $0x80, s29, s17, $0xb8;
	[tilespmem:$0x1E800] =	vst v63  }
0x7d: {  	_ =	swait.ge [sflag:s14], $0x4000  }
0x7e: {  	[sflag:s14] =	ssyncset.done $0x0  }
0x7f: {  	[sflag:s14] =	ssyncadd.s32 $0xFFFFC000  }
0x80: {  	_ =	swait.ge [sflag:s21], $0x4000  }
0x81: {  	[sflag:s21] =	ssyncset.done $0x0  }
0x82: {  	s29 =	sadd.s32 $0x14100, s28;
	[sflag:s21] =	ssyncadd.s32 $0xFFFFC000  }
0x83: {  	[tilespmem:s18], [sflag:$0x1] =	stream.indirect.gather [hbm4b:s4+s17], $0x80, s29, s17, $0xb8;
	[tilespmem:$0x1E800] =	vst v63  }
.Ltmp1:
0x84: {  	_ = 	snop;
	(pc) =	sbr.rel @p0 .LBB2_4-.Ltmp1, $4  }
0x85: {  	s28 =	sadd.s32 $0x15480, s28  }
0x86: {  	[spmem:s2] =	stream.indirect.scatter.add.f32 [tilespmem:s20], [sflag:$0x3], $0x80, s28, s17, $0xb8;
	[tilespmem:$0x1E800] =	vst v63  }
0x87: {  	_ =	swait.ge [sflag:s14], $0x4000  }
0x88: {  	[sflag:s14] =	ssyncset.done $0x0  }
0x89: {  	[sflag:s14] =	ssyncadd.s32 $0xFFFFC000  }
0x8a: {  	_ =	swait.ge [sflag:s19], $0x4000  }
0x8b: {  	[sflag:s19] =	ssyncset.done $0x0  }
0x8c: {  	[sflag:s19] =	ssyncadd.s32 $0xFFFFC000  }
0x8d: {  	[tilespmem:s20], [sflag:$0x2] =	stream.indirect.gather [hbm4b:s4+s17], $0x80, s22, s17, $0xb8;
	[tilespmem:$0x1E800] =	vst v63  }
0x8e: {  	_ = 	snop  }
0x8f: {  	[spmem:s2] =	stream.indirect.scatter.add.f32 [tilespmem:s18], [sflag:$0x3], $0x80, s23, s17, $0xb8;
	[tilespmem:$0x1E800] =	vst v63  }
0x90: {  	_ =	swait.ge [sflag:s14], $0x4000  }
0x91: {  	[sflag:s14] =	ssyncset.done $0x0  }
0x92: {  	[sflag:s14] =	ssyncadd.s32 $0xFFFFC000  }
0x93: {  	_ =	swait.ge [sflag:s21], $0x4000  }
0x94: {  	[sflag:s21] =	ssyncset.done $0x0  }
0x95: {  	[sflag:s21] =	ssyncadd.s32 $0xFFFFC000  }
0x96: {  	[spmem:s2] =	stream.indirect.scatter.add.f32 [tilespmem:s20], [sflag:$0x3], $0x80, s24, s17, $0xb8;
	[tilespmem:$0x1E800] =	vst v63  }
0x97: {  	_ =	swait.ge [sflag:s14], $0x4000  }
0x98: {  	s25 =	sadd.s32 $0x1, s25;
	[sflag:s14] =	ssyncset.done $0x0  }
0x99: {  	p0 =	sne.s32 s25, s12;
	[sflag:s14] =	ssyncadd.s32 $0xFFFFC000  }
.Ltmp2:
0x9a: {  	[bflag:$0x0] =	sbarrier.arrive $0xFFFF;
	(pc) =	sbr.rel @p0 .LBB2_1-.Ltmp2, $4  }
0x9b: {  	[hbm:s11], [sflag:s6] =	dma.local [spmem:s13], $0x2800  }
0x9c: {  	_ =	swait.ge [sflag:s14], $0x2800  }
0x9d: {  	[sflag:s14] =	ssyncset.done $0x0  }
0x9e: {  	[sflag:s14] =	ssyncadd.s32 $0xFFFFD800  }
0x9f: {  	_ =	sfence.sel $0x180000  }
0xa0: {  	[bflag:$0x0] =	sbarrier.arrive $0xFFFF  }
0xa1: {  	p0 =	sne.s32 s1, $0x0;
	_ =	strace $0x9000004D  }
0xa2: {  	s0 =	sadd.s32 @!p0 $0x100000, s0;
	[bflag:$0x2] =	sbarrier.arrive $0xFFFF  }
0xa3: {  	[sflag:s0] =	ssyncadd.tile.s32 @!p0 $0x1;
	_ =	shalt  }
.Lfunc_end2:
_tile_overlayer_lowered:
.L_overlay_start_2:
0xa4: {  	(tag) =	ssettag $0x2  }
0xa5: {  	s0 =	rddreg [dreg:$0x0];
	s2 =	stileid.u32  }
0xa6: {  	s1 =	rddreg [dreg:$0x1];
	p0 =	sne.s32 s2, $0x0  }
0xa7: {  	s3 =	rddreg [dreg:$0x2];
	[bflag:$0x3] =	sbarrier.arrive $0xFFFF;
	s2 =	simm.s32 @!p0 $0x1C03  }
0xa8: {  	[timem:s3], [sflag:s2] =	dma.local @!p0 [hbm:s0], s1  }
0xa9: {  	s0 =	simm.s32 @!p0 $0x3  }
0xaa: {  	_ =	swait.ge @!p0 [sflag:s0], s1  }
0xab: {  	s1 =	ssub.s32 @!p0 $0x0, s1;
	[sflag:s0] =	ssyncset.done @!p0 $0x0  }
0xac: {  	[sflag:s0] =	ssyncadd.s32 @!p0 s1  }
0xad: {  	[bflag:$0x3] =	sbarrier.arrive $0xFFFF  }
0xae: {  	_ =	shalt  }

// kernel: kernel.20.cloned.1.call-start
scs
__scs_entry_jumppad:
0x0: {  	(pc) =	sbr.rel $0x88, $3  }
0x1: {  	(tag) =	ssettag $0x0;
	lr =	simm.s32 $0x1  }
0x2: {  	[smem:$0x3F95] =	sst lr;
	_ =	strace $0xD0000000  }
0x3: {  	_ = 	snop  }
0x4: {  	_ = 	snop  }
0x5: {  	_ = 	snop  }
0x6: {  	_ = 	snop  }
0x7: {  	_ = 	snop  }
__scs_overlays_trampoline_lowered:
0x8: {  	[smem:$0x3FA4] =	sst s0  }
0x9: {  	[smem:$0x3FA5] =	sst s1  }
0xa: {  	[smem:$0x3FA6] =	sst s2  }
0xb: {  	[smem:$0x3FA7] =	sst s3  }
0xc: {  	[smem:$0x3FA8] =	sst s4  }
0xd: {  	[smem:$0x3FA9] =	sst s5  }
0xe: {  	[smem:$0x3FAA] =	sst s6  }
0xf: {  	[smem:$0x3FAB] =	sst s7  }
0x10: {  	[smem:$0x3FAC] =	sst s8  }
0x11: {  	[smem:$0x3FAD] =	sst s9;
	s0 =	simm.s32 @!p0 $0x0  }
0x12: {  	s1 =	sld [smem:$0x3F93];
	s0 =	simm.s32 @p0 $0x1  }
0x13: {  	[smem:$0x3FAE] =	sst s0;
	s0 =	simm.s32 @!p1 $0x0  }
0x14: {  	s2 =	sld [smem:$0x3F92];
	s0 =	simm.s32 @p1 $0x1  }
0x15: {  	[smem:$0x3FAF] =	sst s0;
	s0 =	simm.s32 @!p2 $0x0  }
0x16: {  	s3 =	sld [smem:$0x3FDB];
	s0 =	simm.s32 @p2 $0x1  }
0x17: {  	s4 =	simm.s32 $0x1BF5;
	[smem:$0x3FB1] =	sst s0  }
0x18: {  	s0 =	sld [smem:$0x3F94];
	_ =	swait.ge [sflag:s4], $0x0  }
0x19: {  	s7 =	sld [smem:$0x3F95]  }
0x1a: {  	s8 =	sadd.s32 $0xFFFFE003, lr  }
0x1b: {  	s9 =	sadd.s32 $0xFFFFFEF7, lr;
	s5 =	simm.s32 $0xFFFFFFFF;
	p2 =	slt.u32 s8, $0xFFFFF086  }
0x1c: {  	p1 =	slt.u32 s9, $0xF7A;
	s5 =	simm.s32 @!p2 $0x0  }
0x1d: {  	s5 =	simm.s32 @p1 $0x1;
	p0 =	seq.s32 s7, s2  }
0x1e: {  	s7 =	smul.u32 @!p0 $0xF7A, s2;
	p2 =	seq.s32 @!p0 s5, $0x0  }
0x1f: {  	s9 =	smul.u32 $0xF7A, s1;
	s8 =	simm.s32 @!p0 $0x1BF5;
	p2 =	por !p2, p0  }
0x20: {  	[sflag:s8] =	ssyncset.s32 @!p0 $0xFFFFF086;
	s6 =	sadd.s32 @!p0 s3, s7;
	s7 =	simm.s32 @!p0 $0x108  }
0x21: {  	s3 =	sadd.s32 s3, s9;
	s6 =	sadd.s32 @!p0 $0x88, s6;
	s7 =	simm.s32 @p2 $0x1082  }
0x22: {  	[simem:s7], [sflag:s8] =	dma.local @!p0 [hbm:s6], $0xF7A  }
0x23: {  	s9 =	sor.u32 $0xD0000000, s2;
	s6 =	simm.s32 $0x108;
	_ =	swait.ge @!p0 [sflag:s8], $0x0  }
0x24: {  	s3 =	sadd.s32 $0x88, s3;
	s6 =	simm.s32 @!p1 $0x1082;
	[sflag:s4] =	ssyncset.s32 $0xFFFFF086  }
0x25: {  	[simem:s6], [sflag:s4] =	dma.local [hbm:s3], $0xF7A  }
0x26: {  	[smem:$0x3F95] =	sst s1;
	(tag) =	ssettag s2;
	_ =	strace s9  }
0x27: {  	s1 =	sld [smem:$0x3FA5]  }
0x28: {  	s2 =	sld [smem:$0x3FA6]  }
0x29: {  	s4 =	sld [smem:$0x3FA8]  }
0x2a: {  	p0 =	seq.s32 s5, $0x0;
	s5 =	sld [smem:$0x3FA9]  }
0x2b: {  	s6 =	sld [smem:$0x3FAA]  }
0x2c: {  	s7 =	sld [smem:$0x3FAB]  }
0x2d: {  	s3 =	simm.s32 $0x108;
	s8 =	sld [smem:$0x3FAC]  }
0x2e: {  	s3 =	simm.s32 @!p0 $0x1082;
	s9 =	sld [smem:$0x3FAD]  }
0x2f: {  	lr =	sadd.s32 s0, s3;
	s0 =	sld [smem:$0x3FA4]  }
0x30: {  	s3 =	sld [smem:$0x3FA7]  }
0x31: {  	[smem:$0x3FB0] =	sst s10  }
0x32: {  	s10 =	sld [smem:$0x3FAE];
	_ =	sdelay $0x3  }
0x33: {  	p0 =	seq.s32 s10, $0x1;
	s10 =	sld [smem:$0x3FB0];
	_ =	sdelay $0x3  }
0x34: {  	[smem:$0x3FB0] =	sst s10  }
0x35: {  	s10 =	sld [smem:$0x3FAF];
	_ =	sdelay $0x3  }
0x36: {  	p1 =	seq.s32 s10, $0x1;
	s10 =	sld [smem:$0x3FB0];
	_ =	sdelay $0x3  }
0x37: {  	[smem:$0x3FB0] =	sst s10  }
0x38: {  	s10 =	sld [smem:$0x3FB1]  }
0x39: {  	_ = 	snop;
	(pc) =	sbr.ind lr, $3  }
0x3a: {  	_ = 	snop  }
0x3b: {  	_ = 	snop  }
0x3c: {  	p2 =	seq.s32 s10, $0x1;
	s10 =	sld [smem:$0x3FB0]  }
0x3d: {  	_ =	shalt  }
0x3e: {  	_ =	shalt  }
0x3f: {  	_ =	shalt  }
0x40: {  	_ =	shalt  }
0x41: {  	_ =	shalt  }
0x42: {  	_ =	shalt  }
0x43: {  	_ =	shalt  }
0x44: {  	_ =	shalt  }
0x45: {  	_ =	shalt  }
0x46: {  	_ =	shalt  }
0x47: {  	_ =	shalt  }
0x48: {  	_ =	shalt  }
0x49: {  	_ =	shalt  }
0x4a: {  	_ =	shalt  }
0x4b: {  	_ =	shalt  }
0x4c: {  	_ =	shalt  }
0x4d: {  	_ =	shalt  }
0x4e: {  	_ =	shalt  }
0x4f: {  	_ =	shalt  }
0x50: {  	_ =	shalt  }
0x51: {  	_ =	shalt  }
0x52: {  	_ =	shalt  }
0x53: {  	_ =	shalt  }
0x54: {  	_ =	shalt  }
0x55: {  	_ =	shalt  }
0x56: {  	_ =	shalt  }
0x57: {  	_ =	shalt  }
0x58: {  	_ =	shalt  }
0x59: {  	_ =	shalt  }
0x5a: {  	_ =	shalt  }
0x5b: {  	_ =	shalt  }
0x5c: {  	_ =	shalt  }
0x5d: {  	_ =	shalt  }
0x5e: {  	_ =	shalt  }
0x5f: {  	_ =	shalt  }
0x60: {  	_ =	shalt  }
0x61: {  	_ =	shalt  }
0x62: {  	_ =	shalt  }
0x63: {  	_ =	shalt  }
0x64: {  	_ =	shalt  }
0x65: {  	_ =	shalt  }
0x66: {  	_ =	shalt  }
0x67: {  	_ =	shalt  }
0x68: {  	_ =	shalt  }
0x69: {  	_ =	shalt  }
0x6a: {  	_ =	shalt  }
0x6b: {  	_ =	shalt  }
0x6c: {  	_ =	shalt  }
0x6d: {  	_ =	shalt  }
0x6e: {  	_ =	shalt  }
0x6f: {  	_ =	shalt  }
0x70: {  	_ =	shalt  }
0x71: {  	_ =	shalt  }
0x72: {  	_ =	shalt  }
0x73: {  	_ =	shalt  }
0x74: {  	_ =	shalt  }
0x75: {  	_ =	shalt  }
0x76: {  	_ =	shalt  }
0x77: {  	_ =	shalt  }
0x78: {  	_ =	shalt  }
0x79: {  	_ =	shalt  }
0x7a: {  	_ =	shalt  }
0x7b: {  	_ =	shalt  }
0x7c: {  	_ =	shalt  }
0x7d: {  	_ =	shalt  }
0x7e: {  	_ =	shalt  }
0x7f: {  	_ =	shalt  }
0x80: {  	_ =	shalt  }
0x81: {  	_ =	shalt  }
0x82: {  	_ =	shalt  }
0x83: {  	_ =	shalt  }
0x84: {  	_ =	shalt  }
0x85: {  	_ =	shalt  }
0x86: {  	_ =	shalt  }
0x87: {  	_ =	shalt  }
.Lfunc_end0:
.L_simem_size_0:
called_computation.3_lowered:
.L_overlay_start_0:
0x88: {  	s2 =	sld [smem:$0x3FD9]  }
0x89: {  	s3 =	sld [smem:$0x3FFE];
	_ =	sdelay $0x1  }
0x8a: {  	s1 =	srdreg.scid  }
0x8b: {  	s0 =	sand.u32 $0x1, s1  }
0x8c: {  	s17 =	sshll.u32 s0, $0xA;
	s2 =	sadd.s32 s3, s2  }
0x8d: {  	s2 =	sadd.s32 s2, s17  }
0x8e: {  	[smem:$0x3FBC] =	sst s2  }
0x8f: {  	_ = 	snop  }
0x90: {  	s2 =	sld [smem:$0x3FD0];
	(tm) =	ssettm $0x1  }
0x91: {  	s18 =	sld [smem:$0x3FFB];
	_ =	sdelay $0x3  }
0x92: {  	_ =	strace s18  }
0x93: {  	s3 =	sld [smem:$0x3FFC];
	_ =	sdelay $0x3  }
0x94: {  	_ =	strace s3  }
0x95: {  	s3 =	sld [smem:$0x3FFD];
	_ =	sdelay $0x3  }
0x96: {  	_ =	strace s3  }
0x97: {  	_ =	strace $0x8FFFFFFF  }
0x98: {  	s19 =	sld [smem:$0x3FDB];
	_ =	sdelay $0x1  }
0x99: {  	s4 =	simm.s32 $_scs_section_size  }
0x9a: {  	s5 =	simm.s32 $_size__tile_overlayer_lowered;
	s6 =	simm.s32 $_tile_overlayer_lowered  }
0x9b: {  	s22 =	simm.s32 $0x1BFF;
	s21 =	sshll.u32 s6, $0x1;
	s3 =	sadd.s32 s4, s19  }
0x9c: {  	s7 =	simm.s32 $0x0;
	s20 =	sshll.u32 s5, $0x1;
	s5 =	sadd.s32 s21, s3  }
0x9d: {  	[timem:s7], [sflag:s22] =	dma.local [hbm:s5], s20  }
0x9e: {  	_ =	swait.ge [sflag:s22], s20  }
0x9f: {  	s4 =	ssub.s32 $0x0, s20;
	[sflag:s22] =	ssyncset.done $0x0  }
0xa0: {  	[sflag:s22] =	ssyncadd.s32 s4;
	_ =	sdelay $0x1  }
0xa1: {  	s23 =	simm.s32 $0x1B8B  }
0xa2: {  	_ =	swait.ge [sflag:s23], $0x1  }
0xa3: {  	[sflag:s23] =	ssyncset.done $0x0  }
0xa4: {  	s25 =	simm.s32 $0x1B8E;
	s24 =	sld [smem:$0x3FFE];
	[sflag:s23] =	ssyncadd.s32 $0xFFFFFFFF  }
0xa5: {  	s26 =	simm.s32 $execute0_lowered;
	[smem:$0x3FD2] =	sst s25  }
0xa6: {  	s5 =	sshll.u32 s26, $0x1;
	_ =	strace $0x8000004F;
	[dreg:$0x1] =	wrdreg $0xFFFFFFFF  }
0xa7: {  	s28 =	simm.s32 $_size_execute0_lowered;
	s3 =	sadd.s32 s3, s5;
	[dreg:$0x0] =	wrdreg $0x0  }
0xa8: {  	s5 =	sshll.u32 s28, $0x1;
	[dreg:$0x2] =	wrdreg s3  }
0xa9: {  	[dreg:$0x3] =	wrdreg s5  }
0xaa: {  	[dreg:$0x4] =	wrdreg $0xC0  }
0xab: {  	_ =	task [dreg:s7], $0x5FFFF  }
0xac: {  	[dreg:$0x1] =	wrdreg $0xFFFFFFFF  }
0xad: {  	[dreg:$0x0] =	wrdreg $0x60  }
0xae: {  	[dreg:$0x2] =	wrdreg s24  }
0xaf: {  	[dreg:$0x3] =	wrdreg s2  }
0xb0: {  	[dreg:$0x4] =	wrdreg $0x0  }
0xb1: {  	[dreg:$0x5] =	wrdreg $0x9  }
0xb2: {  	_ =	task.clear_ibuf [dreg:s7], $0x6FFFF;
	_ =	strace $0x9000004F  }
0xb3: {  	s29 =	simm.s32 $0x9;
	_ =	strace $0x80000051  }
0xb4: {  	_ =	swait.ge [sflag:s29], $0x1  }
0xb5: {  	[sflag:s29] =	ssyncadd.s32 $0xFFFFFFFF  }
0xb6: {  	_ =	strace $0x90000051  }
0xb7: {  	_ =	sfence  }
0xb8: {  	s30 =	sld [smem:$0x0];
	_ =	sdelay $0x2  }
0xb9: {  	s31 =	sshll.u32 s1, $0xD;
	s1 =	sshrl.u32 s1, $0x2  }
0xba: {  	s3 =	sand.u32 $0x4000, s31;
	s1 =	sadd.s32 s1, s30  }
0xbb: {  	s0 =	sor.u32 s3, s0;
	s1 =	sshll.u32 s1, $0x11  }
0xbc: {  	s0 =	sor.u32 s1, s0  }
0xbd: {  	s0 =	sadd.s32 $0x8F2B, s0  }
0xbe: {  	[sflag:s0] =	ssyncadd.remote.s32 $0x1  }
0xbf: {  	_ =	sfence.sel $0xFFFF  }
0xc0: {  	[dreg:$0x0] =	wrdreg $0xFFFFFFFF;
	(pc) =	sbr.abs _section_cstart, $3  }
0xc1: {  	[dreg:$0x1] =	wrdreg $0xFFFFFFFF  }
0xc2: {  	_ =	task.clear_ibuf [dreg:s7], $0x2FFFF;
	_ =	strace $0x9FFFFFFF  }
0xc3: {  	(tm) =	ssettm $0x7FFFFFFF  }
tec
execute0_lowered:
.L_overlay_start_1:
0x0: {  	(tag) =	ssettag $0x1  }
0x1: {  	s5 =	rddreg [dreg:$0x0]  }
0x2: {  	s10 =	rddreg [dreg:$0x1]  }
0x3: {  	s2 =	rddreg [dreg:$0x2]  }
0x4: {  	s0 =	rddreg [dreg:$0x3];
	s1 =	stileid.u32  }
0x5: {  	s4 =	srdreg.scid;
	s3 =	simm.s32 $0x0;
	s16 =	simm.s32 $0x15400  }
0x6: {  	s17 =	simm.s32 $0x80;
	s18 =	simm.s32 $0x16800;
	s19 =	simm.s32 $0x1  }
0x7: {  	s20 =	simm.s32 $0x1A800;
	s21 =	simm.s32 $0x2;
	s22 =	simm.s32 $0x15380  }
0x8: {  	s6 =	smul.u32 $0x14000, s1;
	s7 =	sand.u32 $0x1, s4;
	[smem:$0x7FF] =	sst s3  }
0x9: {  	s4 =	sadd.s32 $0x36600, s5;
	s11 =	sadd.s32 $0x2C600, s5;
	s12 =	smul.u32 $0x50000, s1  }
0xa: {  	s30 =	sshll.u32 s1, $0x6;
	s8 =	smul.u32 $0x140000, s7;
	_ =	strace $0x80000050  }
0xb: {  	s23 =	sshll.u32 s7, $0x4;
	s24 =	ssub.s32 $0x2, s7;
	s9 =	sshrl.u32 s6, $0x3  }
0xc: {  	s25 =	sor.u32 s1, s23;
	s7 =	sshrl.u32 s24, $0x1;
	s26 =	sshrl.u32 s12, $0x2  }
0xd: {  	s23 =	simm.s32 $0x16700;
	s9 =	sadd.s32 s9, s5;
	s6 =	sadd.s32 s6, s8  }
0xe: {  	s28 =	smul.u32 $0x2800, s25;
	s14 =	ssub.s32 s24, s7;
	s15 =	sadd.s32 s26, s2  }
0xf: {  	s29 =	smul.u32 $0x500, s25;
	s24 =	simm.s32 $0x16780;
	s6 =	sshrl.u32 s6, $0x3  }
0x10: {  	s25 =	simm.s32 $0x0;
	s13 =	sadd.s32 s6, s5;
	s31 =	sshrl.u32 s28, $0x3  }
0x11: {  	s5 =	sadd.s32 $0x3E00, s9;
	s6 =	sor.u32 $0x1C03, s30;
	s12 =	sadd.s32 $0x280, s31  }
0x12: {  	s7 =	sadd.s32 s11, s29;
	s8 =	sadd.s32 s10, s29;
	s9 =	sadd.s32 s11, s12  }
0x13: {  	s10 =	sadd.s32 s10, s12;
	s11 =	sadd.s32 $0x5E600, s13;
	s12 =	smax.u32 s14, $0x1  }
0x14: {  	s13 =	sshrl.u32 s15, $0x3;
	s14 =	simm.s32 $0x3;
	s15 =	simm.s32 $0x14000  }
.LBB2_1:
0x15: {  	[spmem:s13], [sflag:s6] =	dma.local [hbm:s5], $0x2800  }
0x16: {  	_ =	swait.ge [sflag:s14], $0x2800  }
0x17: {  	[sflag:s14] =	ssyncset.done $0x0  }
0x18: {  	[sflag:s14] =	ssyncadd.s32 $0xFFFFD800  }
0x19: {  	[bflag:$0x0] =	sbarrier.arrive $0xFFFF  }
0x1a: {  	[tilespmem:s15], [sflag:$0x3] =	stream.linear.gather [hbm4b:s7+s3], $0x1400, $0x38;
	[tilespmem:$0x1E800] =	vst v63  }
0x1b: {  	_ =	swait.ge [sflag:s14], $0x1400  }
0x1c: {  	[sflag:s14] =	ssyncset.done $0x0  }
0x1d: {  	[sflag:s14] =	ssyncadd.s32 $0xFFFFEC00  }
0x1e: {  	[tilespmem:s16], [sflag:$0x3] =	stream.linear.gather [hbm4b:s8+s3], $0x1400, $0x38;
	[tilespmem:$0x1E800] =	vst v63  }
0x1f: {  	_ =	swait.ge [sflag:s14], $0x1400  }
0x20: {  	[sflag:s14] =	ssyncset.done $0x0  }
0x21: {  	[sflag:s14] =	ssyncadd.s32 $0xFFFFEC00  }
0x22: {  	[tilespmem:s18], [sflag:$0x1] =	stream.indirect.gather [hbm4b:s4+s17], $0x80, s15, s17, $0xb8;
	[tilespmem:$0x1E800] =	vst v63  }
0x23: {  	_ =	swait.ge [sflag:s19], $0x4000  }
0x24: {  	[sflag:s19] =	ssyncset.done $0x0  }
0x25: {  	s26 =	simm.s32 $0x14080;
	[sflag:s19] =	ssyncadd.s32 $0xFFFFC000  }
0x26: {  	[tilespmem:s20], [sflag:$0x2] =	stream.indirect.gather [hbm4b:s4+s17], $0x80, s26, s17, $0xb8;
	[tilespmem:$0x1E800] =	vst v63  }
0x27: {  	s29 =	simm.s32 $0x15400  }
0x28: {  	[spmem:s2] =	stream.indirect.scatter.add.f32 [tilespmem:s18], [sflag:$0x3], $0x80, s29, s17, $0xb8;
	[tilespmem:$0x1E800] =	vst v63  }
0x29: {  	_ =	swait.ge [sflag:s14], $0x4000  }
0x2a: {  	[sflag:s14] =	ssyncset.done $0x0  }
0x2b: {  	[sflag:s14] =	ssyncadd.s32 $0xFFFFC000  }
0x2c: {  	_ =	swait.ge [sflag:s21], $0x4000  }
0x2d: {  	[sflag:s21] =	ssyncset.done $0x0  }
0x2e: {  	s30 =	simm.s32 $0x14100;
	[sflag:s21] =	ssyncadd.s32 $0xFFFFC000  }
0x2f: {  	[tilespmem:s18], [sflag:$0x1] =	stream.indirect.gather [hbm4b:s4+s17], $0x80, s30, s17, $0xb8;
	[tilespmem:$0x1E800] =	vst v63  }
0x30: {  	s31 =	simm.s32 $0x15480  }
0x31: {  	[spmem:s2] =	stream.indirect.scatter.add.f32 [tilespmem:s20], [sflag:$0x3], $0x80, s31, s17, $0xb8;
	[tilespmem:$0x1E800] =	vst v63  }
0x32: {  	_ =	swait.ge [sflag:s14], $0x4000  }
0x33: {  	s26 =	simm.s32 $0x400;
	[sflag:s14] =	ssyncset.done $0x0  }
.LBB2_2:
0x34: {  	p0 =	sne.s32 s26, $0x4800  }
0x35: {  	[sflag:s14] =	ssyncadd.s32 $0xFFFFC000;
	s28 =	smov.u32 s26;
	s26 =	sadd.s32 $0x400, s26  }
0x36: {  	_ = 	snop  }
0x37: {  	_ =	swait.ge [sflag:s19], $0x4000  }
0x38: {  	s28 =	sshra.s32 s28, $0x2;
	[sflag:s19] =	ssyncset.done $0x0  }
0x39: {  	s29 =	sadd.s32 $0x14080, s28;
	[sflag:s19] =	ssyncadd.s32 $0xFFFFC000  }
0x3a: {  	[tilespmem:s20], [sflag:$0x2] =	stream.indirect.gather [hbm4b:s4+s17], $0x80, s29, s17, $0xb8;
	[tilespmem:$0x1E800] =	vst v63  }
0x3b: {  	s29 =	sadd.s32 $0x15400, s28  }
0x3c: {  	[spmem:s2] =	stream.indirect.scatter.add.f32 [tilespmem:s18], [sflag:$0x3], $0x80, s29, s17, $0xb8;
	[tilespmem:$0x1E800] =	vst v63  }
0x3d: {  	_ =	swait.ge [sflag:s14], $0x4000  }
0x3e: {  	[sflag:s14] =	ssyncset.done $0x0  }
0x3f: {  	[sflag:s14] =	ssyncadd.s32 $0xFFFFC000  }
0x40: {  	_ =	swait.ge [sflag:s21], $0x4000  }
0x41: {  	[sflag:s21] =	ssyncset.done $0x0  }
0x42: {  	s29 =	sadd.s32 $0x14100, s28;
	[sflag:s21] =	ssyncadd.s32 $0xFFFFC000  }
0x43: {  	[tilespmem:s18], [sflag:$0x1] =	stream.indirect.gather [hbm4b:s4+s17], $0x80, s29, s17, $0xb8;
	[tilespmem:$0x1E800] =	vst v63  }
.Ltmp0:
0x44: {  	_ = 	snop;
	(pc) =	sbr.rel @p0 .LBB2_2-.Ltmp0, $4  }
0x45: {  	s28 =	sadd.s32 $0x15480, s28  }
0x46: {  	[spmem:s2] =	stream.indirect.scatter.add.f32 [tilespmem:s20], [sflag:$0x3], $0x80, s28, s17, $0xb8;
	[tilespmem:$0x1E800] =	vst v63  }
0x47: {  	_ =	swait.ge [sflag:s14], $0x4000  }
0x48: {  	[sflag:s14] =	ssyncset.done $0x0  }
0x49: {  	[sflag:s14] =	ssyncadd.s32 $0xFFFFC000  }
0x4a: {  	_ =	swait.ge [sflag:s19], $0x4000  }
0x4b: {  	[sflag:s19] =	ssyncset.done $0x0  }
0x4c: {  	[sflag:s19] =	ssyncadd.s32 $0xFFFFC000  }
0x4d: {  	[tilespmem:s20], [sflag:$0x2] =	stream.indirect.gather [hbm4b:s4+s17], $0x80, s22, s17, $0xb8;
	[tilespmem:$0x1E800] =	vst v63  }
0x4e: {  	_ = 	snop  }
0x4f: {  	[spmem:s2] =	stream.indirect.scatter.add.f32 [tilespmem:s18], [sflag:$0x3], $0x80, s23, s17, $0xb8;
	[tilespmem:$0x1E800] =	vst v63  }
0x50: {  	_ =	swait.ge [sflag:s14], $0x4000  }
0x51: {  	[sflag:s14] =	ssyncset.done $0x0  }
0x52: {  	[sflag:s14] =	ssyncadd.s32 $0xFFFFC000  }
0x53: {  	_ =	swait.ge [sflag:s21], $0x4000  }
0x54: {  	[sflag:s21] =	ssyncset.done $0x0  }
0x55: {  	[sflag:s21] =	ssyncadd.s32 $0xFFFFC000  }
0x56: {  	[spmem:s2] =	stream.indirect.scatter.add.f32 [tilespmem:s20], [sflag:$0x3], $0x80, s24, s17, $0xb8;
	[tilespmem:$0x1E800] =	vst v63  }
0x57: {  	_ =	swait.ge [sflag:s14], $0x4000  }
0x58: {  	[sflag:s14] =	ssyncset.done $0x0  }
0x59: {  	s26 =	simm.s32 $0x0;
	[sflag:s14] =	ssyncadd.s32 $0xFFFFC000  }
0x5a: {  	[tilespmem:s15], [sflag:$0x3] =	stream.linear.gather [hbm4b:s9+s26], $0x1400, $0x38;
	[tilespmem:$0x1E800] =	vst v63  }
0x5b: {  	_ =	swait.ge [sflag:s14], $0x1400  }
0x5c: {  	[sflag:s14] =	ssyncset.done $0x0  }
0x5d: {  	[sflag:s14] =	ssyncadd.s32 $0xFFFFEC00  }
0x5e: {  	[tilespmem:s16], [sflag:$0x3] =	stream.linear.gather [hbm4b:s10+s26], $0x1400, $0x38;
	[tilespmem:$0x1E800] =	vst v63  }
0x5f: {  	_ =	swait.ge [sflag:s14], $0x1400  }
0x60: {  	[sflag:s14] =	ssyncset.done $0x0  }
0x61: {  	[sflag:s14] =	ssyncadd.s32 $0xFFFFEC00  }
0x62: {  	[tilespmem:s18], [sflag:$0x1] =	stream.indirect.gather [hbm4b:s4+s17], $0x80, s15, s17, $0xb8;
	[tilespmem:$0x1E800] =	vst v63  }
0x63: {  	_ =	swait.ge [sflag:s19], $0x4000  }
0x64: {  	[sflag:s19] =	ssyncset.done $0x0  }
0x65: {  	s28 =	simm.s32 $0x14080;
	[sflag:s19] =	ssyncadd.s32 $0xFFFFC000  }
0x66: {  	[tilespmem:s20], [sflag:$0x2] =	stream.indirect.gather [hbm4b:s4+s17], $0x80, s28, s17, $0xb8;
	[tilespmem:$0x1E800] =	vst v63  }
0x67: {  	s29 =	simm.s32 $0x15400  }
0x68: {  	[spmem:s2] =	stream.indirect.scatter.add.f32 [tilespmem:s18], [sflag:$0x3], $0x80, s29, s17, $0xb8;
	[tilespmem:$0x1E800] =	vst v63  }
0x69: {  	_ =	swait.ge [sflag:s14], $0x4000  }
0x6a: {  	[sflag:s14] =	ssyncset.done $0x0  }
0x6b: {  	[sflag:s14] =	ssyncadd.s32 $0xFFFFC000  }
0x6c: {  	_ =	swait.ge [sflag:s21], $0x4000  }
0x6d: {  	[sflag:s21] =	ssyncset.done $0x0  }
0x6e: {  	s30 =	simm.s32 $0x14100;
	[sflag:s21] =	ssyncadd.s32 $0xFFFFC000  }
0x6f: {  	[tilespmem:s18], [sflag:$0x1] =	stream.indirect.gather [hbm4b:s4+s17], $0x80, s30, s17, $0xb8;
	[tilespmem:$0x1E800] =	vst v63  }
0x70: {  	s31 =	simm.s32 $0x15480  }
0x71: {  	[spmem:s2] =	stream.indirect.scatter.add.f32 [tilespmem:s20], [sflag:$0x3], $0x80, s31, s17, $0xb8;
	[tilespmem:$0x1E800] =	vst v63  }
0x72: {  	_ =	swait.ge [sflag:s14], $0x4000  }
0x73: {  	s26 =	simm.s32 $0x400;
	[sflag:s14] =	ssyncset.done $0x0  }
.LBB2_4:
0x74: {  	p0 =	sne.s32 s26, $0x4800  }
0x75: {  	[sflag:s14] =	ssyncadd.s32 $0xFFFFC000;
	s28 =	smov.u32 s26;
	s26 =	sadd.s32 $0x400, s26  }
0x76: {  	_ = 	snop  }
0x77: {  	_ =	swait.ge [sflag:s19], $0x4000  }
0x78: {  	s28 =	sshra.s32 s28, $0x2;
	[sflag:s19] =	ssyncset.done $0x0  }
0x79: {  	s29 =	sadd.s32 $0x14080, s28;
	[sflag:s19] =	ssyncadd.s32 $0xFFFFC000  }
0x7a: {  	[tilespmem:s20], [sflag:$0x2] =	stream.indirect.gather [hbm4b:s4+s17], $0x80, s29, s17, $0xb8;
	[tilespmem:$0x1E800] =	vst v63  }
0x7b: {  	s29 =	sadd.s32 $0x15400, s28  }
0x7c: {  	[spmem:s2] =	stream.indirect.scatter.add.f32 [tilespmem:s18], [sflag:$0x3], $0x80, s29, s17, $0xb8;
	[tilespmem:$0x1E800] =	vst v63  }
0x7d: {  	_ =	swait.ge [sflag:s14], $0x4000  }
0x7e: {  	[sflag:s14] =	ssyncset.done $0x0  }
0x7f: {  	[sflag:s14] =	ssyncadd.s32 $0xFFFFC000  }
0x80: {  	_ =	swait.ge [sflag:s21], $0x4000  }
0x81: {  	[sflag:s21] =	ssyncset.done $0x0  }
0x82: {  	s29 =	sadd.s32 $0x14100, s28;
	[sflag:s21] =	ssyncadd.s32 $0xFFFFC000  }
0x83: {  	[tilespmem:s18], [sflag:$0x1] =	stream.indirect.gather [hbm4b:s4+s17], $0x80, s29, s17, $0xb8;
	[tilespmem:$0x1E800] =	vst v63  }
.Ltmp1:
0x84: {  	_ = 	snop;
	(pc) =	sbr.rel @p0 .LBB2_4-.Ltmp1, $4  }
0x85: {  	s28 =	sadd.s32 $0x15480, s28  }
0x86: {  	[spmem:s2] =	stream.indirect.scatter.add.f32 [tilespmem:s20], [sflag:$0x3], $0x80, s28, s17, $0xb8;
	[tilespmem:$0x1E800] =	vst v63  }
0x87: {  	_ =	swait.ge [sflag:s14], $0x4000  }
0x88: {  	[sflag:s14] =	ssyncset.done $0x0  }
0x89: {  	[sflag:s14] =	ssyncadd.s32 $0xFFFFC000  }
0x8a: {  	_ =	swait.ge [sflag:s19], $0x4000  }
0x8b: {  	[sflag:s19] =	ssyncset.done $0x0  }
0x8c: {  	[sflag:s19] =	ssyncadd.s32 $0xFFFFC000  }
0x8d: {  	[tilespmem:s20], [sflag:$0x2] =	stream.indirect.gather [hbm4b:s4+s17], $0x80, s22, s17, $0xb8;
	[tilespmem:$0x1E800] =	vst v63  }
0x8e: {  	_ = 	snop  }
0x8f: {  	[spmem:s2] =	stream.indirect.scatter.add.f32 [tilespmem:s18], [sflag:$0x3], $0x80, s23, s17, $0xb8;
	[tilespmem:$0x1E800] =	vst v63  }
0x90: {  	_ =	swait.ge [sflag:s14], $0x4000  }
0x91: {  	[sflag:s14] =	ssyncset.done $0x0  }
0x92: {  	[sflag:s14] =	ssyncadd.s32 $0xFFFFC000  }
0x93: {  	_ =	swait.ge [sflag:s21], $0x4000  }
0x94: {  	[sflag:s21] =	ssyncset.done $0x0  }
0x95: {  	[sflag:s21] =	ssyncadd.s32 $0xFFFFC000  }
0x96: {  	[spmem:s2] =	stream.indirect.scatter.add.f32 [tilespmem:s20], [sflag:$0x3], $0x80, s24, s17, $0xb8;
	[tilespmem:$0x1E800] =	vst v63  }
0x97: {  	_ =	swait.ge [sflag:s14], $0x4000  }
0x98: {  	s25 =	sadd.s32 $0x1, s25;
	[sflag:s14] =	ssyncset.done $0x0  }
0x99: {  	p0 =	sne.s32 s25, s12;
	[sflag:s14] =	ssyncadd.s32 $0xFFFFC000  }
.Ltmp2:
0x9a: {  	[bflag:$0x0] =	sbarrier.arrive $0xFFFF;
	(pc) =	sbr.rel @p0 .LBB2_1-.Ltmp2, $4  }
0x9b: {  	[hbm:s11], [sflag:s6] =	dma.local [spmem:s13], $0x2800  }
0x9c: {  	_ =	swait.ge [sflag:s14], $0x2800  }
0x9d: {  	[sflag:s14] =	ssyncset.done $0x0  }
0x9e: {  	[sflag:s14] =	ssyncadd.s32 $0xFFFFD800  }
0x9f: {  	_ =	sfence.sel $0x180000  }
0xa0: {  	[bflag:$0x0] =	sbarrier.arrive $0xFFFF  }
0xa1: {  	p0 =	sne.s32 s1, $0x0;
	_ =	strace $0x90000050  }
0xa2: {  	s0 =	sadd.s32 @!p0 $0x100000, s0;
	[bflag:$0x2] =	sbarrier.arrive $0xFFFF  }
0xa3: {  	[sflag:s0] =	ssyncadd.tile.s32 @!p0 $0x1;
	_ =	shalt  }
.Lfunc_end2:
_tile_overlayer_lowered:
.L_overlay_start_2:
0xa4: {  	(tag) =	ssettag $0x2  }
0xa5: {  	s0 =	rddreg [dreg:$0x0];
	s2 =	stileid.u32  }
0xa6: {  	s1 =	rddreg [dreg:$0x1];
	p0 =	sne.s32 s2, $0x0  }
0xa7: {  	s3 =	rddreg [dreg:$0x2];
	[bflag:$0x3] =	sbarrier.arrive $0xFFFF;
	s2 =	simm.s32 @!p0 $0x1C03  }
0xa8: {  	[timem:s3], [sflag:s2] =	dma.local @!p0 [hbm:s0], s1  }
0xa9: {  	s0 =	simm.s32 @!p0 $0x3  }
0xaa: {  	_ =	swait.ge @!p0 [sflag:s0], s1  }
0xab: {  	s1 =	ssub.s32 @!p0 $0x0, s1;
	[sflag:s0] =	ssyncset.done @!p0 $0x0  }
0xac: {  	[sflag:s0] =	ssyncadd.s32 @!p0 s1  }
0xad: {  	[bflag:$0x3] =	sbarrier.arrive $0xFFFF  }
0xae: {  	_ =	shalt  }

</sc_bundles>
